<compile_context>
chip_gen: v7x
topology: tpu7x:2x2x1
jax: 0.10.2.dev20260603
libtpu: 0.0.44.dev20260713+nightly
codegen_flags: <defaults>
</compile_context>

<pallas_src>
import functools

import jax
import jax.numpy as jnp
from jax import lax
from jax.experimental import pallas as pl
from jax.experimental.pallas import tpu as pltpu
from jax.experimental.pallas import tpu_sc as plsc

N = 10000
E = 320000
HID = 128
NCLS = 10
L = 4

SC_CORES = 2
SC_SUBCORES = 16
NW = SC_CORES * SC_SUBCORES
CH = 128
CPW = 80
SLAB = CPW // 2
EPAD = NW * CPW * CH
NACC = N + 16
WB = 624
WB_TAIL_BASE = WB * SC_SUBCORES
WB_TAIL = N - WB_TAIL_BASE


def _sc_agg_body(h_hbm, src_hbm, dst_hbm, zeros_hbm, out_hbm,
                 acc_sh, src_sl, dst_sl, rows0, rows1, sem0, sem1):
    c = lax.axis_index("c")
    s = lax.axis_index("s")
    w = c * SC_SUBCORES + s
    chunk0 = w * CPW

    def _gather(i, buf, sem):
        pltpu.async_copy(h_hbm.at[src_sl.at[i, pl.ds(0, CH // 2)]],
                         buf.at[pl.ds(0, CH // 2)], sem)
        pltpu.async_copy(h_hbm.at[src_sl.at[i, pl.ds(CH // 2, CH // 2)]],
                         buf.at[pl.ds(CH // 2, CH // 2)], sem)

    pltpu.sync_copy(zeros_hbm, acc_sh.at[pl.ds(s * WB, WB)])

    @pl.when(s == 0)
    def _():
        pltpu.sync_copy(zeros_hbm.at[pl.ds(0, WB_TAIL + 16)],
                        acc_sh.at[pl.ds(WB_TAIL_BASE, WB_TAIL + 16)])

    plsc.subcore_barrier()

    @pl.loop(0, 2)
    def _(p):
        pltpu.sync_copy(src_hbm.at[pl.ds(chunk0 + p * SLAB, SLAB)], src_sl)
        pltpu.sync_copy(dst_hbm.at[pl.ds(chunk0 + p * SLAB, SLAB)], dst_sl)
        _gather(0, rows0, sem0)
        _gather(1, rows1, sem1)

        @pl.loop(0, SLAB, step=2)
        def _(i):
            pltpu.make_async_copy(h_hbm.at[src_sl.at[i]], rows0, sem0).wait()
            pltpu.sync_copy(rows0, acc_sh.at[dst_sl.at[i]], add=True)

            @pl.when(i + 2 < SLAB)
            def _():
                _gather(i + 2, rows0, sem0)

            pltpu.make_async_copy(h_hbm.at[src_sl.at[i + 1]], rows1, sem1).wait()
            pltpu.sync_copy(rows1, acc_sh.at[dst_sl.at[i + 1]], add=True)

            @pl.when(i + 3 < SLAB)
            def _():
                _gather(i + 3, rows1, sem1)

    plsc.subcore_barrier()
    pltpu.sync_copy(acc_sh.at[pl.ds(s * WB, WB)],
                    out_hbm.at[c, pl.ds(s * WB, WB)])

    @pl.when(s == 0)
    def _():
        pltpu.sync_copy(acc_sh.at[pl.ds(WB_TAIL_BASE, WB_TAIL)],
                        out_hbm.at[c, pl.ds(WB_TAIL_BASE, WB_TAIL)])


@functools.cache
def _sc_aggregate_fn():
    return pl.kernel(
        _sc_agg_body,
        out_type=jax.ShapeDtypeStruct((SC_CORES, N, HID), jnp.float32),
        mesh=plsc.VectorSubcoreMesh(core_axis_name="c", subcore_axis_name="s",
                                    num_cores=SC_CORES,
                                    num_subcores=SC_SUBCORES),
        scratch_types=[
            pltpu.VMEM_SHARED((NACC, HID), jnp.float32),
            pltpu.VMEM((SLAB, CH), jnp.int32),
            pltpu.VMEM((SLAB, CH), jnp.int32),
            pltpu.VMEM((CH, HID), jnp.float32),
            pltpu.VMEM((CH, HID), jnp.float32),
            pltpu.SemaphoreType.DMA,
            pltpu.SemaphoreType.DMA,
        ],
    )


def _enc_body(h_ref, w_ref, b_ref, out_ref, cs_ref):
    z = jnp.dot(h_ref[...], w_ref[...],
                preferred_element_type=jnp.float32) + b_ref[...]
    out_ref[...] = z
    cs_ref[...] = jnp.sum(z, axis=0, keepdims=True)


_encoder = pl.pallas_call(
    _enc_body,
    out_shape=[
        jax.ShapeDtypeStruct((N, HID), jnp.float32),
        jax.ShapeDtypeStruct((1, HID), jnp.float32),
    ],
)


def _bn_cols(z, g, b):
    mu = jnp.mean(z, axis=0, keepdims=True)
    var = jnp.mean((z - mu) * (z - mu), axis=0, keepdims=True)
    return g * (z - mu) * lax.rsqrt(var + 1e-5) + b


def _layer_body(h_ref, agg_ref, w1_ref, b1_ref, g1_ref, be1_ref,
                w2_ref, b2_ref, gl_ref, bel_ref, out_ref, cs_ref):
    h = h_ref[...]
    hh = h + agg_ref[0] + agg_ref[1]
    z = jnp.dot(hh, w1_ref[...], preferred_element_type=jnp.float32) + b1_ref[...]
    z = jnp.maximum(_bn_cols(z, g1_ref[...], be1_ref[...]), 0.0)
    z = jnp.dot(z, w2_ref[...], preferred_element_type=jnp.float32) + b2_ref[...]
    z = jnp.maximum(_bn_cols(z, gl_ref[...], bel_ref[...]), 0.0)
    hout = h + z
    out_ref[...] = hout
    cs_ref[...] = jnp.sum(hout, axis=0, keepdims=True)


_gin_layer = pl.pallas_call(
    _layer_body,
    out_shape=[
        jax.ShapeDtypeStruct((N, HID), jnp.float32),
        jax.ShapeDtypeStruct((1, HID), jnp.float32),
    ],
)


def _readout_body(cs_ref, wp_ref, bp_ref, out_ref):
    acc = jnp.zeros((1, NCLS), jnp.float32)
    for i in range(L + 1):
        acc = acc + jnp.dot(cs_ref[i:i + 1, :] * (1.0 / N), wp_ref[i],
                            preferred_element_type=jnp.float32)
        acc = acc + bp_ref[i:i + 1, :]
    out_ref[...] = acc


_readout = pl.pallas_call(
    _readout_body,
    out_shape=jax.ShapeDtypeStruct((1, NCLS), jnp.float32),
)


def kernel(h, edge_index, e, W_enc, b_enc, W1, b1, g1, be1, W2, b2,
           gL, beL, Wp, bp):
    del e
    npad = EPAD - E
    fill = (jnp.arange(npad, dtype=jnp.int32) % 16)
    src = jnp.concatenate([edge_index[0].astype(jnp.int32), fill])
    dst = jnp.concatenate([edge_index[1].astype(jnp.int32), N + fill])
    src = src.reshape(NW * CPW, CH)
    dst = dst.reshape(NW * CPW, CH)
    zeros = jnp.zeros((WB, HID), jnp.float32)

    hcur, cs = _encoder(h, W_enc, b_enc.reshape(1, HID))
    colsums = [cs]
    for i in range(L):
        agg = _sc_aggregate_fn()(hcur, src, dst, zeros)
        hcur, cs = _gin_layer(
            hcur, agg, W1[i], b1[i].reshape(1, HID), g1[i].reshape(1, HID),
            be1[i].reshape(1, HID), W2[i], b2[i].reshape(1, HID),
            gL[i].reshape(1, HID), beL[i].reshape(1, HID))
        colsums.append(cs)
    cs_all = jnp.concatenate(colsums, axis=0)
    return _readout(cs_all, Wp, bp)

# --- scband reference (transcript-rebuilt; emitter-appended) ---
"""Pipeline reference for scband-ginnet-8418135900211 (READ-ONLY COPY).

The authoritative reference and input builder live on the scoring server;
editing this copy changes nothing except your own understanding.
"""

import jax, jax.numpy as jnp
import numpy as np

N = 10000
E = 320000
IND = 128
HID = 128
NC = 10
L = 4


def setup_inputs(seed: int = 0) -> dict:
    key = jax.random.key(seed)
    ks = jax.random.split(key, 16)
    h = jax.random.normal(ks[0], (N, IND), dtype=jnp.float32)
    edge_index = jax.random.randint(ks[1], (2, E), 0, N, dtype=jnp.int64) if jax.config.jax_enable_x64 else jax.random.randint(ks[1], (2, E), 0, N).astype(jnp.int32)
    e = jax.random.normal(ks[2], (E, 4), dtype=jnp.float32)
    W_enc = jax.random.normal(ks[3], (IND, HID), dtype=jnp.float32) * (1.0 / np.sqrt(IND))
    b_enc = jnp.zeros((HID,), jnp.float32)
    W1 = jax.random.normal(ks[4], (L, HID, HID), dtype=jnp.float32) * (1.0 / np.sqrt(HID))
    b1 = jnp.zeros((L, HID), jnp.float32)
    W2 = jax.random.normal(ks[5], (L, HID, HID), dtype=jnp.float32) * (1.0 / np.sqrt(HID))
    b2 = jnp.zeros((L, HID), jnp.float32)
    g1 = jnp.ones((L, HID), jnp.float32)
    be1 = jnp.zeros((L, HID), jnp.float32)
    gL = jnp.ones((L, HID), jnp.float32)
    beL = jnp.zeros((L, HID), jnp.float32)
    Wp = jax.random.normal(ks[6], (L + 1, HID, NC), dtype=jnp.float32) * (1.0 / np.sqrt(HID))
    bp = jnp.zeros((L + 1, NC), jnp.float32)
    return {"h": h, "edge_index": edge_index, "e": e, "W_enc": W_enc, "b_enc": b_enc,
            "W1": W1, "b1": b1, "g1": g1, "be1": be1, "W2": W2, "b2": b2,
            "gL": gL, "beL": beL, "Wp": Wp, "bp": bp}


def _bn(x, gamma, beta):
    mu = jnp.mean(x, axis=0)
    var = jnp.var(x, axis=0)
    return gamma * (x - mu) / jnp.sqrt(var + 1e-5) + beta


def reference(h, edge_index, e, W_enc, b_enc, W1, b1, g1, be1, W2, b2, gL, beL, Wp, bp):
    src = edge_index[0]
    dst = edge_index[1]
    # node encoder
    h = h @ W_enc + b_enc
    hidden_rep = [h]
    eps = 0.0  # learn_eps=False, init eps=0
    for i in range(L):
        h_in = h
        # sum aggregation of neighbor features (scatter-add over dst)
        agg = jnp.zeros_like(h).at[dst].add(h[src])
        hh = (1.0 + eps) * h + agg
        # MultiLinearLayer: Linear -> BN -> ReLU -> Linear
        hh = hh @ W1[i] + b1[i]
        hh = _bn(hh, g1[i], be1[i])
        hh = jax.nn.relu(hh)
        hh = hh @ W2[i] + b2[i]
        # GINLayer post: BN, activation, residual (dropout=0)
        hh = _bn(hh, gL[i], beL[i])
        hh = jax.nn.relu(hh)
        hh = h_in + hh  # residual
        h = hh
        hidden_rep.append(h)
    score_over_layer = jnp.zeros((1, NC), jnp.float32)
    for i in range(L + 1):
        hg = jnp.mean(hidden_rep[i], axis=0, keepdims=True)  # mean graph pooling
        score_over_layer = score_over_layer + (hg @ Wp[i] + bp[i])
    return score_over_layer

if __name__ == "__main__":
    import jax
    _d = setup_inputs()
    print(jax.jit(kernel)(*tuple(_d.values())))

</pallas_src>

<mosaic_0001>
#map = affine_map<(d0, d1) -> (0, 0)>
#map1 = affine_map<(d0, d1) -> (0, 0, 0)>
module attributes {stable_mosaic.version = 14 : i64} {
  func.func @_sc_agg_body(%arg0: i32, %arg1: i32, %arg2: memref<10000x128xf32, #tpu.memory_space<hbm>>, %arg3: memref<2560x128xi32, #tpu.memory_space<hbm>>, %arg4: memref<2560x128xi32, #tpu.memory_space<hbm>>, %arg5: memref<624x128xf32, #tpu.memory_space<hbm>>, %arg6: memref<2x10000x128xf32, #tpu.memory_space<hbm>>, %arg7: memref<10016x128xf32, #tpu.memory_space<vmem_shared>>, %arg8: memref<40x128xi32, #tpu.memory_space<vmem>>, %arg9: memref<40x128xi32, #tpu.memory_space<vmem>>, %arg10: memref<128x128xf32, #tpu.memory_space<vmem>>, %arg11: memref<128x128xf32, #tpu.memory_space<vmem>>, %arg12: memref<!tpu.dma_semaphore, #tpu.memory_space<semaphore_mem>>, %arg13: memref<!tpu.dma_semaphore, #tpu.memory_space<semaphore_mem>>) attributes {dimension_semantics = [#tpu.dimension_semantics<core_parallel>, #tpu.dimension_semantics<subcore_parallel>], iteration_bounds = array<i64: 2, 16>, scalar_prefetch = 0 : i64, scratch_operands = 7 : i64, tpu.core_type = #tpu.core_type<sc_vector_subcore>, window_params = [{transform_indices = #map}, {transform_indices = #map}, {transform_indices = #map}, {transform_indices = #map}, {transform_indices = #map1}]} {
    %mul3A = arith.constant 16 : i32
    %mul3A_0 = arith.muli %arg0, %mul3A : i32
    %add3A = arith.addi %mul3A_0, %arg1 : i32
    %mul3A_1 = arith.constant 80 : i32
    %mul3A_2 = arith.muli %add3A, %mul3A_1 : i32
    %mul3A_3 = arith.constant 624 : i32
    %mul3A_4 = arith.muli %arg1, %mul3A_3 : i32
    "tpu.region"() ({
      %run_scoped3A = tpu.sem_alloc : memref<!tpu.dma_semaphore, #tpu.memory_space<semaphore_mem>>
      %dma_start3A = arith.constant 0 : i32
      %dma_start3A_21 = tpu.memref_slice %arg7[%mul3A_4, %dma_start3A] : memref<10016x128xf32, #tpu.memory_space<vmem_shared>> -> memref<624x128xf32, #tpu.memory_space<vmem_shared>>
      tpu.enqueue_dma source(%arg5 : memref<624x128xf32, #tpu.memory_space<hbm>>) target(%dma_start3A_21 : memref<624x128xf32, #tpu.memory_space<vmem_shared>>) target_semaphore(%run_scoped3A : memref<!tpu.dma_semaphore, #tpu.memory_space<semaphore_mem>>)
      %dma_wait3A = arith.constant 0 : i32
      %dma_wait3A_22 = tpu.memref_slice %arg7[%mul3A_4, %dma_wait3A] : memref<10016x128xf32, #tpu.memory_space<vmem_shared>> -> memref<624x128xf32, #tpu.memory_space<vmem_shared>>
      tpu.wait_dma2 semaphore(%run_scoped3A : memref<!tpu.dma_semaphore, #tpu.memory_space<semaphore_mem>>) src(%arg5 : memref<624x128xf32, #tpu.memory_space<hbm>>) dst(%dma_wait3A_22 : memref<624x128xf32, #tpu.memory_space<vmem_shared>>)
      tpu.yield
    }) : () -> ()
    %eq3A = arith.constant 0 : i32
    %eq3A_5 = arith.cmpi eq, %arg1, %eq3A : i32
    %convert_element_type3A = arith.extui %eq3A_5 : i1 to i32
    %cond3A = arith.constant 0 : i32
    %cond3A_6 = arith.cmpi ne, %convert_element_type3A, %cond3A : i32
    scf.if %cond3A_6 {
      "tpu.region"() ({
        %run_scoped3A = tpu.sem_alloc : memref<!tpu.dma_semaphore, #tpu.memory_space<semaphore_mem>>
        %dma_start3A = arith.constant 9984 : i32
        %dma_start3A_21 = arith.constant 0 : i32
        %dma_start3A_22 = tpu.memref_slice %arg7[%dma_start3A, %dma_start3A_21] : memref<10016x128xf32, #tpu.memory_space<vmem_shared>> -> memref<32x128xf32, #tpu.memory_space<vmem_shared>>
        %dma_start3A_23 = arith.constant 0 : i32
        %dma_start3A_24 = arith.constant 0 : i32
        %dma_start3A_25 = tpu.memref_slice %arg5[%dma_start3A_23, %dma_start3A_24] : memref<624x128xf32, #tpu.memory_space<hbm>> -> memref<32x128xf32, #tpu.memory_space<hbm>>
        tpu.enqueue_dma source(%dma_start3A_25 : memref<32x128xf32, #tpu.memory_space<hbm>>) target(%dma_start3A_22 : memref<32x128xf32, #tpu.memory_space<vmem_shared>>) target_semaphore(%run_scoped3A : memref<!tpu.dma_semaphore, #tpu.memory_space<semaphore_mem>>)
        %dma_wait3A = arith.constant 9984 : i32
        %dma_wait3A_26 = arith.constant 0 : i32
        %dma_wait3A_27 = tpu.memref_slice %arg7[%dma_wait3A, %dma_wait3A_26] : memref<10016x128xf32, #tpu.memory_space<vmem_shared>> -> memref<32x128xf32, #tpu.memory_space<vmem_shared>>
        %dma_wait3A_28 = arith.constant 0 : i32
        %dma_wait3A_29 = arith.constant 0 : i32
        %dma_wait3A_30 = tpu.memref_slice %arg5[%dma_wait3A_28, %dma_wait3A_29] : memref<624x128xf32, #tpu.memory_space<hbm>> -> memref<32x128xf32, #tpu.memory_space<hbm>>
        tpu.wait_dma2 semaphore(%run_scoped3A : memref<!tpu.dma_semaphore, #tpu.memory_space<semaphore_mem>>) src(%dma_wait3A_30 : memref<32x128xf32, #tpu.memory_space<hbm>>) dst(%dma_wait3A_27 : memref<32x128xf32, #tpu.memory_space<vmem_shared>>)
        tpu.yield
      }) : () -> ()
    } else {
    }
    %barrier3A = arith.constant 0 : index
    tpu.barrier barrier_id(%barrier3A)
    %scan3A = arith.constant 0 : i32
    %scan3A_7 = arith.constant 2 : i32
    %scan3A_8 = arith.addi %scan3A, %scan3A_7 : i32
    %scan3A_9 = arith.constant 1 : i32
    scf.for %scan3A_21 = %scan3A to %scan3A_8 step %scan3A_9  : i32 {
      %mul3A_22 = arith.constant 1 : i32
      %mul3A_23 = arith.muli %scan3A_21, %mul3A_22 : i32
      %add3A_24 = arith.constant 0 : i32
      %add3A_25 = arith.addi %add3A_24, %mul3A_23 : i32
      %mul3A_26 = arith.constant 40 : i32
      %mul3A_27 = arith.muli %add3A_25, %mul3A_26 : i32
      %add3A_28 = arith.addi %mul3A_2, %mul3A_27 : i32
      "tpu.region"() ({
        %run_scoped3A = tpu.sem_alloc : memref<!tpu.dma_semaphore, #tpu.memory_space<semaphore_mem>>
        %dma_start3A_76 = arith.constant 0 : i32
        %dma_start3A_77 = tpu.memref_slice %arg3[%add3A_28, %dma_start3A_76] : memref<2560x128xi32, #tpu.memory_space<hbm>> -> memref<40x128xi32, #tpu.memory_space<hbm>>
        %dma_start3A_78 = arith.constant 0 : i32
        %dma_start3A_79 = tpu.memref_slice %arg3[%add3A_28, %dma_start3A_78] : memref<2560x128xi32, #tpu.memory_space<hbm>> -> memref<40x128xi32, #tpu.memory_space<hbm>>
        tpu.enqueue_dma source(%dma_start3A_79 : memref<40x128xi32, #tpu.memory_space<hbm>>) target(%arg8 : memref<40x128xi32, #tpu.memory_space<vmem>>) target_semaphore(%run_scoped3A : memref<!tpu.dma_semaphore, #tpu.memory_space<semaphore_mem>>)
        %dma_wait3A = arith.constant 0 : i32
        %dma_wait3A_80 = tpu.memref_slice %arg3[%add3A_28, %dma_wait3A] : memref<2560x128xi32, #tpu.memory_space<hbm>> -> memref<40x128xi32, #tpu.memory_space<hbm>>
        %dma_wait3A_81 = arith.constant 0 : i32
        %dma_wait3A_82 = tpu.memref_slice %arg3[%add3A_28, %dma_wait3A_81] : memref<2560x128xi32, #tpu.memory_space<hbm>> -> memref<40x128xi32, #tpu.memory_space<hbm>>
        tpu.wait_dma2 semaphore(%run_scoped3A : memref<!tpu.dma_semaphore, #tpu.memory_space<semaphore_mem>>) src(%dma_wait3A_82 : memref<40x128xi32, #tpu.memory_space<hbm>>) dst(%arg8 : memref<40x128xi32, #tpu.memory_space<vmem>>)
        tpu.yield
      }) : () -> ()
      %mul3A_29 = arith.constant 40 : i32
      %mul3A_30 = arith.muli %add3A_25, %mul3A_29 : i32
      %add3A_31 = arith.addi %mul3A_2, %mul3A_30 : i32
      "tpu.region"() ({
        %run_scoped3A = tpu.sem_alloc : memref<!tpu.dma_semaphore, #tpu.memory_space<semaphore_mem>>
        %dma_start3A_76 = arith.constant 0 : i32
        %dma_start3A_77 = tpu.memref_slice %arg4[%add3A_31, %dma_start3A_76] : memref<2560x128xi32, #tpu.memory_space<hbm>> -> memref<40x128xi32, #tpu.memory_space<hbm>>
        %dma_start3A_78 = arith.constant 0 : i32
        %dma_start3A_79 = tpu.memref_slice %arg4[%add3A_31, %dma_start3A_78] : memref<2560x128xi32, #tpu.memory_space<hbm>> -> memref<40x128xi32, #tpu.memory_space<hbm>>
        tpu.enqueue_dma source(%dma_start3A_79 : memref<40x128xi32, #tpu.memory_space<hbm>>) target(%arg9 : memref<40x128xi32, #tpu.memory_space<vmem>>) target_semaphore(%run_scoped3A : memref<!tpu.dma_semaphore, #tpu.memory_space<semaphore_mem>>)
        %dma_wait3A = arith.constant 0 : i32
        %dma_wait3A_80 = tpu.memref_slice %arg4[%add3A_31, %dma_wait3A] : memref<2560x128xi32, #tpu.memory_space<hbm>> -> memref<40x128xi32, #tpu.memory_space<hbm>>
        %dma_wait3A_81 = arith.constant 0 : i32
        %dma_wait3A_82 = tpu.memref_slice %arg4[%add3A_31, %dma_wait3A_81] : memref<2560x128xi32, #tpu.memory_space<hbm>> -> memref<40x128xi32, #tpu.memory_space<hbm>>
        tpu.wait_dma2 semaphore(%run_scoped3A : memref<!tpu.dma_semaphore, #tpu.memory_space<semaphore_mem>>) src(%dma_wait3A_82 : memref<40x128xi32, #tpu.memory_space<hbm>>) dst(%arg9 : memref<40x128xi32, #tpu.memory_space<vmem>>)
        tpu.yield
      }) : () -> ()
      %dma_start3A = arith.constant 0 : i32
      %dma_start3A_32 = arith.constant 0 : i32
      %dma_start3A_33 = arith.constant 0 : i32
      %dma_start3A_34 = tpu.memref_slice %arg10[%dma_start3A_32, %dma_start3A_33] : memref<128x128xf32, #tpu.memory_space<vmem>> -> memref<64x128xf32, #tpu.memory_space<vmem>>
      %dma_start3A_35 = arith.constant 0 : i32
      %dma_start3A_36 = tpu.memref_slice %arg8[%dma_start3A, %dma_start3A_35] : memref<40x128xi32, #tpu.memory_space<vmem>> -> memref<1x64xi32, #tpu.memory_space<vmem>>
      %dma_start3A_37 = tpu.memref_squeeze %dma_start3A_36 : memref<1x64xi32, #tpu.memory_space<vmem>> -> memref<64xi32, #tpu.memory_space<vmem>>
      %dma_start3A_38 = arith.constant 0 : i32
      %dma_start3A_39 = arith.constant 0 : i32
      %dma_start3A_40 = tpu.memref_slice %arg2[%dma_start3A_38, %dma_start3A_39] : memref<10000x128xf32, #tpu.memory_space<hbm>> -> memref<10000x128xf32, #tpu.memory_space<hbm>>
      tpu.enqueue_indirect_dma source(%dma_start3A_40 : memref<10000x128xf32, #tpu.memory_space<hbm>>) target(%dma_start3A_34 : memref<64x128xf32, #tpu.memory_space<vmem>>) offsets(%dma_start3A_37 : memref<64xi32, #tpu.memory_space<vmem>>) semaphore(%arg12 : memref<!tpu.dma_semaphore, #tpu.memory_space<semaphore_mem>>)
      %dma_start3A_41 = arith.constant 0 : i32
      %dma_start3A_42 = arith.constant 64 : i32
      %dma_start3A_43 = arith.constant 0 : i32
      %dma_start3A_44 = tpu.memref_slice %arg10[%dma_start3A_42, %dma_start3A_43] : memref<128x128xf32, #tpu.memory_space<vmem>> -> memref<64x128xf32, #tpu.memory_space<vmem>>
      %dma_start3A_45 = arith.constant 64 : i32
      %dma_start3A_46 = tpu.memref_slice %arg8[%dma_start3A_41, %dma_start3A_45] : memref<40x128xi32, #tpu.memory_space<vmem>> -> memref<1x64xi32, #tpu.memory_space<vmem>>
      %dma_start3A_47 = tpu.memref_squeeze %dma_start3A_46 : memref<1x64xi32, #tpu.memory_space<vmem>> -> memref<64xi32, #tpu.memory_space<vmem>>
      %dma_start3A_48 = arith.constant 0 : i32
      %dma_start3A_49 = arith.constant 0 : i32
      %dma_start3A_50 = tpu.memref_slice %arg2[%dma_start3A_48, %dma_start3A_49] : memref<10000x128xf32, #tpu.memory_space<hbm>> -> memref<10000x128xf32, #tpu.memory_space<hbm>>
      tpu.enqueue_indirect_dma source(%dma_start3A_50 : memref<10000x128xf32, #tpu.memory_space<hbm>>) target(%dma_start3A_44 : memref<64x128xf32, #tpu.memory_space<vmem>>) offsets(%dma_start3A_47 : memref<64xi32, #tpu.memory_space<vmem>>) semaphore(%arg12 : memref<!tpu.dma_semaphore, #tpu.memory_space<semaphore_mem>>)
      %dma_start3A_51 = arith.constant 1 : i32
      %dma_start3A_52 = arith.constant 0 : i32
      %dma_start3A_53 = arith.constant 0 : i32
      %dma_start3A_54 = tpu.memref_slice %arg11[%dma_start3A_52, %dma_start3A_53] : memref<128x128xf32, #tpu.memory_space<vmem>> -> memref<64x128xf32, #tpu.memory_space<vmem>>
      %dma_start3A_55 = arith.constant 0 : i32
      %dma_start3A_56 = tpu.memref_slice %arg8[%dma_start3A_51, %dma_start3A_55] : memref<40x128xi32, #tpu.memory_space<vmem>> -> memref<1x64xi32, #tpu.memory_space<vmem>>
      %dma_start3A_57 = tpu.memref_squeeze %dma_start3A_56 : memref<1x64xi32, #tpu.memory_space<vmem>> -> memref<64xi32, #tpu.memory_space<vmem>>
      %dma_start3A_58 = arith.constant 0 : i32
      %dma_start3A_59 = arith.constant 0 : i32
      %dma_start3A_60 = tpu.memref_slice %arg2[%dma_start3A_58, %dma_start3A_59] : memref<10000x128xf32, #tpu.memory_space<hbm>> -> memref<10000x128xf32, #tpu.memory_space<hbm>>
      tpu.enqueue_indirect_dma source(%dma_start3A_60 : memref<10000x128xf32, #tpu.memory_space<hbm>>) target(%dma_start3A_54 : memref<64x128xf32, #tpu.memory_space<vmem>>) offsets(%dma_start3A_57 : memref<64xi32, #tpu.memory_space<vmem>>) semaphore(%arg13 : memref<!tpu.dma_semaphore, #tpu.memory_space<semaphore_mem>>)
      %dma_start3A_61 = arith.constant 1 : i32
      %dma_start3A_62 = arith.constant 64 : i32
      %dma_start3A_63 = arith.constant 0 : i32
      %dma_start3A_64 = tpu.memref_slice %arg11[%dma_start3A_62, %dma_start3A_63] : memref<128x128xf32, #tpu.memory_space<vmem>> -> memref<64x128xf32, #tpu.memory_space<vmem>>
      %dma_start3A_65 = arith.constant 64 : i32
      %dma_start3A_66 = tpu.memref_slice %arg8[%dma_start3A_61, %dma_start3A_65] : memref<40x128xi32, #tpu.memory_space<vmem>> -> memref<1x64xi32, #tpu.memory_space<vmem>>
      %dma_start3A_67 = tpu.memref_squeeze %dma_start3A_66 : memref<1x64xi32, #tpu.memory_space<vmem>> -> memref<64xi32, #tpu.memory_space<vmem>>
      %dma_start3A_68 = arith.constant 0 : i32
      %dma_start3A_69 = arith.constant 0 : i32
      %dma_start3A_70 = tpu.memref_slice %arg2[%dma_start3A_68, %dma_start3A_69] : memref<10000x128xf32, #tpu.memory_space<hbm>> -> memref<10000x128xf32, #tpu.memory_space<hbm>>
      tpu.enqueue_indirect_dma source(%dma_start3A_70 : memref<10000x128xf32, #tpu.memory_space<hbm>>) target(%dma_start3A_64 : memref<64x128xf32, #tpu.memory_space<vmem>>) offsets(%dma_start3A_67 : memref<64xi32, #tpu.memory_space<vmem>>) semaphore(%arg13 : memref<!tpu.dma_semaphore, #tpu.memory_space<semaphore_mem>>)
      %scan3A_71 = arith.constant 0 : i32
      %scan3A_72 = arith.constant 20 : i32
      %scan3A_73 = arith.addi %scan3A_71, %scan3A_72 : i32
      %scan3A_74 = arith.constant 1 : i32
      scf.for %scan3A_76 = %scan3A_71 to %scan3A_73 step %scan3A_74  : i32 {
        %mul3A_77 = arith.constant 2 : i32
        %mul3A_78 = arith.muli %scan3A_76, %mul3A_77 : i32
        %add3A_79 = arith.constant 0 : i32
        %add3A_80 = arith.addi %add3A_79, %mul3A_78 : i32
        %dma_wait3A = arith.constant 0 : i32
        %dma_wait3A_81 = tpu.memref_slice %arg8[%add3A_80, %dma_wait3A] : memref<40x128xi32, #tpu.memory_space<vmem>> -> memref<1x128xi32, #tpu.memory_space<vmem>>
        %dma_wait3A_82 = tpu.memref_squeeze %dma_wait3A_81 : memref<1x128xi32, #tpu.memory_space<vmem>> -> memref<128xi32, #tpu.memory_space<vmem>>
        %dma_wait3A_83 = arith.constant 0 : i32
        %dma_wait3A_84 = arith.constant 0 : i32
        %dma_wait3A_85 = tpu.memref_slice %arg2[%dma_wait3A_83, %dma_wait3A_84] : memref<10000x128xf32, #tpu.memory_space<hbm>> -> memref<10000x128xf32, #tpu.memory_space<hbm>>
        tpu.wait_indirect_dma semaphore(%arg12 : memref<!tpu.dma_semaphore, #tpu.memory_space<semaphore_mem>>) src(%dma_wait3A_85 : memref<10000x128xf32, #tpu.memory_space<hbm>>) dst(%arg10 : memref<128x128xf32, #tpu.memory_space<vmem>>)
        "tpu.region"() ({
          %run_scoped3A = tpu.sem_alloc : memref<!tpu.dma_semaphore, #tpu.memory_space<semaphore_mem>>
          %dma_start3A_109 = arith.constant 0 : i32
          %dma_start3A_110 = tpu.memref_slice %arg9[%add3A_80, %dma_start3A_109] : memref<40x128xi32, #tpu.memory_space<vmem>> -> memref<1x128xi32, #tpu.memory_space<vmem>>
          %dma_start3A_111 = tpu.memref_squeeze %dma_start3A_110 : memref<1x128xi32, #tpu.memory_space<vmem>> -> memref<128xi32, #tpu.memory_space<vmem>>
          %dma_start3A_112 = arith.constant 0 : i32
          %dma_start3A_113 = arith.constant 0 : i32
          %dma_start3A_114 = tpu.memref_slice %arg7[%dma_start3A_112, %dma_start3A_113] : memref<10016x128xf32, #tpu.memory_space<vmem_shared>> -> memref<10016x128xf32, #tpu.memory_space<vmem_shared>>
          tpu.enqueue_indirect_dma source(%arg10 : memref<128x128xf32, #tpu.memory_space<vmem>>) target(%dma_start3A_114 : memref<10016x128xf32, #tpu.memory_space<vmem_shared>>) offsets(%dma_start3A_111 : memref<128xi32, #tpu.memory_space<vmem>>) semaphore(%run_scoped3A : memref<!tpu.dma_semaphore, #tpu.memory_space<semaphore_mem>>) {add = true}
          %dma_wait3A_115 = arith.constant 0 : i32
          %dma_wait3A_116 = tpu.memref_slice %arg9[%add3A_80, %dma_wait3A_115] : memref<40x128xi32, #tpu.memory_space<vmem>> -> memref<1x128xi32, #tpu.memory_space<vmem>>
          %dma_wait3A_117 = tpu.memref_squeeze %dma_wait3A_116 : memref<1x128xi32, #tpu.memory_space<vmem>> -> memref<128xi32, #tpu.memory_space<vmem>>
          %dma_wait3A_118 = arith.constant 0 : i32
          %dma_wait3A_119 = arith.constant 0 : i32
          %dma_wait3A_120 = tpu.memref_slice %arg7[%dma_wait3A_118, %dma_wait3A_119] : memref<10016x128xf32, #tpu.memory_space<vmem_shared>> -> memref<10016x128xf32, #tpu.memory_space<vmem_shared>>
          tpu.wait_indirect_dma semaphore(%run_scoped3A : memref<!tpu.dma_semaphore, #tpu.memory_space<semaphore_mem>>) src(%arg10 : memref<128x128xf32, #tpu.memory_space<vmem>>) dst(%dma_wait3A_120 : memref<10016x128xf32, #tpu.memory_space<vmem_shared>>)
          tpu.yield
        }) : () -> ()
        %add3A_86 = arith.constant 2 : i32
        %add3A_87 = arith.addi %add3A_80, %add3A_86 : i32
        %lt3A = arith.constant 40 : i32
        %lt3A_88 = arith.cmpi slt, %add3A_87, %lt3A : i32
        %convert_element_type3A_89 = arith.extui %lt3A_88 : i1 to i32
        %cond3A_90 = arith.constant 0 : i32
        %cond3A_91 = arith.cmpi ne, %convert_element_type3A_89, %cond3A_90 : i32
        scf.if %cond3A_91 {
          %add3A_109 = arith.constant 2 : i32
          %add3A_110 = arith.addi %add3A_80, %add3A_109 : i32
          %dma_start3A_111 = arith.constant 0 : i32
          %dma_start3A_112 = arith.constant 0 : i32
          %dma_start3A_113 = tpu.memref_slice %arg10[%dma_start3A_111, %dma_start3A_112] : memref<128x128xf32, #tpu.memory_space<vmem>> -> memref<64x128xf32, #tpu.memory_space<vmem>>
          %dma_start3A_114 = arith.constant 0 : i32
          %dma_start3A_115 = tpu.memref_slice %arg8[%add3A_110, %dma_start3A_114] : memref<40x128xi32, #tpu.memory_space<vmem>> -> memref<1x64xi32, #tpu.memory_space<vmem>>
          %dma_start3A_116 = tpu.memref_squeeze %dma_start3A_115 : memref<1x64xi32, #tpu.memory_space<vmem>> -> memref<64xi32, #tpu.memory_space<vmem>>
          %dma_start3A_117 = arith.constant 0 : i32
          %dma_start3A_118 = arith.constant 0 : i32
          %dma_start3A_119 = tpu.memref_slice %arg2[%dma_start3A_117, %dma_start3A_118] : memref<10000x128xf32, #tpu.memory_space<hbm>> -> memref<10000x128xf32, #tpu.memory_space<hbm>>
          tpu.enqueue_indirect_dma source(%dma_start3A_119 : memref<10000x128xf32, #tpu.memory_space<hbm>>) target(%dma_start3A_113 : memref<64x128xf32, #tpu.memory_space<vmem>>) offsets(%dma_start3A_116 : memref<64xi32, #tpu.memory_space<vmem>>) semaphore(%arg12 : memref<!tpu.dma_semaphore, #tpu.memory_space<semaphore_mem>>)
          %dma_start3A_120 = arith.constant 64 : i32
          %dma_start3A_121 = arith.constant 0 : i32
          %dma_start3A_122 = tpu.memref_slice %arg10[%dma_start3A_120, %dma_start3A_121] : memref<128x128xf32, #tpu.memory_space<vmem>> -> memref<64x128xf32, #tpu.memory_space<vmem>>
          %dma_start3A_123 = arith.constant 64 : i32
          %dma_start3A_124 = tpu.memref_slice %arg8[%add3A_110, %dma_start3A_123] : memref<40x128xi32, #tpu.memory_space<vmem>> -> memref<1x64xi32, #tpu.memory_space<vmem>>
          %dma_start3A_125 = tpu.memref_squeeze %dma_start3A_124 : memref<1x64xi32, #tpu.memory_space<vmem>> -> memref<64xi32, #tpu.memory_space<vmem>>
          %dma_start3A_126 = arith.constant 0 : i32
          %dma_start3A_127 = arith.constant 0 : i32
          %dma_start3A_128 = tpu.memref_slice %arg2[%dma_start3A_126, %dma_start3A_127] : memref<10000x128xf32, #tpu.memory_space<hbm>> -> memref<10000x128xf32, #tpu.memory_space<hbm>>
          tpu.enqueue_indirect_dma source(%dma_start3A_128 : memref<10000x128xf32, #tpu.memory_space<hbm>>) target(%dma_start3A_122 : memref<64x128xf32, #tpu.memory_space<vmem>>) offsets(%dma_start3A_125 : memref<64xi32, #tpu.memory_space<vmem>>) semaphore(%arg12 : memref<!tpu.dma_semaphore, #tpu.memory_space<semaphore_mem>>)
        } else {
        }
        %add3A_92 = arith.constant 1 : i32
        %add3A_93 = arith.addi %add3A_80, %add3A_92 : i32
        %dma_wait3A_94 = arith.constant 0 : i32
        %dma_wait3A_95 = tpu.memref_slice %arg8[%add3A_93, %dma_wait3A_94] : memref<40x128xi32, #tpu.memory_space<vmem>> -> memref<1x128xi32, #tpu.memory_space<vmem>>
        %dma_wait3A_96 = tpu.memref_squeeze %dma_wait3A_95 : memref<1x128xi32, #tpu.memory_space<vmem>> -> memref<128xi32, #tpu.memory_space<vmem>>
        %dma_wait3A_97 = arith.constant 0 : i32
        %dma_wait3A_98 = arith.constant 0 : i32
        %dma_wait3A_99 = tpu.memref_slice %arg2[%dma_wait3A_97, %dma_wait3A_98] : memref<10000x128xf32, #tpu.memory_space<hbm>> -> memref<10000x128xf32, #tpu.memory_space<hbm>>
        tpu.wait_indirect_dma semaphore(%arg13 : memref<!tpu.dma_semaphore, #tpu.memory_space<semaphore_mem>>) src(%dma_wait3A_99 : memref<10000x128xf32, #tpu.memory_space<hbm>>) dst(%arg11 : memref<128x128xf32, #tpu.memory_space<vmem>>)
        %add3A_100 = arith.constant 1 : i32
        %add3A_101 = arith.addi %add3A_80, %add3A_100 : i32
        "tpu.region"() ({
          %run_scoped3A = tpu.sem_alloc : memref<!tpu.dma_semaphore, #tpu.memory_space<semaphore_mem>>
          %dma_start3A_109 = arith.constant 0 : i32
          %dma_start3A_110 = tpu.memref_slice %arg9[%add3A_101, %dma_start3A_109] : memref<40x128xi32, #tpu.memory_space<vmem>> -> memref<1x128xi32, #tpu.memory_space<vmem>>
          %dma_start3A_111 = tpu.memref_squeeze %dma_start3A_110 : memref<1x128xi32, #tpu.memory_space<vmem>> -> memref<128xi32, #tpu.memory_space<vmem>>
          %dma_start3A_112 = arith.constant 0 : i32
          %dma_start3A_113 = arith.constant 0 : i32
          %dma_start3A_114 = tpu.memref_slice %arg7[%dma_start3A_112, %dma_start3A_113] : memref<10016x128xf32, #tpu.memory_space<vmem_shared>> -> memref<10016x128xf32, #tpu.memory_space<vmem_shared>>
          tpu.enqueue_indirect_dma source(%arg11 : memref<128x128xf32, #tpu.memory_space<vmem>>) target(%dma_start3A_114 : memref<10016x128xf32, #tpu.memory_space<vmem_shared>>) offsets(%dma_start3A_111 : memref<128xi32, #tpu.memory_space<vmem>>) semaphore(%run_scoped3A : memref<!tpu.dma_semaphore, #tpu.memory_space<semaphore_mem>>) {add = true}
          %dma_wait3A_115 = arith.constant 0 : i32
          %dma_wait3A_116 = tpu.memref_slice %arg9[%add3A_101, %dma_wait3A_115] : memref<40x128xi32, #tpu.memory_space<vmem>> -> memref<1x128xi32, #tpu.memory_space<vmem>>
          %dma_wait3A_117 = tpu.memref_squeeze %dma_wait3A_116 : memref<1x128xi32, #tpu.memory_space<vmem>> -> memref<128xi32, #tpu.memory_space<vmem>>
          %dma_wait3A_118 = arith.constant 0 : i32
          %dma_wait3A_119 = arith.constant 0 : i32
          %dma_wait3A_120 = tpu.memref_slice %arg7[%dma_wait3A_118, %dma_wait3A_119] : memref<10016x128xf32, #tpu.memory_space<vmem_shared>> -> memref<10016x128xf32, #tpu.memory_space<vmem_shared>>
          tpu.wait_indirect_dma semaphore(%run_scoped3A : memref<!tpu.dma_semaphore, #tpu.memory_space<semaphore_mem>>) src(%arg11 : memref<128x128xf32, #tpu.memory_space<vmem>>) dst(%dma_wait3A_120 : memref<10016x128xf32, #tpu.memory_space<vmem_shared>>)
          tpu.yield
        }) : () -> ()
        %add3A_102 = arith.constant 3 : i32
        %add3A_103 = arith.addi %add3A_80, %add3A_102 : i32
        %lt3A_104 = arith.constant 40 : i32
        %lt3A_105 = arith.cmpi slt, %add3A_103, %lt3A_104 : i32
        %convert_element_type3A_106 = arith.extui %lt3A_105 : i1 to i32
        %cond3A_107 = arith.constant 0 : i32
        %cond3A_108 = arith.cmpi ne, %convert_element_type3A_106, %cond3A_107 : i32
        scf.if %cond3A_108 {
          %add3A_109 = arith.constant 3 : i32
          %add3A_110 = arith.addi %add3A_80, %add3A_109 : i32
          %dma_start3A_111 = arith.constant 0 : i32
          %dma_start3A_112 = arith.constant 0 : i32
          %dma_start3A_113 = tpu.memref_slice %arg11[%dma_start3A_111, %dma_start3A_112] : memref<128x128xf32, #tpu.memory_space<vmem>> -> memref<64x128xf32, #tpu.memory_space<vmem>>
          %dma_start3A_114 = arith.constant 0 : i32
          %dma_start3A_115 = tpu.memref_slice %arg8[%add3A_110, %dma_start3A_114] : memref<40x128xi32, #tpu.memory_space<vmem>> -> memref<1x64xi32, #tpu.memory_space<vmem>>
          %dma_start3A_116 = tpu.memref_squeeze %dma_start3A_115 : memref<1x64xi32, #tpu.memory_space<vmem>> -> memref<64xi32, #tpu.memory_space<vmem>>
          %dma_start3A_117 = arith.constant 0 : i32
          %dma_start3A_118 = arith.constant 0 : i32
          %dma_start3A_119 = tpu.memref_slice %arg2[%dma_start3A_117, %dma_start3A_118] : memref<10000x128xf32, #tpu.memory_space<hbm>> -> memref<10000x128xf32, #tpu.memory_space<hbm>>
          tpu.enqueue_indirect_dma source(%dma_start3A_119 : memref<10000x128xf32, #tpu.memory_space<hbm>>) target(%dma_start3A_113 : memref<64x128xf32, #tpu.memory_space<vmem>>) offsets(%dma_start3A_116 : memref<64xi32, #tpu.memory_space<vmem>>) semaphore(%arg13 : memref<!tpu.dma_semaphore, #tpu.memory_space<semaphore_mem>>)
          %dma_start3A_120 = arith.constant 64 : i32
          %dma_start3A_121 = arith.constant 0 : i32
          %dma_start3A_122 = tpu.memref_slice %arg11[%dma_start3A_120, %dma_start3A_121] : memref<128x128xf32, #tpu.memory_space<vmem>> -> memref<64x128xf32, #tpu.memory_space<vmem>>
          %dma_start3A_123 = arith.constant 64 : i32
          %dma_start3A_124 = tpu.memref_slice %arg8[%add3A_110, %dma_start3A_123] : memref<40x128xi32, #tpu.memory_space<vmem>> -> memref<1x64xi32, #tpu.memory_space<vmem>>
          %dma_start3A_125 = tpu.memref_squeeze %dma_start3A_124 : memref<1x64xi32, #tpu.memory_space<vmem>> -> memref<64xi32, #tpu.memory_space<vmem>>
          %dma_start3A_126 = arith.constant 0 : i32
          %dma_start3A_127 = arith.constant 0 : i32
          %dma_start3A_128 = tpu.memref_slice %arg2[%dma_start3A_126, %dma_start3A_127] : memref<10000x128xf32, #tpu.memory_space<hbm>> -> memref<10000x128xf32, #tpu.memory_space<hbm>>
          tpu.enqueue_indirect_dma source(%dma_start3A_128 : memref<10000x128xf32, #tpu.memory_space<hbm>>) target(%dma_start3A_122 : memref<64x128xf32, #tpu.memory_space<vmem>>) offsets(%dma_start3A_125 : memref<64xi32, #tpu.memory_space<vmem>>) semaphore(%arg13 : memref<!tpu.dma_semaphore, #tpu.memory_space<semaphore_mem>>)
        } else {
        }
      }
      %scan3A_75 = arith.constant 20 : i32
    }
    %scan3A_10 = arith.constant 2 : i32
    %barrier3A_11 = arith.constant 0 : index
    tpu.barrier barrier_id(%barrier3A_11)
    %mul3A_12 = arith.constant 624 : i32
    %mul3A_13 = arith.muli %arg1, %mul3A_12 : i32
    %mul3A_14 = arith.constant 624 : i32
    %mul3A_15 = arith.muli %arg1, %mul3A_14 : i32
    "tpu.region"() ({
      %run_scoped3A = tpu.sem_alloc : memref<!tpu.dma_semaphore, #tpu.memory_space<semaphore_mem>>
      %dma_start3A = arith.constant 0 : i32
      %dma_start3A_21 = tpu.memref_slice %arg6[%arg0, %mul3A_15, %dma_start3A] : memref<2x10000x128xf32, #tpu.memory_space<hbm>> -> memref<1x624x128xf32, #tpu.memory_space<hbm>>
      %dma_start3A_22 = tpu.memref_squeeze %dma_start3A_21 : memref<1x624x128xf32, #tpu.memory_space<hbm>> -> memref<624x128xf32, #tpu.memory_space<hbm>>
      %dma_start3A_23 = arith.constant 0 : i32
      %dma_start3A_24 = tpu.memref_slice %arg7[%mul3A_13, %dma_start3A_23] : memref<10016x128xf32, #tpu.memory_space<vmem_shared>> -> memref<624x128xf32, #tpu.memory_space<vmem_shared>>
      tpu.enqueue_dma source(%dma_start3A_24 : memref<624x128xf32, #tpu.memory_space<vmem_shared>>) target(%dma_start3A_22 : memref<624x128xf32, #tpu.memory_space<hbm>>) target_semaphore(%run_scoped3A : memref<!tpu.dma_semaphore, #tpu.memory_space<semaphore_mem>>)
      %dma_wait3A = arith.constant 0 : i32
      %dma_wait3A_25 = tpu.memref_slice %arg6[%arg0, %mul3A_15, %dma_wait3A] : memref<2x10000x128xf32, #tpu.memory_space<hbm>> -> memref<1x624x128xf32, #tpu.memory_space<hbm>>
      %dma_wait3A_26 = tpu.memref_squeeze %dma_wait3A_25 : memref<1x624x128xf32, #tpu.memory_space<hbm>> -> memref<624x128xf32, #tpu.memory_space<hbm>>
      %dma_wait3A_27 = arith.constant 0 : i32
      %dma_wait3A_28 = tpu.memref_slice %arg7[%mul3A_13, %dma_wait3A_27] : memref<10016x128xf32, #tpu.memory_space<vmem_shared>> -> memref<624x128xf32, #tpu.memory_space<vmem_shared>>
      tpu.wait_dma2 semaphore(%run_scoped3A : memref<!tpu.dma_semaphore, #tpu.memory_space<semaphore_mem>>) src(%dma_wait3A_28 : memref<624x128xf32, #tpu.memory_space<vmem_shared>>) dst(%dma_wait3A_26 : memref<624x128xf32, #tpu.memory_space<hbm>>)
      tpu.yield
    }) : () -> ()
    %eq3A_16 = arith.constant 0 : i32
    %eq3A_17 = arith.cmpi eq, %arg1, %eq3A_16 : i32
    %convert_element_type3A_18 = arith.extui %eq3A_17 : i1 to i32
    %cond3A_19 = arith.constant 0 : i32
    %cond3A_20 = arith.cmpi ne, %convert_element_type3A_18, %cond3A_19 : i32
    scf.if %cond3A_20 {
      "tpu.region"() ({
        %run_scoped3A = tpu.sem_alloc : memref<!tpu.dma_semaphore, #tpu.memory_space<semaphore_mem>>
        %dma_start3A = arith.constant 9984 : i32
        %dma_start3A_21 = arith.constant 0 : i32
        %dma_start3A_22 = tpu.memref_slice %arg6[%arg0, %dma_start3A, %dma_start3A_21] : memref<2x10000x128xf32, #tpu.memory_space<hbm>> -> memref<1x16x128xf32, #tpu.memory_space<hbm>>
        %dma_start3A_23 = tpu.memref_squeeze %dma_start3A_22 : memref<1x16x128xf32, #tpu.memory_space<hbm>> -> memref<16x128xf32, #tpu.memory_space<hbm>>
        %dma_start3A_24 = arith.constant 9984 : i32
        %dma_start3A_25 = arith.constant 0 : i32
        %dma_start3A_26 = tpu.memref_slice %arg7[%dma_start3A_24, %dma_start3A_25] : memref<10016x128xf32, #tpu.memory_space<vmem_shared>> -> memref<16x128xf32, #tpu.memory_space<vmem_shared>>
        tpu.enqueue_dma source(%dma_start3A_26 : memref<16x128xf32, #tpu.memory_space<vmem_shared>>) target(%dma_start3A_23 : memref<16x128xf32, #tpu.memory_space<hbm>>) target_semaphore(%run_scoped3A : memref<!tpu.dma_semaphore, #tpu.memory_space<semaphore_mem>>)
        %dma_wait3A = arith.constant 9984 : i32
        %dma_wait3A_27 = arith.constant 0 : i32
        %dma_wait3A_28 = tpu.memref_slice %arg6[%arg0, %dma_wait3A, %dma_wait3A_27] : memref<2x10000x128xf32, #tpu.memory_space<hbm>> -> memref<1x16x128xf32, #tpu.memory_space<hbm>>
        %dma_wait3A_29 = tpu.memref_squeeze %dma_wait3A_28 : memref<1x16x128xf32, #tpu.memory_space<hbm>> -> memref<16x128xf32, #tpu.memory_space<hbm>>
        %dma_wait3A_30 = arith.constant 9984 : i32
        %dma_wait3A_31 = arith.constant 0 : i32
        %dma_wait3A_32 = tpu.memref_slice %arg7[%dma_wait3A_30, %dma_wait3A_31] : memref<10016x128xf32, #tpu.memory_space<vmem_shared>> -> memref<16x128xf32, #tpu.memory_space<vmem_shared>>
        tpu.wait_dma2 semaphore(%run_scoped3A : memref<!tpu.dma_semaphore, #tpu.memory_space<semaphore_mem>>) src(%dma_wait3A_32 : memref<16x128xf32, #tpu.memory_space<vmem_shared>>) dst(%dma_wait3A_29 : memref<16x128xf32, #tpu.memory_space<hbm>>)
        tpu.yield
      }) : () -> ()
    } else {
    }
    return
  }
}

#map = affine_map<(d0, d1) -> (0, 0)>
#map1 = affine_map<(d0, d1) -> (0, 0, 0)>
module attributes {stable_mosaic.version = 14 : i64} {
  func.func @_sc_agg_body(%arg0: i32, %arg1: i32, %arg2: memref<10000x128xf32, #tpu.memory_space<hbm>>, %arg3: memref<2560x128xi32, #tpu.memory_space<hbm>>, %arg4: memref<2560x128xi32, #tpu.memory_space<hbm>>, %arg5: memref<624x128xf32, #tpu.memory_space<hbm>>, %arg6: memref<2x10000x128xf32, #tpu.memory_space<hbm>>, %arg7: memref<10016x128xf32, #tpu.memory_space<vmem_shared>>, %arg8: memref<40x128xi32, #tpu.memory_space<vmem>>, %arg9: memref<40x128xi32, #tpu.memory_space<vmem>>, %arg10: memref<128x128xf32, #tpu.memory_space<vmem>>, %arg11: memref<128x128xf32, #tpu.memory_space<vmem>>, %arg12: memref<!tpu.dma_semaphore, #tpu.memory_space<semaphore_mem>>, %arg13: memref<!tpu.dma_semaphore, #tpu.memory_space<semaphore_mem>>) attributes {dimension_semantics = [#tpu.dimension_semantics<core_parallel>, #tpu.dimension_semantics<subcore_parallel>], iteration_bounds = array<i64: 2, 16>, scalar_prefetch = 0 : i64, scratch_operands = 7 : i64, tpu.core_type = #tpu.core_type<sc_vector_subcore>, window_params = [{transform_indices = #map}, {transform_indices = #map}, {transform_indices = #map}, {transform_indices = #map}, {transform_indices = #map1}]} {
    %mul3A = arith.constant 16 : i32
    %mul3A_0 = arith.muli %arg0, %mul3A : i32
    %add3A = arith.addi %mul3A_0, %arg1 : i32
    %mul3A_1 = arith.constant 80 : i32
    %mul3A_2 = arith.muli %add3A, %mul3A_1 : i32
    %mul3A_3 = arith.constant 624 : i32
    %mul3A_4 = arith.muli %arg1, %mul3A_3 : i32
    "tpu.region"() ({
      %run_scoped3A = tpu.sem_alloc : memref<!tpu.dma_semaphore, #tpu.memory_space<semaphore_mem>>
      %dma_start3A = arith.constant 0 : i32
      %dma_start3A_21 = tpu.memref_slice %arg7[%mul3A_4, %dma_start3A] : memref<10016x128xf32, #tpu.memory_space<vmem_shared>> -> memref<624x128xf32, #tpu.memory_space<vmem_shared>>
      tpu.enqueue_dma source(%arg5 : memref<624x128xf32, #tpu.memory_space<hbm>>) target(%dma_start3A_21 : memref<624x128xf32, #tpu.memory_space<vmem_shared>>) target_semaphore(%run_scoped3A : memref<!tpu.dma_semaphore, #tpu.memory_space<semaphore_mem>>)
      %dma_wait3A = arith.constant 0 : i32
      %dma_wait3A_22 = tpu.memref_slice %arg7[%mul3A_4, %dma_wait3A] : memref<10016x128xf32, #tpu.memory_space<vmem_shared>> -> memref<624x128xf32, #tpu.memory_space<vmem_shared>>
      tpu.wait_dma2 semaphore(%run_scoped3A : memref<!tpu.dma_semaphore, #tpu.memory_space<semaphore_mem>>) src(%arg5 : memref<624x128xf32, #tpu.memory_space<hbm>>) dst(%dma_wait3A_22 : memref<624x128xf32, #tpu.memory_space<vmem_shared>>)
      tpu.yield
    }) : () -> ()
    %eq3A = arith.constant 0 : i32
    %eq3A_5 = arith.cmpi eq, %arg1, %eq3A : i32
    %convert_element_type3A = arith.extui %eq3A_5 : i1 to i32
    %cond3A = arith.constant 0 : i32
    %cond3A_6 = arith.cmpi ne, %convert_element_type3A, %cond3A : i32
    scf.if %cond3A_6 {
      "tpu.region"() ({
        %run_scoped3A = tpu.sem_alloc : memref<!tpu.dma_semaphore, #tpu.memory_space<semaphore_mem>>
        %dma_start3A = arith.constant 9984 : i32
        %dma_start3A_21 = arith.constant 0 : i32
        %dma_start3A_22 = tpu.memref_slice %arg7[%dma_start3A, %dma_start3A_21] : memref<10016x128xf32, #tpu.memory_space<vmem_shared>> -> memref<32x128xf32, #tpu.memory_space<vmem_shared>>
        %dma_start3A_23 = arith.constant 0 : i32
        %dma_start3A_24 = arith.constant 0 : i32
        %dma_start3A_25 = tpu.memref_slice %arg5[%dma_start3A_23, %dma_start3A_24] : memref<624x128xf32, #tpu.memory_space<hbm>> -> memref<32x128xf32, #tpu.memory_space<hbm>>
        tpu.enqueue_dma source(%dma_start3A_25 : memref<32x128xf32, #tpu.memory_space<hbm>>) target(%dma_start3A_22 : memref<32x128xf32, #tpu.memory_space<vmem_shared>>) target_semaphore(%run_scoped3A : memref<!tpu.dma_semaphore, #tpu.memory_space<semaphore_mem>>)
        %dma_wait3A = arith.constant 9984 : i32
        %dma_wait3A_26 = arith.constant 0 : i32
        %dma_wait3A_27 = tpu.memref_slice %arg7[%dma_wait3A, %dma_wait3A_26] : memref<10016x128xf32, #tpu.memory_space<vmem_shared>> -> memref<32x128xf32, #tpu.memory_space<vmem_shared>>
        %dma_wait3A_28 = arith.constant 0 : i32
        %dma_wait3A_29 = arith.constant 0 : i32
        %dma_wait3A_30 = tpu.memref_slice %arg5[%dma_wait3A_28, %dma_wait3A_29] : memref<624x128xf32, #tpu.memory_space<hbm>> -> memref<32x128xf32, #tpu.memory_space<hbm>>
        tpu.wait_dma2 semaphore(%run_scoped3A : memref<!tpu.dma_semaphore, #tpu.memory_space<semaphore_mem>>) src(%dma_wait3A_30 : memref<32x128xf32, #tpu.memory_space<hbm>>) dst(%dma_wait3A_27 : memref<32x128xf32, #tpu.memory_space<vmem_shared>>)
        tpu.yield
      }) : () -> ()
    } else {
    }
    %barrier3A = arith.constant 0 : index
    tpu.barrier barrier_id(%barrier3A)
    %scan3A = arith.constant 0 : i32
    %scan3A_7 = arith.constant 2 : i32
    %scan3A_8 = arith.addi %scan3A, %scan3A_7 : i32
    %scan3A_9 = arith.constant 1 : i32
    scf.for %scan3A_21 = %scan3A to %scan3A_8 step %scan3A_9  : i32 {
      %mul3A_22 = arith.constant 1 : i32
      %mul3A_23 = arith.muli %scan3A_21, %mul3A_22 : i32
      %add3A_24 = arith.constant 0 : i32
      %add3A_25 = arith.addi %add3A_24, %mul3A_23 : i32
      %mul3A_26 = arith.constant 40 : i32
      %mul3A_27 = arith.muli %add3A_25, %mul3A_26 : i32
      %add3A_28 = arith.addi %mul3A_2, %mul3A_27 : i32
      "tpu.region"() ({
        %run_scoped3A = tpu.sem_alloc : memref<!tpu.dma_semaphore, #tpu.memory_space<semaphore_mem>>
        %dma_start3A_76 = arith.constant 0 : i32
        %dma_start3A_77 = tpu.memref_slice %arg3[%add3A_28, %dma_start3A_76] : memref<2560x128xi32, #tpu.memory_space<hbm>> -> memref<40x128xi32, #tpu.memory_space<hbm>>
        %dma_start3A_78 = arith.constant 0 : i32
        %dma_start3A_79 = tpu.memref_slice %arg3[%add3A_28, %dma_start3A_78] : memref<2560x128xi32, #tpu.memory_space<hbm>> -> memref<40x128xi32, #tpu.memory_space<hbm>>
        tpu.enqueue_dma source(%dma_start3A_79 : memref<40x128xi32, #tpu.memory_space<hbm>>) target(%arg8 : memref<40x128xi32, #tpu.memory_space<vmem>>) target_semaphore(%run_scoped3A : memref<!tpu.dma_semaphore, #tpu.memory_space<semaphore_mem>>)
        %dma_wait3A = arith.constant 0 : i32
        %dma_wait3A_80 = tpu.memref_slice %arg3[%add3A_28, %dma_wait3A] : memref<2560x128xi32, #tpu.memory_space<hbm>> -> memref<40x128xi32, #tpu.memory_space<hbm>>
        %dma_wait3A_81 = arith.constant 0 : i32
        %dma_wait3A_82 = tpu.memref_slice %arg3[%add3A_28, %dma_wait3A_81] : memref<2560x128xi32, #tpu.memory_space<hbm>> -> memref<40x128xi32, #tpu.memory_space<hbm>>
        tpu.wait_dma2 semaphore(%run_scoped3A : memref<!tpu.dma_semaphore, #tpu.memory_space<semaphore_mem>>) src(%dma_wait3A_82 : memref<40x128xi32, #tpu.memory_space<hbm>>) dst(%arg8 : memref<40x128xi32, #tpu.memory_space<vmem>>)
        tpu.yield
      }) : () -> ()
      %mul3A_29 = arith.constant 40 : i32
      %mul3A_30 = arith.muli %add3A_25, %mul3A_29 : i32
      %add3A_31 = arith.addi %mul3A_2, %mul3A_30 : i32
      "tpu.region"() ({
        %run_scoped3A = tpu.sem_alloc : memref<!tpu.dma_semaphore, #tpu.memory_space<semaphore_mem>>
        %dma_start3A_76 = arith.constant 0 : i32
        %dma_start3A_77 = tpu.memref_slice %arg4[%add3A_31, %dma_start3A_76] : memref<2560x128xi32, #tpu.memory_space<hbm>> -> memref<40x128xi32, #tpu.memory_space<hbm>>
        %dma_start3A_78 = arith.constant 0 : i32
        %dma_start3A_79 = tpu.memref_slice %arg4[%add3A_31, %dma_start3A_78] : memref<2560x128xi32, #tpu.memory_space<hbm>> -> memref<40x128xi32, #tpu.memory_space<hbm>>
        tpu.enqueue_dma source(%dma_start3A_79 : memref<40x128xi32, #tpu.memory_space<hbm>>) target(%arg9 : memref<40x128xi32, #tpu.memory_space<vmem>>) target_semaphore(%run_scoped3A : memref<!tpu.dma_semaphore, #tpu.memory_space<semaphore_mem>>)
        %dma_wait3A = arith.constant 0 : i32
        %dma_wait3A_80 = tpu.memref_slice %arg4[%add3A_31, %dma_wait3A] : memref<2560x128xi32, #tpu.memory_space<hbm>> -> memref<40x128xi32, #tpu.memory_space<hbm>>
        %dma_wait3A_81 = arith.constant 0 : i32
        %dma_wait3A_82 = tpu.memref_slice %arg4[%add3A_31, %dma_wait3A_81] : memref<2560x128xi32, #tpu.memory_space<hbm>> -> memref<40x128xi32, #tpu.memory_space<hbm>>
        tpu.wait_dma2 semaphore(%run_scoped3A : memref<!tpu.dma_semaphore, #tpu.memory_space<semaphore_mem>>) src(%dma_wait3A_82 : memref<40x128xi32, #tpu.memory_space<hbm>>) dst(%arg9 : memref<40x128xi32, #tpu.memory_space<vmem>>)
        tpu.yield
      }) : () -> ()
      %dma_start3A = arith.constant 0 : i32
      %dma_start3A_32 = arith.constant 0 : i32
      %dma_start3A_33 = arith.constant 0 : i32
      %dma_start3A_34 = tpu.memref_slice %arg10[%dma_start3A_32, %dma_start3A_33] : memref<128x128xf32, #tpu.memory_space<vmem>> -> memref<64x128xf32, #tpu.memory_space<vmem>>
      %dma_start3A_35 = arith.constant 0 : i32
      %dma_start3A_36 = tpu.memref_slice %arg8[%dma_start3A, %dma_start3A_35] : memref<40x128xi32, #tpu.memory_space<vmem>> -> memref<1x64xi32, #tpu.memory_space<vmem>>
      %dma_start3A_37 = tpu.memref_squeeze %dma_start3A_36 : memref<1x64xi32, #tpu.memory_space<vmem>> -> memref<64xi32, #tpu.memory_space<vmem>>
      %dma_start3A_38 = arith.constant 0 : i32
      %dma_start3A_39 = arith.constant 0 : i32
      %dma_start3A_40 = tpu.memref_slice %arg2[%dma_start3A_38, %dma_start3A_39] : memref<10000x128xf32, #tpu.memory_space<hbm>> -> memref<10000x128xf32, #tpu.memory_space<hbm>>
      tpu.enqueue_indirect_dma source(%dma_start3A_40 : memref<10000x128xf32, #tpu.memory_space<hbm>>) target(%dma_start3A_34 : memref<64x128xf32, #tpu.memory_space<vmem>>) offsets(%dma_start3A_37 : memref<64xi32, #tpu.memory_space<vmem>>) semaphore(%arg12 : memref<!tpu.dma_semaphore, #tpu.memory_space<semaphore_mem>>)
      %dma_start3A_41 = arith.constant 0 : i32
      %dma_start3A_42 = arith.constant 64 : i32
      %dma_start3A_43 = arith.constant 0 : i32
      %dma_start3A_44 = tpu.memref_slice %arg10[%dma_start3A_42, %dma_start3A_43] : memref<128x128xf32, #tpu.memory_space<vmem>> -> memref<64x128xf32, #tpu.memory_space<vmem>>
      %dma_start3A_45 = arith.constant 64 : i32
      %dma_start3A_46 = tpu.memref_slice %arg8[%dma_start3A_41, %dma_start3A_45] : memref<40x128xi32, #tpu.memory_space<vmem>> -> memref<1x64xi32, #tpu.memory_space<vmem>>
      %dma_start3A_47 = tpu.memref_squeeze %dma_start3A_46 : memref<1x64xi32, #tpu.memory_space<vmem>> -> memref<64xi32, #tpu.memory_space<vmem>>
      %dma_start3A_48 = arith.constant 0 : i32
      %dma_start3A_49 = arith.constant 0 : i32
      %dma_start3A_50 = tpu.memref_slice %arg2[%dma_start3A_48, %dma_start3A_49] : memref<10000x128xf32, #tpu.memory_space<hbm>> -> memref<10000x128xf32, #tpu.memory_space<hbm>>
      tpu.enqueue_indirect_dma source(%dma_start3A_50 : memref<10000x128xf32, #tpu.memory_space<hbm>>) target(%dma_start3A_44 : memref<64x128xf32, #tpu.memory_space<vmem>>) offsets(%dma_start3A_47 : memref<64xi32, #tpu.memory_space<vmem>>) semaphore(%arg12 : memref<!tpu.dma_semaphore, #tpu.memory_space<semaphore_mem>>)
      %dma_start3A_51 = arith.constant 1 : i32
      %dma_start3A_52 = arith.constant 0 : i32
      %dma_start3A_53 = arith.constant 0 : i32
      %dma_start3A_54 = tpu.memref_slice %arg11[%dma_start3A_52, %dma_start3A_53] : memref<128x128xf32, #tpu.memory_space<vmem>> -> memref<64x128xf32, #tpu.memory_space<vmem>>
      %dma_start3A_55 = arith.constant 0 : i32
      %dma_start3A_56 = tpu.memref_slice %arg8[%dma_start3A_51, %dma_start3A_55] : memref<40x128xi32, #tpu.memory_space<vmem>> -> memref<1x64xi32, #tpu.memory_space<vmem>>
      %dma_start3A_57 = tpu.memref_squeeze %dma_start3A_56 : memref<1x64xi32, #tpu.memory_space<vmem>> -> memref<64xi32, #tpu.memory_space<vmem>>
      %dma_start3A_58 = arith.constant 0 : i32
      %dma_start3A_59 = arith.constant 0 : i32
      %dma_start3A_60 = tpu.memref_slice %arg2[%dma_start3A_58, %dma_start3A_59] : memref<10000x128xf32, #tpu.memory_space<hbm>> -> memref<10000x128xf32, #tpu.memory_space<hbm>>
      tpu.enqueue_indirect_dma source(%dma_start3A_60 : memref<10000x128xf32, #tpu.memory_space<hbm>>) target(%dma_start3A_54 : memref<64x128xf32, #tpu.memory_space<vmem>>) offsets(%dma_start3A_57 : memref<64xi32, #tpu.memory_space<vmem>>) semaphore(%arg13 : memref<!tpu.dma_semaphore, #tpu.memory_space<semaphore_mem>>)
      %dma_start3A_61 = arith.constant 1 : i32
      %dma_start3A_62 = arith.constant 64 : i32
      %dma_start3A_63 = arith.constant 0 : i32
      %dma_start3A_64 = tpu.memref_slice %arg11[%dma_start3A_62, %dma_start3A_63] : memref<128x128xf32, #tpu.memory_space<vmem>> -> memref<64x128xf32, #tpu.memory_space<vmem>>
      %dma_start3A_65 = arith.constant 64 : i32
      %dma_start3A_66 = tpu.memref_slice %arg8[%dma_start3A_61, %dma_start3A_65] : memref<40x128xi32, #tpu.memory_space<vmem>> -> memref<1x64xi32, #tpu.memory_space<vmem>>
      %dma_start3A_67 = tpu.memref_squeeze %dma_start3A_66 : memref<1x64xi32, #tpu.memory_space<vmem>> -> memref<64xi32, #tpu.memory_space<vmem>>
      %dma_start3A_68 = arith.constant 0 : i32
      %dma_start3A_69 = arith.constant 0 : i32
      %dma_start3A_70 = tpu.memref_slice %arg2[%dma_start3A_68, %dma_start3A_69] : memref<10000x128xf32, #tpu.memory_space<hbm>> -> memref<10000x128xf32, #tpu.memory_space<hbm>>
      tpu.enqueue_indirect_dma source(%dma_start3A_70 : memref<10000x128xf32, #tpu.memory_space<hbm>>) target(%dma_start3A_64 : memref<64x128xf32, #tpu.memory_space<vmem>>) offsets(%dma_start3A_67 : memref<64xi32, #tpu.memory_space<vmem>>) semaphore(%arg13 : memref<!tpu.dma_semaphore, #tpu.memory_space<semaphore_mem>>)
      %scan3A_71 = arith.constant 0 : i32
      %scan3A_72 = arith.constant 20 : i32
      %scan3A_73 = arith.addi %scan3A_71, %scan3A_72 : i32
      %scan3A_74 = arith.constant 1 : i32
      scf.for %scan3A_76 = %scan3A_71 to %scan3A_73 step %scan3A_74  : i32 {
        %mul3A_77 = arith.constant 2 : i32
        %mul3A_78 = arith.muli %scan3A_76, %mul3A_77 : i32
        %add3A_79 = arith.constant 0 : i32
        %add3A_80 = arith.addi %add3A_79, %mul3A_78 : i32
        %dma_wait3A = arith.constant 0 : i32
        %dma_wait3A_81 = tpu.memref_slice %arg8[%add3A_80, %dma_wait3A] : memref<40x128xi32, #tpu.memory_space<vmem>> -> memref<1x128xi32, #tpu.memory_space<vmem>>
        %dma_wait3A_82 = tpu.memref_squeeze %dma_wait3A_81 : memref<1x128xi32, #tpu.memory_space<vmem>> -> memref<128xi32, #tpu.memory_space<vmem>>
        %dma_wait3A_83 = arith.constant 0 : i32
        %dma_wait3A_84 = arith.constant 0 : i32
        %dma_wait3A_85 = tpu.memref_slice %arg2[%dma_wait3A_83, %dma_wait3A_84] : memref<10000x128xf32, #tpu.memory_space<hbm>> -> memref<10000x128xf32, #tpu.memory_space<hbm>>
        tpu.wait_indirect_dma semaphore(%arg12 : memref<!tpu.dma_semaphore, #tpu.memory_space<semaphore_mem>>) src(%dma_wait3A_85 : memref<10000x128xf32, #tpu.memory_space<hbm>>) dst(%arg10 : memref<128x128xf32, #tpu.memory_space<vmem>>)
        "tpu.region"() ({
          %run_scoped3A = tpu.sem_alloc : memref<!tpu.dma_semaphore, #tpu.memory_space<semaphore_mem>>
          %dma_start3A_109 = arith.constant 0 : i32
          %dma_start3A_110 = tpu.memref_slice %arg9[%add3A_80, %dma_start3A_109] : memref<40x128xi32, #tpu.memory_space<vmem>> -> memref<1x128xi32, #tpu.memory_space<vmem>>
          %dma_start3A_111 = tpu.memref_squeeze %dma_start3A_110 : memref<1x128xi32, #tpu.memory_space<vmem>> -> memref<128xi32, #tpu.memory_space<vmem>>
          %dma_start3A_112 = arith.constant 0 : i32
          %dma_start3A_113 = arith.constant 0 : i32
          %dma_start3A_114 = tpu.memref_slice %arg7[%dma_start3A_112, %dma_start3A_113] : memref<10016x128xf32, #tpu.memory_space<vmem_shared>> -> memref<10016x128xf32, #tpu.memory_space<vmem_shared>>
          tpu.enqueue_indirect_dma source(%arg10 : memref<128x128xf32, #tpu.memory_space<vmem>>) target(%dma_start3A_114 : memref<10016x128xf32, #tpu.memory_space<vmem_shared>>) offsets(%dma_start3A_111 : memref<128xi32, #tpu.memory_space<vmem>>) semaphore(%run_scoped3A : memref<!tpu.dma_semaphore, #tpu.memory_space<semaphore_mem>>) {add = true}
          %dma_wait3A_115 = arith.constant 0 : i32
          %dma_wait3A_116 = tpu.memref_slice %arg9[%add3A_80, %dma_wait3A_115] : memref<40x128xi32, #tpu.memory_space<vmem>> -> memref<1x128xi32, #tpu.memory_space<vmem>>
          %dma_wait3A_117 = tpu.memref_squeeze %dma_wait3A_116 : memref<1x128xi32, #tpu.memory_space<vmem>> -> memref<128xi32, #tpu.memory_space<vmem>>
          %dma_wait3A_118 = arith.constant 0 : i32
          %dma_wait3A_119 = arith.constant 0 : i32
          %dma_wait3A_120 = tpu.memref_slice %arg7[%dma_wait3A_118, %dma_wait3A_119] : memref<10016x128xf32, #tpu.memory_space<vmem_shared>> -> memref<10016x128xf32, #tpu.memory_space<vmem_shared>>
          tpu.wait_indirect_dma semaphore(%run_scoped3A : memref<!tpu.dma_semaphore, #tpu.memory_space<semaphore_mem>>) src(%arg10 : memref<128x128xf32, #tpu.memory_space<vmem>>) dst(%dma_wait3A_120 : memref<10016x128xf32, #tpu.memory_space<vmem_shared>>)
          tpu.yield
        }) : () -> ()
        %add3A_86 = arith.constant 2 : i32
        %add3A_87 = arith.addi %add3A_80, %add3A_86 : i32
        %lt3A = arith.constant 40 : i32
        %lt3A_88 = arith.cmpi slt, %add3A_87, %lt3A : i32
        %convert_element_type3A_89 = arith.extui %lt3A_88 : i1 to i32
        %cond3A_90 = arith.constant 0 : i32
        %cond3A_91 = arith.cmpi ne, %convert_element_type3A_89, %cond3A_90 : i32
        scf.if %cond3A_91 {
          %add3A_109 = arith.constant 2 : i32
          %add3A_110 = arith.addi %add3A_80, %add3A_109 : i32
          %dma_start3A_111 = arith.constant 0 : i32
          %dma_start3A_112 = arith.constant 0 : i32
          %dma_start3A_113 = tpu.memref_slice %arg10[%dma_start3A_111, %dma_start3A_112] : memref<128x128xf32, #tpu.memory_space<vmem>> -> memref<64x128xf32, #tpu.memory_space<vmem>>
          %dma_start3A_114 = arith.constant 0 : i32
          %dma_start3A_115 = tpu.memref_slice %arg8[%add3A_110, %dma_start3A_114] : memref<40x128xi32, #tpu.memory_space<vmem>> -> memref<1x64xi32, #tpu.memory_space<vmem>>
          %dma_start3A_116 = tpu.memref_squeeze %dma_start3A_115 : memref<1x64xi32, #tpu.memory_space<vmem>> -> memref<64xi32, #tpu.memory_space<vmem>>
          %dma_start3A_117 = arith.constant 0 : i32
          %dma_start3A_118 = arith.constant 0 : i32
          %dma_start3A_119 = tpu.memref_slice %arg2[%dma_start3A_117, %dma_start3A_118] : memref<10000x128xf32, #tpu.memory_space<hbm>> -> memref<10000x128xf32, #tpu.memory_space<hbm>>
          tpu.enqueue_indirect_dma source(%dma_start3A_119 : memref<10000x128xf32, #tpu.memory_space<hbm>>) target(%dma_start3A_113 : memref<64x128xf32, #tpu.memory_space<vmem>>) offsets(%dma_start3A_116 : memref<64xi32, #tpu.memory_space<vmem>>) semaphore(%arg12 : memref<!tpu.dma_semaphore, #tpu.memory_space<semaphore_mem>>)
          %dma_start3A_120 = arith.constant 64 : i32
          %dma_start3A_121 = arith.constant 0 : i32
          %dma_start3A_122 = tpu.memref_slice %arg10[%dma_start3A_120, %dma_start3A_121] : memref<128x128xf32, #tpu.memory_space<vmem>> -> memref<64x128xf32, #tpu.memory_space<vmem>>
          %dma_start3A_123 = arith.constant 64 : i32
          %dma_start3A_124 = tpu.memref_slice %arg8[%add3A_110, %dma_start3A_123] : memref<40x128xi32, #tpu.memory_space<vmem>> -> memref<1x64xi32, #tpu.memory_space<vmem>>
          %dma_start3A_125 = tpu.memref_squeeze %dma_start3A_124 : memref<1x64xi32, #tpu.memory_space<vmem>> -> memref<64xi32, #tpu.memory_space<vmem>>
          %dma_start3A_126 = arith.constant 0 : i32
          %dma_start3A_127 = arith.constant 0 : i32
          %dma_start3A_128 = tpu.memref_slice %arg2[%dma_start3A_126, %dma_start3A_127] : memref<10000x128xf32, #tpu.memory_space<hbm>> -> memref<10000x128xf32, #tpu.memory_space<hbm>>
          tpu.enqueue_indirect_dma source(%dma_start3A_128 : memref<10000x128xf32, #tpu.memory_space<hbm>>) target(%dma_start3A_122 : memref<64x128xf32, #tpu.memory_space<vmem>>) offsets(%dma_start3A_125 : memref<64xi32, #tpu.memory_space<vmem>>) semaphore(%arg12 : memref<!tpu.dma_semaphore, #tpu.memory_space<semaphore_mem>>)
        } else {
        }
        %add3A_92 = arith.constant 1 : i32
        %add3A_93 = arith.addi %add3A_80, %add3A_92 : i32
        %dma_wait3A_94 = arith.constant 0 : i32
        %dma_wait3A_95 = tpu.memref_slice %arg8[%add3A_93, %dma_wait3A_94] : memref<40x128xi32, #tpu.memory_space<vmem>> -> memref<1x128xi32, #tpu.memory_space<vmem>>
        %dma_wait3A_96 = tpu.memref_squeeze %dma_wait3A_95 : memref<1x128xi32, #tpu.memory_space<vmem>> -> memref<128xi32, #tpu.memory_space<vmem>>
        %dma_wait3A_97 = arith.constant 0 : i32
        %dma_wait3A_98 = arith.constant 0 : i32
        %dma_wait3A_99 = tpu.memref_slice %arg2[%dma_wait3A_97, %dma_wait3A_98] : memref<10000x128xf32, #tpu.memory_space<hbm>> -> memref<10000x128xf32, #tpu.memory_space<hbm>>
        tpu.wait_indirect_dma semaphore(%arg13 : memref<!tpu.dma_semaphore, #tpu.memory_space<semaphore_mem>>) src(%dma_wait3A_99 : memref<10000x128xf32, #tpu.memory_space<hbm>>) dst(%arg11 : memref<128x128xf32, #tpu.memory_space<vmem>>)
        %add3A_100 = arith.constant 1 : i32
        %add3A_101 = arith.addi %add3A_80, %add3A_100 : i32
        "tpu.region"() ({
          %run_scoped3A = tpu.sem_alloc : memref<!tpu.dma_semaphore, #tpu.memory_space<semaphore_mem>>
          %dma_start3A_109 = arith.constant 0 : i32
          %dma_start3A_110 = tpu.memref_slice %arg9[%add3A_101, %dma_start3A_109] : memref<40x128xi32, #tpu.memory_space<vmem>> -> memref<1x128xi32, #tpu.memory_space<vmem>>
          %dma_start3A_111 = tpu.memref_squeeze %dma_start3A_110 : memref<1x128xi32, #tpu.memory_space<vmem>> -> memref<128xi32, #tpu.memory_space<vmem>>
          %dma_start3A_112 = arith.constant 0 : i32
          %dma_start3A_113 = arith.constant 0 : i32
          %dma_start3A_114 = tpu.memref_slice %arg7[%dma_start3A_112, %dma_start3A_113] : memref<10016x128xf32, #tpu.memory_space<vmem_shared>> -> memref<10016x128xf32, #tpu.memory_space<vmem_shared>>
          tpu.enqueue_indirect_dma source(%arg11 : memref<128x128xf32, #tpu.memory_space<vmem>>) target(%dma_start3A_114 : memref<10016x128xf32, #tpu.memory_space<vmem_shared>>) offsets(%dma_start3A_111 : memref<128xi32, #tpu.memory_space<vmem>>) semaphore(%run_scoped3A : memref<!tpu.dma_semaphore, #tpu.memory_space<semaphore_mem>>) {add = true}
          %dma_wait3A_115 = arith.constant 0 : i32
          %dma_wait3A_116 = tpu.memref_slice %arg9[%add3A_101, %dma_wait3A_115] : memref<40x128xi32, #tpu.memory_space<vmem>> -> memref<1x128xi32, #tpu.memory_space<vmem>>
          %dma_wait3A_117 = tpu.memref_squeeze %dma_wait3A_116 : memref<1x128xi32, #tpu.memory_space<vmem>> -> memref<128xi32, #tpu.memory_space<vmem>>
          %dma_wait3A_118 = arith.constant 0 : i32
          %dma_wait3A_119 = arith.constant 0 : i32
          %dma_wait3A_120 = tpu.memref_slice %arg7[%dma_wait3A_118, %dma_wait3A_119] : memref<10016x128xf32, #tpu.memory_space<vmem_shared>> -> memref<10016x128xf32, #tpu.memory_space<vmem_shared>>
          tpu.wait_indirect_dma semaphore(%run_scoped3A : memref<!tpu.dma_semaphore, #tpu.memory_space<semaphore_mem>>) src(%arg11 : memref<128x128xf32, #tpu.memory_space<vmem>>) dst(%dma_wait3A_120 : memref<10016x128xf32, #tpu.memory_space<vmem_shared>>)
          tpu.yield
        }) : () -> ()
        %add3A_102 = arith.constant 3 : i32
        %add3A_103 = arith.addi %add3A_80, %add3A_102 : i32
        %lt3A_104 = arith.constant 40 : i32
        %lt3A_105 = arith.cmpi slt, %add3A_103, %lt3A_104 : i32
        %convert_element_type3A_106 = arith.extui %lt3A_105 : i1 to i32
        %cond3A_107 = arith.constant 0 : i32
        %cond3A_108 = arith.cmpi ne, %convert_element_type3A_106, %cond3A_107 : i32
        scf.if %cond3A_108 {
          %add3A_109 = arith.constant 3 : i32
          %add3A_110 = arith.addi %add3A_80, %add3A_109 : i32
          %dma_start3A_111 = arith.constant 0 : i32
          %dma_start3A_112 = arith.constant 0 : i32
          %dma_start3A_113 = tpu.memref_slice %arg11[%dma_start3A_111, %dma_start3A_112] : memref<128x128xf32, #tpu.memory_space<vmem>> -> memref<64x128xf32, #tpu.memory_space<vmem>>
          %dma_start3A_114 = arith.constant 0 : i32
          %dma_start3A_115 = tpu.memref_slice %arg8[%add3A_110, %dma_start3A_114] : memref<40x128xi32, #tpu.memory_space<vmem>> -> memref<1x64xi32, #tpu.memory_space<vmem>>
          %dma_start3A_116 = tpu.memref_squeeze %dma_start3A_115 : memref<1x64xi32, #tpu.memory_space<vmem>> -> memref<64xi32, #tpu.memory_space<vmem>>
          %dma_start3A_117 = arith.constant 0 : i32
          %dma_start3A_118 = arith.constant 0 : i32
          %dma_start3A_119 = tpu.memref_slice %arg2[%dma_start3A_117, %dma_start3A_118] : memref<10000x128xf32, #tpu.memory_space<hbm>> -> memref<10000x128xf32, #tpu.memory_space<hbm>>
          tpu.enqueue_indirect_dma source(%dma_start3A_119 : memref<10000x128xf32, #tpu.memory_space<hbm>>) target(%dma_start3A_113 : memref<64x128xf32, #tpu.memory_space<vmem>>) offsets(%dma_start3A_116 : memref<64xi32, #tpu.memory_space<vmem>>) semaphore(%arg13 : memref<!tpu.dma_semaphore, #tpu.memory_space<semaphore_mem>>)
          %dma_start3A_120 = arith.constant 64 : i32
          %dma_start3A_121 = arith.constant 0 : i32
          %dma_start3A_122 = tpu.memref_slice %arg11[%dma_start3A_120, %dma_start3A_121] : memref<128x128xf32, #tpu.memory_space<vmem>> -> memref<64x128xf32, #tpu.memory_space<vmem>>
          %dma_start3A_123 = arith.constant 64 : i32
          %dma_start3A_124 = tpu.memref_slice %arg8[%add3A_110, %dma_start3A_123] : memref<40x128xi32, #tpu.memory_space<vmem>> -> memref<1x64xi32, #tpu.memory_space<vmem>>
          %dma_start3A_125 = tpu.memref_squeeze %dma_start3A_124 : memref<1x64xi32, #tpu.memory_space<vmem>> -> memref<64xi32, #tpu.memory_space<vmem>>
          %dma_start3A_126 = arith.constant 0 : i32
          %dma_start3A_127 = arith.constant 0 : i32
          %dma_start3A_128 = tpu.memref_slice %arg2[%dma_start3A_126, %dma_start3A_127] : memref<10000x128xf32, #tpu.memory_space<hbm>> -> memref<10000x128xf32, #tpu.memory_space<hbm>>
          tpu.enqueue_indirect_dma source(%dma_start3A_128 : memref<10000x128xf32, #tpu.memory_space<hbm>>) target(%dma_start3A_122 : memref<64x128xf32, #tpu.memory_space<vmem>>) offsets(%dma_start3A_125 : memref<64xi32, #tpu.memory_space<vmem>>) semaphore(%arg13 : memref<!tpu.dma_semaphore, #tpu.memory_space<semaphore_mem>>)
        } else {
        }
      }
      %scan3A_75 = arith.constant 20 : i32
    }
    %scan3A_10 = arith.constant 2 : i32
    %barrier3A_11 = arith.constant 0 : index
    tpu.barrier barrier_id(%barrier3A_11)
    %mul3A_12 = arith.constant 624 : i32
    %mul3A_13 = arith.muli %arg1, %mul3A_12 : i32
    %mul3A_14 = arith.constant 624 : i32
    %mul3A_15 = arith.muli %arg1, %mul3A_14 : i32
    "tpu.region"() ({
      %run_scoped3A = tpu.sem_alloc : memref<!tpu.dma_semaphore, #tpu.memory_space<semaphore_mem>>
      %dma_start3A = arith.constant 0 : i32
      %dma_start3A_21 = tpu.memref_slice %arg6[%arg0, %mul3A_15, %dma_start3A] : memref<2x10000x128xf32, #tpu.memory_space<hbm>> -> memref<1x624x128xf32, #tpu.memory_space<hbm>>
      %dma_start3A_22 = tpu.memref_squeeze %dma_start3A_21 : memref<1x624x128xf32, #tpu.memory_space<hbm>> -> memref<624x128xf32, #tpu.memory_space<hbm>>
      %dma_start3A_23 = arith.constant 0 : i32
      %dma_start3A_24 = tpu.memref_slice %arg7[%mul3A_13, %dma_start3A_23] : memref<10016x128xf32, #tpu.memory_space<vmem_shared>> -> memref<624x128xf32, #tpu.memory_space<vmem_shared>>
      tpu.enqueue_dma source(%dma_start3A_24 : memref<624x128xf32, #tpu.memory_space<vmem_shared>>) target(%dma_start3A_22 : memref<624x128xf32, #tpu.memory_space<hbm>>) target_semaphore(%run_scoped3A : memref<!tpu.dma_semaphore, #tpu.memory_space<semaphore_mem>>)
      %dma_wait3A = arith.constant 0 : i32
      %dma_wait3A_25 = tpu.memref_slice %arg6[%arg0, %mul3A_15, %dma_wait3A] : memref<2x10000x128xf32, #tpu.memory_space<hbm>> -> memref<1x624x128xf32, #tpu.memory_space<hbm>>
      %dma_wait3A_26 = tpu.memref_squeeze %dma_wait3A_25 : memref<1x624x128xf32, #tpu.memory_space<hbm>> -> memref<624x128xf32, #tpu.memory_space<hbm>>
      %dma_wait3A_27 = arith.constant 0 : i32
      %dma_wait3A_28 = tpu.memref_slice %arg7[%mul3A_13, %dma_wait3A_27] : memref<10016x128xf32, #tpu.memory_space<vmem_shared>> -> memref<624x128xf32, #tpu.memory_space<vmem_shared>>
      tpu.wait_dma2 semaphore(%run_scoped3A : memref<!tpu.dma_semaphore, #tpu.memory_space<semaphore_mem>>) src(%dma_wait3A_28 : memref<624x128xf32, #tpu.memory_space<vmem_shared>>) dst(%dma_wait3A_26 : memref<624x128xf32, #tpu.memory_space<hbm>>)
      tpu.yield
    }) : () -> ()
    %eq3A_16 = arith.constant 0 : i32
    %eq3A_17 = arith.cmpi eq, %arg1, %eq3A_16 : i32
    %convert_element_type3A_18 = arith.extui %eq3A_17 : i1 to i32
    %cond3A_19 = arith.constant 0 : i32
    %cond3A_20 = arith.cmpi ne, %convert_element_type3A_18, %cond3A_19 : i32
    scf.if %cond3A_20 {
      "tpu.region"() ({
        %run_scoped3A = tpu.sem_alloc : memref<!tpu.dma_semaphore, #tpu.memory_space<semaphore_mem>>
        %dma_start3A = arith.constant 9984 : i32
        %dma_start3A_21 = arith.constant 0 : i32
        %dma_start3A_22 = tpu.memref_slice %arg6[%arg0, %dma_start3A, %dma_start3A_21] : memref<2x10000x128xf32, #tpu.memory_space<hbm>> -> memref<1x16x128xf32, #tpu.memory_space<hbm>>
        %dma_start3A_23 = tpu.memref_squeeze %dma_start3A_22 : memref<1x16x128xf32, #tpu.memory_space<hbm>> -> memref<16x128xf32, #tpu.memory_space<hbm>>
        %dma_start3A_24 = arith.constant 9984 : i32
        %dma_start3A_25 = arith.constant 0 : i32
        %dma_start3A_26 = tpu.memref_slice %arg7[%dma_start3A_24, %dma_start3A_25] : memref<10016x128xf32, #tpu.memory_space<vmem_shared>> -> memref<16x128xf32, #tpu.memory_space<vmem_shared>>
        tpu.enqueue_dma source(%dma_start3A_26 : memref<16x128xf32, #tpu.memory_space<vmem_shared>>) target(%dma_start3A_23 : memref<16x128xf32, #tpu.memory_space<hbm>>) target_semaphore(%run_scoped3A : memref<!tpu.dma_semaphore, #tpu.memory_space<semaphore_mem>>)
        %dma_wait3A = arith.constant 9984 : i32
        %dma_wait3A_27 = arith.constant 0 : i32
        %dma_wait3A_28 = tpu.memref_slice %arg6[%arg0, %dma_wait3A, %dma_wait3A_27] : memref<2x10000x128xf32, #tpu.memory_space<hbm>> -> memref<1x16x128xf32, #tpu.memory_space<hbm>>
        %dma_wait3A_29 = tpu.memref_squeeze %dma_wait3A_28 : memref<1x16x128xf32, #tpu.memory_space<hbm>> -> memref<16x128xf32, #tpu.memory_space<hbm>>
        %dma_wait3A_30 = arith.constant 9984 : i32
        %dma_wait3A_31 = arith.constant 0 : i32
        %dma_wait3A_32 = tpu.memref_slice %arg7[%dma_wait3A_30, %dma_wait3A_31] : memref<10016x128xf32, #tpu.memory_space<vmem_shared>> -> memref<16x128xf32, #tpu.memory_space<vmem_shared>>
        tpu.wait_dma2 semaphore(%run_scoped3A : memref<!tpu.dma_semaphore, #tpu.memory_space<semaphore_mem>>) src(%dma_wait3A_32 : memref<16x128xf32, #tpu.memory_space<vmem_shared>>) dst(%dma_wait3A_29 : memref<16x128xf32, #tpu.memory_space<hbm>>)
        tpu.yield
      }) : () -> ()
    } else {
    }
    return
  }
}

#map = affine_map<(d0, d1) -> (0, 0)>
#map1 = affine_map<(d0, d1) -> (0, 0, 0)>
module attributes {stable_mosaic.version = 14 : i64} {
  func.func @_sc_agg_body(%arg0: i32, %arg1: i32, %arg2: memref<10000x128xf32, #tpu.memory_space<hbm>>, %arg3: memref<2560x128xi32, #tpu.memory_space<hbm>>, %arg4: memref<2560x128xi32, #tpu.memory_space<hbm>>, %arg5: memref<624x128xf32, #tpu.memory_space<hbm>>, %arg6: memref<2x10000x128xf32, #tpu.memory_space<hbm>>, %arg7: memref<10016x128xf32, #tpu.memory_space<vmem_shared>>, %arg8: memref<40x128xi32, #tpu.memory_space<vmem>>, %arg9: memref<40x128xi32, #tpu.memory_space<vmem>>, %arg10: memref<128x128xf32, #tpu.memory_space<vmem>>, %arg11: memref<128x128xf32, #tpu.memory_space<vmem>>, %arg12: memref<!tpu.dma_semaphore, #tpu.memory_space<semaphore_mem>>, %arg13: memref<!tpu.dma_semaphore, #tpu.memory_space<semaphore_mem>>) attributes {dimension_semantics = [#tpu.dimension_semantics<core_parallel>, #tpu.dimension_semantics<subcore_parallel>], iteration_bounds = array<i64: 2, 16>, scalar_prefetch = 0 : i64, scratch_operands = 7 : i64, tpu.core_type = #tpu.core_type<sc_vector_subcore>, window_params = [{transform_indices = #map}, {transform_indices = #map}, {transform_indices = #map}, {transform_indices = #map}, {transform_indices = #map1}]} {
    %mul3A = arith.constant 16 : i32
    %mul3A_0 = arith.muli %arg0, %mul3A : i32
    %add3A = arith.addi %mul3A_0, %arg1 : i32
    %mul3A_1 = arith.constant 80 : i32
    %mul3A_2 = arith.muli %add3A, %mul3A_1 : i32
    %mul3A_3 = arith.constant 624 : i32
    %mul3A_4 = arith.muli %arg1, %mul3A_3 : i32
    "tpu.region"() ({
      %run_scoped3A = tpu.sem_alloc : memref<!tpu.dma_semaphore, #tpu.memory_space<semaphore_mem>>
      %dma_start3A = arith.constant 0 : i32
      %dma_start3A_21 = tpu.memref_slice %arg7[%mul3A_4, %dma_start3A] : memref<10016x128xf32, #tpu.memory_space<vmem_shared>> -> memref<624x128xf32, #tpu.memory_space<vmem_shared>>
      tpu.enqueue_dma source(%arg5 : memref<624x128xf32, #tpu.memory_space<hbm>>) target(%dma_start3A_21 : memref<624x128xf32, #tpu.memory_space<vmem_shared>>) target_semaphore(%run_scoped3A : memref<!tpu.dma_semaphore, #tpu.memory_space<semaphore_mem>>)
      %dma_wait3A = arith.constant 0 : i32
      %dma_wait3A_22 = tpu.memref_slice %arg7[%mul3A_4, %dma_wait3A] : memref<10016x128xf32, #tpu.memory_space<vmem_shared>> -> memref<624x128xf32, #tpu.memory_space<vmem_shared>>
      tpu.wait_dma2 semaphore(%run_scoped3A : memref<!tpu.dma_semaphore, #tpu.memory_space<semaphore_mem>>) src(%arg5 : memref<624x128xf32, #tpu.memory_space<hbm>>) dst(%dma_wait3A_22 : memref<624x128xf32, #tpu.memory_space<vmem_shared>>)
      tpu.yield
    }) : () -> ()
    %eq3A = arith.constant 0 : i32
    %eq3A_5 = arith.cmpi eq, %arg1, %eq3A : i32
    %convert_element_type3A = arith.extui %eq3A_5 : i1 to i32
    %cond3A = arith.constant 0 : i32
    %cond3A_6 = arith.cmpi ne, %convert_element_type3A, %cond3A : i32
    scf.if %cond3A_6 {
      "tpu.region"() ({
        %run_scoped3A = tpu.sem_alloc : memref<!tpu.dma_semaphore, #tpu.memory_space<semaphore_mem>>
        %dma_start3A = arith.constant 9984 : i32
        %dma_start3A_21 = arith.constant 0 : i32
        %dma_start3A_22 = tpu.memref_slice %arg7[%dma_start3A, %dma_start3A_21] : memref<10016x128xf32, #tpu.memory_space<vmem_shared>> -> memref<32x128xf32, #tpu.memory_space<vmem_shared>>
        %dma_start3A_23 = arith.constant 0 : i32
        %dma_start3A_24 = arith.constant 0 : i32
        %dma_start3A_25 = tpu.memref_slice %arg5[%dma_start3A_23, %dma_start3A_24] : memref<624x128xf32, #tpu.memory_space<hbm>> -> memref<32x128xf32, #tpu.memory_space<hbm>>
        tpu.enqueue_dma source(%dma_start3A_25 : memref<32x128xf32, #tpu.memory_space<hbm>>) target(%dma_start3A_22 : memref<32x128xf32, #tpu.memory_space<vmem_shared>>) target_semaphore(%run_scoped3A : memref<!tpu.dma_semaphore, #tpu.memory_space<semaphore_mem>>)
        %dma_wait3A = arith.constant 9984 : i32
        %dma_wait3A_26 = arith.constant 0 : i32
        %dma_wait3A_27 = tpu.memref_slice %arg7[%dma_wait3A, %dma_wait3A_26] : memref<10016x128xf32, #tpu.memory_space<vmem_shared>> -> memref<32x128xf32, #tpu.memory_space<vmem_shared>>
        %dma_wait3A_28 = arith.constant 0 : i32
        %dma_wait3A_29 = arith.constant 0 : i32
        %dma_wait3A_30 = tpu.memref_slice %arg5[%dma_wait3A_28, %dma_wait3A_29] : memref<624x128xf32, #tpu.memory_space<hbm>> -> memref<32x128xf32, #tpu.memory_space<hbm>>
        tpu.wait_dma2 semaphore(%run_scoped3A : memref<!tpu.dma_semaphore, #tpu.memory_space<semaphore_mem>>) src(%dma_wait3A_30 : memref<32x128xf32, #tpu.memory_space<hbm>>) dst(%dma_wait3A_27 : memref<32x128xf32, #tpu.memory_space<vmem_shared>>)
        tpu.yield
      }) : () -> ()
    } else {
    }
    %barrier3A = arith.constant 0 : index
    tpu.barrier barrier_id(%barrier3A)
    %scan3A = arith.constant 0 : i32
    %scan3A_7 = arith.constant 2 : i32
    %scan3A_8 = arith.addi %scan3A, %scan3A_7 : i32
    %scan3A_9 = arith.constant 1 : i32
    scf.for %scan3A_21 = %scan3A to %scan3A_8 step %scan3A_9  : i32 {
      %mul3A_22 = arith.constant 1 : i32
      %mul3A_23 = arith.muli %scan3A_21, %mul3A_22 : i32
      %add3A_24 = arith.constant 0 : i32
      %add3A_25 = arith.addi %add3A_24, %mul3A_23 : i32
      %mul3A_26 = arith.constant 40 : i32
      %mul3A_27 = arith.muli %add3A_25, %mul3A_26 : i32
      %add3A_28 = arith.addi %mul3A_2, %mul3A_27 : i32
      "tpu.region"() ({
        %run_scoped3A = tpu.sem_alloc : memref<!tpu.dma_semaphore, #tpu.memory_space<semaphore_mem>>
        %dma_start3A_76 = arith.constant 0 : i32
        %dma_start3A_77 = tpu.memref_slice %arg3[%add3A_28, %dma_start3A_76] : memref<2560x128xi32, #tpu.memory_space<hbm>> -> memref<40x128xi32, #tpu.memory_space<hbm>>
        %dma_start3A_78 = arith.constant 0 : i32
        %dma_start3A_79 = tpu.memref_slice %arg3[%add3A_28, %dma_start3A_78] : memref<2560x128xi32, #tpu.memory_space<hbm>> -> memref<40x128xi32, #tpu.memory_space<hbm>>
        tpu.enqueue_dma source(%dma_start3A_79 : memref<40x128xi32, #tpu.memory_space<hbm>>) target(%arg8 : memref<40x128xi32, #tpu.memory_space<vmem>>) target_semaphore(%run_scoped3A : memref<!tpu.dma_semaphore, #tpu.memory_space<semaphore_mem>>)
        %dma_wait3A = arith.constant 0 : i32
        %dma_wait3A_80 = tpu.memref_slice %arg3[%add3A_28, %dma_wait3A] : memref<2560x128xi32, #tpu.memory_space<hbm>> -> memref<40x128xi32, #tpu.memory_space<hbm>>
        %dma_wait3A_81 = arith.constant 0 : i32
        %dma_wait3A_82 = tpu.memref_slice %arg3[%add3A_28, %dma_wait3A_81] : memref<2560x128xi32, #tpu.memory_space<hbm>> -> memref<40x128xi32, #tpu.memory_space<hbm>>
        tpu.wait_dma2 semaphore(%run_scoped3A : memref<!tpu.dma_semaphore, #tpu.memory_space<semaphore_mem>>) src(%dma_wait3A_82 : memref<40x128xi32, #tpu.memory_space<hbm>>) dst(%arg8 : memref<40x128xi32, #tpu.memory_space<vmem>>)
        tpu.yield
      }) : () -> ()
      %mul3A_29 = arith.constant 40 : i32
      %mul3A_30 = arith.muli %add3A_25, %mul3A_29 : i32
      %add3A_31 = arith.addi %mul3A_2, %mul3A_30 : i32
      "tpu.region"() ({
        %run_scoped3A = tpu.sem_alloc : memref<!tpu.dma_semaphore, #tpu.memory_space<semaphore_mem>>
        %dma_start3A_76 = arith.constant 0 : i32
        %dma_start3A_77 = tpu.memref_slice %arg4[%add3A_31, %dma_start3A_76] : memref<2560x128xi32, #tpu.memory_space<hbm>> -> memref<40x128xi32, #tpu.memory_space<hbm>>
        %dma_start3A_78 = arith.constant 0 : i32
        %dma_start3A_79 = tpu.memref_slice %arg4[%add3A_31, %dma_start3A_78] : memref<2560x128xi32, #tpu.memory_space<hbm>> -> memref<40x128xi32, #tpu.memory_space<hbm>>
        tpu.enqueue_dma source(%dma_start3A_79 : memref<40x128xi32, #tpu.memory_space<hbm>>) target(%arg9 : memref<40x128xi32, #tpu.memory_space<vmem>>) target_semaphore(%run_scoped3A : memref<!tpu.dma_semaphore, #tpu.memory_space<semaphore_mem>>)
        %dma_wait3A = arith.constant 0 : i32
        %dma_wait3A_80 = tpu.memref_slice %arg4[%add3A_31, %dma_wait3A] : memref<2560x128xi32, #tpu.memory_space<hbm>> -> memref<40x128xi32, #tpu.memory_space<hbm>>
        %dma_wait3A_81 = arith.constant 0 : i32
        %dma_wait3A_82 = tpu.memref_slice %arg4[%add3A_31, %dma_wait3A_81] : memref<2560x128xi32, #tpu.memory_space<hbm>> -> memref<40x128xi32, #tpu.memory_space<hbm>>
        tpu.wait_dma2 semaphore(%run_scoped3A : memref<!tpu.dma_semaphore, #tpu.memory_space<semaphore_mem>>) src(%dma_wait3A_82 : memref<40x128xi32, #tpu.memory_space<hbm>>) dst(%arg9 : memref<40x128xi32, #tpu.memory_space<vmem>>)
        tpu.yield
      }) : () -> ()
      %dma_start3A = arith.constant 0 : i32
      %dma_start3A_32 = arith.constant 0 : i32
      %dma_start3A_33 = arith.constant 0 : i32
      %dma_start3A_34 = tpu.memref_slice %arg10[%dma_start3A_32, %dma_start3A_33] : memref<128x128xf32, #tpu.memory_space<vmem>> -> memref<64x128xf32, #tpu.memory_space<vmem>>
      %dma_start3A_35 = arith.constant 0 : i32
      %dma_start3A_36 = tpu.memref_slice %arg8[%dma_start3A, %dma_start3A_35] : memref<40x128xi32, #tpu.memory_space<vmem>> -> memref<1x64xi32, #tpu.memory_space<vmem>>
      %dma_start3A_37 = tpu.memref_squeeze %dma_start3A_36 : memref<1x64xi32, #tpu.memory_space<vmem>> -> memref<64xi32, #tpu.memory_space<vmem>>
      %dma_start3A_38 = arith.constant 0 : i32
      %dma_start3A_39 = arith.constant 0 : i32
      %dma_start3A_40 = tpu.memref_slice %arg2[%dma_start3A_38, %dma_start3A_39] : memref<10000x128xf32, #tpu.memory_space<hbm>> -> memref<10000x128xf32, #tpu.memory_space<hbm>>
      tpu.enqueue_indirect_dma source(%dma_start3A_40 : memref<10000x128xf32, #tpu.memory_space<hbm>>) target(%dma_start3A_34 : memref<64x128xf32, #tpu.memory_space<vmem>>) offsets(%dma_start3A_37 : memref<64xi32, #tpu.memory_space<vmem>>) semaphore(%arg12 : memref<!tpu.dma_semaphore, #tpu.memory_space<semaphore_mem>>)
      %dma_start3A_41 = arith.constant 0 : i32
      %dma_start3A_42 = arith.constant 64 : i32
      %dma_start3A_43 = arith.constant 0 : i32
      %dma_start3A_44 = tpu.memref_slice %arg10[%dma_start3A_42, %dma_start3A_43] : memref<128x128xf32, #tpu.memory_space<vmem>> -> memref<64x128xf32, #tpu.memory_space<vmem>>
      %dma_start3A_45 = arith.constant 64 : i32
      %dma_start3A_46 = tpu.memref_slice %arg8[%dma_start3A_41, %dma_start3A_45] : memref<40x128xi32, #tpu.memory_space<vmem>> -> memref<1x64xi32, #tpu.memory_space<vmem>>
      %dma_start3A_47 = tpu.memref_squeeze %dma_start3A_46 : memref<1x64xi32, #tpu.memory_space<vmem>> -> memref<64xi32, #tpu.memory_space<vmem>>
      %dma_start3A_48 = arith.constant 0 : i32
      %dma_start3A_49 = arith.constant 0 : i32
      %dma_start3A_50 = tpu.memref_slice %arg2[%dma_start3A_48, %dma_start3A_49] : memref<10000x128xf32, #tpu.memory_space<hbm>> -> memref<10000x128xf32, #tpu.memory_space<hbm>>
      tpu.enqueue_indirect_dma source(%dma_start3A_50 : memref<10000x128xf32, #tpu.memory_space<hbm>>) target(%dma_start3A_44 : memref<64x128xf32, #tpu.memory_space<vmem>>) offsets(%dma_start3A_47 : memref<64xi32, #tpu.memory_space<vmem>>) semaphore(%arg12 : memref<!tpu.dma_semaphore, #tpu.memory_space<semaphore_mem>>)
      %dma_start3A_51 = arith.constant 1 : i32
      %dma_start3A_52 = arith.constant 0 : i32
      %dma_start3A_53 = arith.constant 0 : i32
      %dma_start3A_54 = tpu.memref_slice %arg11[%dma_start3A_52, %dma_start3A_53] : memref<128x128xf32, #tpu.memory_space<vmem>> -> memref<64x128xf32, #tpu.memory_space<vmem>>
      %dma_start3A_55 = arith.constant 0 : i32
      %dma_start3A_56 = tpu.memref_slice %arg8[%dma_start3A_51, %dma_start3A_55] : memref<40x128xi32, #tpu.memory_space<vmem>> -> memref<1x64xi32, #tpu.memory_space<vmem>>
      %dma_start3A_57 = tpu.memref_squeeze %dma_start3A_56 : memref<1x64xi32, #tpu.memory_space<vmem>> -> memref<64xi32, #tpu.memory_space<vmem>>
      %dma_start3A_58 = arith.constant 0 : i32
      %dma_start3A_59 = arith.constant 0 : i32
      %dma_start3A_60 = tpu.memref_slice %arg2[%dma_start3A_58, %dma_start3A_59] : memref<10000x128xf32, #tpu.memory_space<hbm>> -> memref<10000x128xf32, #tpu.memory_space<hbm>>
      tpu.enqueue_indirect_dma source(%dma_start3A_60 : memref<10000x128xf32, #tpu.memory_space<hbm>>) target(%dma_start3A_54 : memref<64x128xf32, #tpu.memory_space<vmem>>) offsets(%dma_start3A_57 : memref<64xi32, #tpu.memory_space<vmem>>) semaphore(%arg13 : memref<!tpu.dma_semaphore, #tpu.memory_space<semaphore_mem>>)
      %dma_start3A_61 = arith.constant 1 : i32
      %dma_start3A_62 = arith.constant 64 : i32
      %dma_start3A_63 = arith.constant 0 : i32
      %dma_start3A_64 = tpu.memref_slice %arg11[%dma_start3A_62, %dma_start3A_63] : memref<128x128xf32, #tpu.memory_space<vmem>> -> memref<64x128xf32, #tpu.memory_space<vmem>>
      %dma_start3A_65 = arith.constant 64 : i32
      %dma_start3A_66 = tpu.memref_slice %arg8[%dma_start3A_61, %dma_start3A_65] : memref<40x128xi32, #tpu.memory_space<vmem>> -> memref<1x64xi32, #tpu.memory_space<vmem>>
      %dma_start3A_67 = tpu.memref_squeeze %dma_start3A_66 : memref<1x64xi32, #tpu.memory_space<vmem>> -> memref<64xi32, #tpu.memory_space<vmem>>
      %dma_start3A_68 = arith.constant 0 : i32
      %dma_start3A_69 = arith.constant 0 : i32
      %dma_start3A_70 = tpu.memref_slice %arg2[%dma_start3A_68, %dma_start3A_69] : memref<10000x128xf32, #tpu.memory_space<hbm>> -> memref<10000x128xf32, #tpu.memory_space<hbm>>
      tpu.enqueue_indirect_dma source(%dma_start3A_70 : memref<10000x128xf32, #tpu.memory_space<hbm>>) target(%dma_start3A_64 : memref<64x128xf32, #tpu.memory_space<vmem>>) offsets(%dma_start3A_67 : memref<64xi32, #tpu.memory_space<vmem>>) semaphore(%arg13 : memref<!tpu.dma_semaphore, #tpu.memory_space<semaphore_mem>>)
      %scan3A_71 = arith.constant 0 : i32
      %scan3A_72 = arith.constant 20 : i32
      %scan3A_73 = arith.addi %scan3A_71, %scan3A_72 : i32
      %scan3A_74 = arith.constant 1 : i32
      scf.for %scan3A_76 = %scan3A_71 to %scan3A_73 step %scan3A_74  : i32 {
        %mul3A_77 = arith.constant 2 : i32
        %mul3A_78 = arith.muli %scan3A_76, %mul3A_77 : i32
        %add3A_79 = arith.constant 0 : i32
        %add3A_80 = arith.addi %add3A_79, %mul3A_78 : i32
        %dma_wait3A = arith.constant 0 : i32
        %dma_wait3A_81 = tpu.memref_slice %arg8[%add3A_80, %dma_wait3A] : memref<40x128xi32, #tpu.memory_space<vmem>> -> memref<1x128xi32, #tpu.memory_space<vmem>>
        %dma_wait3A_82 = tpu.memref_squeeze %dma_wait3A_81 : memref<1x128xi32, #tpu.memory_space<vmem>> -> memref<128xi32, #tpu.memory_space<vmem>>
        %dma_wait3A_83 = arith.constant 0 : i32
        %dma_wait3A_84 = arith.constant 0 : i32
        %dma_wait3A_85 = tpu.memref_slice %arg2[%dma_wait3A_83, %dma_wait3A_84] : memref<10000x128xf32, #tpu.memory_space<hbm>> -> memref<10000x128xf32, #tpu.memory_space<hbm>>
        tpu.wait_indirect_dma semaphore(%arg12 : memref<!tpu.dma_semaphore, #tpu.memory_space<semaphore_mem>>) src(%dma_wait3A_85 : memref<10000x128xf32, #tpu.memory_space<hbm>>) dst(%arg10 : memref<128x128xf32, #tpu.memory_space<vmem>>)
        "tpu.region"() ({
          %run_scoped3A = tpu.sem_alloc : memref<!tpu.dma_semaphore, #tpu.memory_space<semaphore_mem>>
          %dma_start3A_109 = arith.constant 0 : i32
          %dma_start3A_110 = tpu.memref_slice %arg9[%add3A_80, %dma_start3A_109] : memref<40x128xi32, #tpu.memory_space<vmem>> -> memref<1x128xi32, #tpu.memory_space<vmem>>
          %dma_start3A_111 = tpu.memref_squeeze %dma_start3A_110 : memref<1x128xi32, #tpu.memory_space<vmem>> -> memref<128xi32, #tpu.memory_space<vmem>>
          %dma_start3A_112 = arith.constant 0 : i32
          %dma_start3A_113 = arith.constant 0 : i32
          %dma_start3A_114 = tpu.memref_slice %arg7[%dma_start3A_112, %dma_start3A_113] : memref<10016x128xf32, #tpu.memory_space<vmem_shared>> -> memref<10016x128xf32, #tpu.memory_space<vmem_shared>>
          tpu.enqueue_indirect_dma source(%arg10 : memref<128x128xf32, #tpu.memory_space<vmem>>) target(%dma_start3A_114 : memref<10016x128xf32, #tpu.memory_space<vmem_shared>>) offsets(%dma_start3A_111 : memref<128xi32, #tpu.memory_space<vmem>>) semaphore(%run_scoped3A : memref<!tpu.dma_semaphore, #tpu.memory_space<semaphore_mem>>) {add = true}
          %dma_wait3A_115 = arith.constant 0 : i32
          %dma_wait3A_116 = tpu.memref_slice %arg9[%add3A_80, %dma_wait3A_115] : memref<40x128xi32, #tpu.memory_space<vmem>> -> memref<1x128xi32, #tpu.memory_space<vmem>>
          %dma_wait3A_117 = tpu.memref_squeeze %dma_wait3A_116 : memref<1x128xi32, #tpu.memory_space<vmem>> -> memref<128xi32, #tpu.memory_space<vmem>>
          %dma_wait3A_118 = arith.constant 0 : i32
          %dma_wait3A_119 = arith.constant 0 : i32
          %dma_wait3A_120 = tpu.memref_slice %arg7[%dma_wait3A_118, %dma_wait3A_119] : memref<10016x128xf32, #tpu.memory_space<vmem_shared>> -> memref<10016x128xf32, #tpu.memory_space<vmem_shared>>
          tpu.wait_indirect_dma semaphore(%run_scoped3A : memref<!tpu.dma_semaphore, #tpu.memory_space<semaphore_mem>>) src(%arg10 : memref<128x128xf32, #tpu.memory_space<vmem>>) dst(%dma_wait3A_120 : memref<10016x128xf32, #tpu.memory_space<vmem_shared>>)
          tpu.yield
        }) : () -> ()
        %add3A_86 = arith.constant 2 : i32
        %add3A_87 = arith.addi %add3A_80, %add3A_86 : i32
        %lt3A = arith.constant 40 : i32
        %lt3A_88 = arith.cmpi slt, %add3A_87, %lt3A : i32
        %convert_element_type3A_89 = arith.extui %lt3A_88 : i1 to i32
        %cond3A_90 = arith.constant 0 : i32
        %cond3A_91 = arith.cmpi ne, %convert_element_type3A_89, %cond3A_90 : i32
        scf.if %cond3A_91 {
          %add3A_109 = arith.constant 2 : i32
          %add3A_110 = arith.addi %add3A_80, %add3A_109 : i32
          %dma_start3A_111 = arith.constant 0 : i32
          %dma_start3A_112 = arith.constant 0 : i32
          %dma_start3A_113 = tpu.memref_slice %arg10[%dma_start3A_111, %dma_start3A_112] : memref<128x128xf32, #tpu.memory_space<vmem>> -> memref<64x128xf32, #tpu.memory_space<vmem>>
          %dma_start3A_114 = arith.constant 0 : i32
          %dma_start3A_115 = tpu.memref_slice %arg8[%add3A_110, %dma_start3A_114] : memref<40x128xi32, #tpu.memory_space<vmem>> -> memref<1x64xi32, #tpu.memory_space<vmem>>
          %dma_start3A_116 = tpu.memref_squeeze %dma_start3A_115 : memref<1x64xi32, #tpu.memory_space<vmem>> -> memref<64xi32, #tpu.memory_space<vmem>>
          %dma_start3A_117 = arith.constant 0 : i32
          %dma_start3A_118 = arith.constant 0 : i32
          %dma_start3A_119 = tpu.memref_slice %arg2[%dma_start3A_117, %dma_start3A_118] : memref<10000x128xf32, #tpu.memory_space<hbm>> -> memref<10000x128xf32, #tpu.memory_space<hbm>>
          tpu.enqueue_indirect_dma source(%dma_start3A_119 : memref<10000x128xf32, #tpu.memory_space<hbm>>) target(%dma_start3A_113 : memref<64x128xf32, #tpu.memory_space<vmem>>) offsets(%dma_start3A_116 : memref<64xi32, #tpu.memory_space<vmem>>) semaphore(%arg12 : memref<!tpu.dma_semaphore, #tpu.memory_space<semaphore_mem>>)
          %dma_start3A_120 = arith.constant 64 : i32
          %dma_start3A_121 = arith.constant 0 : i32
          %dma_start3A_122 = tpu.memref_slice %arg10[%dma_start3A_120, %dma_start3A_121] : memref<128x128xf32, #tpu.memory_space<vmem>> -> memref<64x128xf32, #tpu.memory_space<vmem>>
          %dma_start3A_123 = arith.constant 64 : i32
          %dma_start3A_124 = tpu.memref_slice %arg8[%add3A_110, %dma_start3A_123] : memref<40x128xi32, #tpu.memory_space<vmem>> -> memref<1x64xi32, #tpu.memory_space<vmem>>
          %dma_start3A_125 = tpu.memref_squeeze %dma_start3A_124 : memref<1x64xi32, #tpu.memory_space<vmem>> -> memref<64xi32, #tpu.memory_space<vmem>>
          %dma_start3A_126 = arith.constant 0 : i32
          %dma_start3A_127 = arith.constant 0 : i32
          %dma_start3A_128 = tpu.memref_slice %arg2[%dma_start3A_126, %dma_start3A_127] : memref<10000x128xf32, #tpu.memory_space<hbm>> -> memref<10000x128xf32, #tpu.memory_space<hbm>>
          tpu.enqueue_indirect_dma source(%dma_start3A_128 : memref<10000x128xf32, #tpu.memory_space<hbm>>) target(%dma_start3A_122 : memref<64x128xf32, #tpu.memory_space<vmem>>) offsets(%dma_start3A_125 : memref<64xi32, #tpu.memory_space<vmem>>) semaphore(%arg12 : memref<!tpu.dma_semaphore, #tpu.memory_space<semaphore_mem>>)
        } else {
        }
        %add3A_92 = arith.constant 1 : i32
        %add3A_93 = arith.addi %add3A_80, %add3A_92 : i32
        %dma_wait3A_94 = arith.constant 0 : i32
        %dma_wait3A_95 = tpu.memref_slice %arg8[%add3A_93, %dma_wait3A_94] : memref<40x128xi32, #tpu.memory_space<vmem>> -> memref<1x128xi32, #tpu.memory_space<vmem>>
        %dma_wait3A_96 = tpu.memref_squeeze %dma_wait3A_95 : memref<1x128xi32, #tpu.memory_space<vmem>> -> memref<128xi32, #tpu.memory_space<vmem>>
        %dma_wait3A_97 = arith.constant 0 : i32
        %dma_wait3A_98 = arith.constant 0 : i32
        %dma_wait3A_99 = tpu.memref_slice %arg2[%dma_wait3A_97, %dma_wait3A_98] : memref<10000x128xf32, #tpu.memory_space<hbm>> -> memref<10000x128xf32, #tpu.memory_space<hbm>>
        tpu.wait_indirect_dma semaphore(%arg13 : memref<!tpu.dma_semaphore, #tpu.memory_space<semaphore_mem>>) src(%dma_wait3A_99 : memref<10000x128xf32, #tpu.memory_space<hbm>>) dst(%arg11 : memref<128x128xf32, #tpu.memory_space<vmem>>)
        %add3A_100 = arith.constant 1 : i32
        %add3A_101 = arith.addi %add3A_80, %add3A_100 : i32
        "tpu.region"() ({
          %run_scoped3A = tpu.sem_alloc : memref<!tpu.dma_semaphore, #tpu.memory_space<semaphore_mem>>
          %dma_start3A_109 = arith.constant 0 : i32
          %dma_start3A_110 = tpu.memref_slice %arg9[%add3A_101, %dma_start3A_109] : memref<40x128xi32, #tpu.memory_space<vmem>> -> memref<1x128xi32, #tpu.memory_space<vmem>>
          %dma_start3A_111 = tpu.memref_squeeze %dma_start3A_110 : memref<1x128xi32, #tpu.memory_space<vmem>> -> memref<128xi32, #tpu.memory_space<vmem>>
          %dma_start3A_112 = arith.constant 0 : i32
          %dma_start3A_113 = arith.constant 0 : i32
          %dma_start3A_114 = tpu.memref_slice %arg7[%dma_start3A_112, %dma_start3A_113] : memref<10016x128xf32, #tpu.memory_space<vmem_shared>> -> memref<10016x128xf32, #tpu.memory_space<vmem_shared>>
          tpu.enqueue_indirect_dma source(%arg11 : memref<128x128xf32, #tpu.memory_space<vmem>>) target(%dma_start3A_114 : memref<10016x128xf32, #tpu.memory_space<vmem_shared>>) offsets(%dma_start3A_111 : memref<128xi32, #tpu.memory_space<vmem>>) semaphore(%run_scoped3A : memref<!tpu.dma_semaphore, #tpu.memory_space<semaphore_mem>>) {add = true}
          %dma_wait3A_115 = arith.constant 0 : i32
          %dma_wait3A_116 = tpu.memref_slice %arg9[%add3A_101, %dma_wait3A_115] : memref<40x128xi32, #tpu.memory_space<vmem>> -> memref<1x128xi32, #tpu.memory_space<vmem>>
          %dma_wait3A_117 = tpu.memref_squeeze %dma_wait3A_116 : memref<1x128xi32, #tpu.memory_space<vmem>> -> memref<128xi32, #tpu.memory_space<vmem>>
          %dma_wait3A_118 = arith.constant 0 : i32
          %dma_wait3A_119 = arith.constant 0 : i32
          %dma_wait3A_120 = tpu.memref_slice %arg7[%dma_wait3A_118, %dma_wait3A_119] : memref<10016x128xf32, #tpu.memory_space<vmem_shared>> -> memref<10016x128xf32, #tpu.memory_space<vmem_shared>>
          tpu.wait_indirect_dma semaphore(%run_scoped3A : memref<!tpu.dma_semaphore, #tpu.memory_space<semaphore_mem>>) src(%arg11 : memref<128x128xf32, #tpu.memory_space<vmem>>) dst(%dma_wait3A_120 : memref<10016x128xf32, #tpu.memory_space<vmem_shared>>)
          tpu.yield
        }) : () -> ()
        %add3A_102 = arith.constant 3 : i32
        %add3A_103 = arith.addi %add3A_80, %add3A_102 : i32
        %lt3A_104 = arith.constant 40 : i32
        %lt3A_105 = arith.cmpi slt, %add3A_103, %lt3A_104 : i32
        %convert_element_type3A_106 = arith.extui %lt3A_105 : i1 to i32
        %cond3A_107 = arith.constant 0 : i32
        %cond3A_108 = arith.cmpi ne, %convert_element_type3A_106, %cond3A_107 : i32
        scf.if %cond3A_108 {
          %add3A_109 = arith.constant 3 : i32
          %add3A_110 = arith.addi %add3A_80, %add3A_109 : i32
          %dma_start3A_111 = arith.constant 0 : i32
          %dma_start3A_112 = arith.constant 0 : i32
          %dma_start3A_113 = tpu.memref_slice %arg11[%dma_start3A_111, %dma_start3A_112] : memref<128x128xf32, #tpu.memory_space<vmem>> -> memref<64x128xf32, #tpu.memory_space<vmem>>
          %dma_start3A_114 = arith.constant 0 : i32
          %dma_start3A_115 = tpu.memref_slice %arg8[%add3A_110, %dma_start3A_114] : memref<40x128xi32, #tpu.memory_space<vmem>> -> memref<1x64xi32, #tpu.memory_space<vmem>>
          %dma_start3A_116 = tpu.memref_squeeze %dma_start3A_115 : memref<1x64xi32, #tpu.memory_space<vmem>> -> memref<64xi32, #tpu.memory_space<vmem>>
          %dma_start3A_117 = arith.constant 0 : i32
          %dma_start3A_118 = arith.constant 0 : i32
          %dma_start3A_119 = tpu.memref_slice %arg2[%dma_start3A_117, %dma_start3A_118] : memref<10000x128xf32, #tpu.memory_space<hbm>> -> memref<10000x128xf32, #tpu.memory_space<hbm>>
          tpu.enqueue_indirect_dma source(%dma_start3A_119 : memref<10000x128xf32, #tpu.memory_space<hbm>>) target(%dma_start3A_113 : memref<64x128xf32, #tpu.memory_space<vmem>>) offsets(%dma_start3A_116 : memref<64xi32, #tpu.memory_space<vmem>>) semaphore(%arg13 : memref<!tpu.dma_semaphore, #tpu.memory_space<semaphore_mem>>)
          %dma_start3A_120 = arith.constant 64 : i32
          %dma_start3A_121 = arith.constant 0 : i32
          %dma_start3A_122 = tpu.memref_slice %arg11[%dma_start3A_120, %dma_start3A_121] : memref<128x128xf32, #tpu.memory_space<vmem>> -> memref<64x128xf32, #tpu.memory_space<vmem>>
          %dma_start3A_123 = arith.constant 64 : i32
          %dma_start3A_124 = tpu.memref_slice %arg8[%add3A_110, %dma_start3A_123] : memref<40x128xi32, #tpu.memory_space<vmem>> -> memref<1x64xi32, #tpu.memory_space<vmem>>
          %dma_start3A_125 = tpu.memref_squeeze %dma_start3A_124 : memref<1x64xi32, #tpu.memory_space<vmem>> -> memref<64xi32, #tpu.memory_space<vmem>>
          %dma_start3A_126 = arith.constant 0 : i32
          %dma_start3A_127 = arith.constant 0 : i32
          %dma_start3A_128 = tpu.memref_slice %arg2[%dma_start3A_126, %dma_start3A_127] : memref<10000x128xf32, #tpu.memory_space<hbm>> -> memref<10000x128xf32, #tpu.memory_space<hbm>>
          tpu.enqueue_indirect_dma source(%dma_start3A_128 : memref<10000x128xf32, #tpu.memory_space<hbm>>) target(%dma_start3A_122 : memref<64x128xf32, #tpu.memory_space<vmem>>) offsets(%dma_start3A_125 : memref<64xi32, #tpu.memory_space<vmem>>) semaphore(%arg13 : memref<!tpu.dma_semaphore, #tpu.memory_space<semaphore_mem>>)
        } else {
        }
      }
      %scan3A_75 = arith.constant 20 : i32
    }
    %scan3A_10 = arith.constant 2 : i32
    %barrier3A_11 = arith.constant 0 : index
    tpu.barrier barrier_id(%barrier3A_11)
    %mul3A_12 = arith.constant 624 : i32
    %mul3A_13 = arith.muli %arg1, %mul3A_12 : i32
    %mul3A_14 = arith.constant 624 : i32
    %mul3A_15 = arith.muli %arg1, %mul3A_14 : i32
    "tpu.region"() ({
      %run_scoped3A = tpu.sem_alloc : memref<!tpu.dma_semaphore, #tpu.memory_space<semaphore_mem>>
      %dma_start3A = arith.constant 0 : i32
      %dma_start3A_21 = tpu.memref_slice %arg6[%arg0, %mul3A_15, %dma_start3A] : memref<2x10000x128xf32, #tpu.memory_space<hbm>> -> memref<1x624x128xf32, #tpu.memory_space<hbm>>
      %dma_start3A_22 = tpu.memref_squeeze %dma_start3A_21 : memref<1x624x128xf32, #tpu.memory_space<hbm>> -> memref<624x128xf32, #tpu.memory_space<hbm>>
      %dma_start3A_23 = arith.constant 0 : i32
      %dma_start3A_24 = tpu.memref_slice %arg7[%mul3A_13, %dma_start3A_23] : memref<10016x128xf32, #tpu.memory_space<vmem_shared>> -> memref<624x128xf32, #tpu.memory_space<vmem_shared>>
      tpu.enqueue_dma source(%dma_start3A_24 : memref<624x128xf32, #tpu.memory_space<vmem_shared>>) target(%dma_start3A_22 : memref<624x128xf32, #tpu.memory_space<hbm>>) target_semaphore(%run_scoped3A : memref<!tpu.dma_semaphore, #tpu.memory_space<semaphore_mem>>)
      %dma_wait3A = arith.constant 0 : i32
      %dma_wait3A_25 = tpu.memref_slice %arg6[%arg0, %mul3A_15, %dma_wait3A] : memref<2x10000x128xf32, #tpu.memory_space<hbm>> -> memref<1x624x128xf32, #tpu.memory_space<hbm>>
      %dma_wait3A_26 = tpu.memref_squeeze %dma_wait3A_25 : memref<1x624x128xf32, #tpu.memory_space<hbm>> -> memref<624x128xf32, #tpu.memory_space<hbm>>
      %dma_wait3A_27 = arith.constant 0 : i32
      %dma_wait3A_28 = tpu.memref_slice %arg7[%mul3A_13, %dma_wait3A_27] : memref<10016x128xf32, #tpu.memory_space<vmem_shared>> -> memref<624x128xf32, #tpu.memory_space<vmem_shared>>
      tpu.wait_dma2 semaphore(%run_scoped3A : memref<!tpu.dma_semaphore, #tpu.memory_space<semaphore_mem>>) src(%dma_wait3A_28 : memref<624x128xf32, #tpu.memory_space<vmem_shared>>) dst(%dma_wait3A_26 : memref<624x128xf32, #tpu.memory_space<hbm>>)
      tpu.yield
    }) : () -> ()
    %eq3A_16 = arith.constant 0 : i32
    %eq3A_17 = arith.cmpi eq, %arg1, %eq3A_16 : i32
    %convert_element_type3A_18 = arith.extui %eq3A_17 : i1 to i32
    %cond3A_19 = arith.constant 0 : i32
    %cond3A_20 = arith.cmpi ne, %convert_element_type3A_18, %cond3A_19 : i32
    scf.if %cond3A_20 {
      "tpu.region"() ({
        %run_scoped3A = tpu.sem_alloc : memref<!tpu.dma_semaphore, #tpu.memory_space<semaphore_mem>>
        %dma_start3A = arith.constant 9984 : i32
        %dma_start3A_21 = arith.constant 0 : i32
        %dma_start3A_22 = tpu.memref_slice %arg6[%arg0, %dma_start3A, %dma_start3A_21] : memref<2x10000x128xf32, #tpu.memory_space<hbm>> -> memref<1x16x128xf32, #tpu.memory_space<hbm>>
        %dma_start3A_23 = tpu.memref_squeeze %dma_start3A_22 : memref<1x16x128xf32, #tpu.memory_space<hbm>> -> memref<16x128xf32, #tpu.memory_space<hbm>>
        %dma_start3A_24 = arith.constant 9984 : i32
        %dma_start3A_25 = arith.constant 0 : i32
        %dma_start3A_26 = tpu.memref_slice %arg7[%dma_start3A_24, %dma_start3A_25] : memref<10016x128xf32, #tpu.memory_space<vmem_shared>> -> memref<16x128xf32, #tpu.memory_space<vmem_shared>>
        tpu.enqueue_dma source(%dma_start3A_26 : memref<16x128xf32, #tpu.memory_space<vmem_shared>>) target(%dma_start3A_23 : memref<16x128xf32, #tpu.memory_space<hbm>>) target_semaphore(%run_scoped3A : memref<!tpu.dma_semaphore, #tpu.memory_space<semaphore_mem>>)
        %dma_wait3A = arith.constant 9984 : i32
        %dma_wait3A_27 = arith.constant 0 : i32
        %dma_wait3A_28 = tpu.memref_slice %arg6[%arg0, %dma_wait3A, %dma_wait3A_27] : memref<2x10000x128xf32, #tpu.memory_space<hbm>> -> memref<1x16x128xf32, #tpu.memory_space<hbm>>
        %dma_wait3A_29 = tpu.memref_squeeze %dma_wait3A_28 : memref<1x16x128xf32, #tpu.memory_space<hbm>> -> memref<16x128xf32, #tpu.memory_space<hbm>>
        %dma_wait3A_30 = arith.constant 9984 : i32
        %dma_wait3A_31 = arith.constant 0 : i32
        %dma_wait3A_32 = tpu.memref_slice %arg7[%dma_wait3A_30, %dma_wait3A_31] : memref<10016x128xf32, #tpu.memory_space<vmem_shared>> -> memref<16x128xf32, #tpu.memory_space<vmem_shared>>
        tpu.wait_dma2 semaphore(%run_scoped3A : memref<!tpu.dma_semaphore, #tpu.memory_space<semaphore_mem>>) src(%dma_wait3A_32 : memref<16x128xf32, #tpu.memory_space<vmem_shared>>) dst(%dma_wait3A_29 : memref<16x128xf32, #tpu.memory_space<hbm>>)
        tpu.yield
      }) : () -> ()
    } else {
    }
    return
  }
}

#map = affine_map<(d0, d1) -> (0, 0)>
#map1 = affine_map<(d0, d1) -> (0, 0, 0)>
module attributes {stable_mosaic.version = 14 : i64} {
  func.func @_sc_agg_body(%arg0: i32, %arg1: i32, %arg2: memref<10000x128xf32, #tpu.memory_space<hbm>>, %arg3: memref<2560x128xi32, #tpu.memory_space<hbm>>, %arg4: memref<2560x128xi32, #tpu.memory_space<hbm>>, %arg5: memref<624x128xf32, #tpu.memory_space<hbm>>, %arg6: memref<2x10000x128xf32, #tpu.memory_space<hbm>>, %arg7: memref<10016x128xf32, #tpu.memory_space<vmem_shared>>, %arg8: memref<40x128xi32, #tpu.memory_space<vmem>>, %arg9: memref<40x128xi32, #tpu.memory_space<vmem>>, %arg10: memref<128x128xf32, #tpu.memory_space<vmem>>, %arg11: memref<128x128xf32, #tpu.memory_space<vmem>>, %arg12: memref<!tpu.dma_semaphore, #tpu.memory_space<semaphore_mem>>, %arg13: memref<!tpu.dma_semaphore, #tpu.memory_space<semaphore_mem>>) attributes {dimension_semantics = [#tpu.dimension_semantics<core_parallel>, #tpu.dimension_semantics<subcore_parallel>], iteration_bounds = array<i64: 2, 16>, scalar_prefetch = 0 : i64, scratch_operands = 7 : i64, tpu.core_type = #tpu.core_type<sc_vector_subcore>, window_params = [{transform_indices = #map}, {transform_indices = #map}, {transform_indices = #map}, {transform_indices = #map}, {transform_indices = #map1}]} {
    %mul3A = arith.constant 16 : i32
    %mul3A_0 = arith.muli %arg0, %mul3A : i32
    %add3A = arith.addi %mul3A_0, %arg1 : i32
    %mul3A_1 = arith.constant 80 : i32
    %mul3A_2 = arith.muli %add3A, %mul3A_1 : i32
    %mul3A_3 = arith.constant 624 : i32
    %mul3A_4 = arith.muli %arg1, %mul3A_3 : i32
    "tpu.region"() ({
      %run_scoped3A = tpu.sem_alloc : memref<!tpu.dma_semaphore, #tpu.memory_space<semaphore_mem>>
      %dma_start3A = arith.constant 0 : i32
      %dma_start3A_21 = tpu.memref_slice %arg7[%mul3A_4, %dma_start3A] : memref<10016x128xf32, #tpu.memory_space<vmem_shared>> -> memref<624x128xf32, #tpu.memory_space<vmem_shared>>
      tpu.enqueue_dma source(%arg5 : memref<624x128xf32, #tpu.memory_space<hbm>>) target(%dma_start3A_21 : memref<624x128xf32, #tpu.memory_space<vmem_shared>>) target_semaphore(%run_scoped3A : memref<!tpu.dma_semaphore, #tpu.memory_space<semaphore_mem>>)
      %dma_wait3A = arith.constant 0 : i32
      %dma_wait3A_22 = tpu.memref_slice %arg7[%mul3A_4, %dma_wait3A] : memref<10016x128xf32, #tpu.memory_space<vmem_shared>> -> memref<624x128xf32, #tpu.memory_space<vmem_shared>>
      tpu.wait_dma2 semaphore(%run_scoped3A : memref<!tpu.dma_semaphore, #tpu.memory_space<semaphore_mem>>) src(%arg5 : memref<624x128xf32, #tpu.memory_space<hbm>>) dst(%dma_wait3A_22 : memref<624x128xf32, #tpu.memory_space<vmem_shared>>)
      tpu.yield
    }) : () -> ()
    %eq3A = arith.constant 0 : i32
    %eq3A_5 = arith.cmpi eq, %arg1, %eq3A : i32
    %convert_element_type3A = arith.extui %eq3A_5 : i1 to i32
    %cond3A = arith.constant 0 : i32
    %cond3A_6 = arith.cmpi ne, %convert_element_type3A, %cond3A : i32
    scf.if %cond3A_6 {
      "tpu.region"() ({
        %run_scoped3A = tpu.sem_alloc : memref<!tpu.dma_semaphore, #tpu.memory_space<semaphore_mem>>
        %dma_start3A = arith.constant 9984 : i32
        %dma_start3A_21 = arith.constant 0 : i32
        %dma_start3A_22 = tpu.memref_slice %arg7[%dma_start3A, %dma_start3A_21] : memref<10016x128xf32, #tpu.memory_space<vmem_shared>> -> memref<32x128xf32, #tpu.memory_space<vmem_shared>>
        %dma_start3A_23 = arith.constant 0 : i32
        %dma_start3A_24 = arith.constant 0 : i32
        %dma_start3A_25 = tpu.memref_slice %arg5[%dma_start3A_23, %dma_start3A_24] : memref<624x128xf32, #tpu.memory_space<hbm>> -> memref<32x128xf32, #tpu.memory_space<hbm>>
        tpu.enqueue_dma source(%dma_start3A_25 : memref<32x128xf32, #tpu.memory_space<hbm>>) target(%dma_start3A_22 : memref<32x128xf32, #tpu.memory_space<vmem_shared>>) target_semaphore(%run_scoped3A : memref<!tpu.dma_semaphore, #tpu.memory_space<semaphore_mem>>)
        %dma_wait3A = arith.constant 9984 : i32
        %dma_wait3A_26 = arith.constant 0 : i32
        %dma_wait3A_27 = tpu.memref_slice %arg7[%dma_wait3A, %dma_wait3A_26] : memref<10016x128xf32, #tpu.memory_space<vmem_shared>> -> memref<32x128xf32, #tpu.memory_space<vmem_shared>>
        %dma_wait3A_28 = arith.constant 0 : i32
        %dma_wait3A_29 = arith.constant 0 : i32
        %dma_wait3A_30 = tpu.memref_slice %arg5[%dma_wait3A_28, %dma_wait3A_29] : memref<624x128xf32, #tpu.memory_space<hbm>> -> memref<32x128xf32, #tpu.memory_space<hbm>>
        tpu.wait_dma2 semaphore(%run_scoped3A : memref<!tpu.dma_semaphore, #tpu.memory_space<semaphore_mem>>) src(%dma_wait3A_30 : memref<32x128xf32, #tpu.memory_space<hbm>>) dst(%dma_wait3A_27 : memref<32x128xf32, #tpu.memory_space<vmem_shared>>)
        tpu.yield
      }) : () -> ()
    } else {
    }
    %barrier3A = arith.constant 0 : index
    tpu.barrier barrier_id(%barrier3A)
    %scan3A = arith.constant 0 : i32
    %scan3A_7 = arith.constant 2 : i32
    %scan3A_8 = arith.addi %scan3A, %scan3A_7 : i32
    %scan3A_9 = arith.constant 1 : i32
    scf.for %scan3A_21 = %scan3A to %scan3A_8 step %scan3A_9  : i32 {
      %mul3A_22 = arith.constant 1 : i32
      %mul3A_23 = arith.muli %scan3A_21, %mul3A_22 : i32
      %add3A_24 = arith.constant 0 : i32
      %add3A_25 = arith.addi %add3A_24, %mul3A_23 : i32
      %mul3A_26 = arith.constant 40 : i32
      %mul3A_27 = arith.muli %add3A_25, %mul3A_26 : i32
      %add3A_28 = arith.addi %mul3A_2, %mul3A_27 : i32
      "tpu.region"() ({
        %run_scoped3A = tpu.sem_alloc : memref<!tpu.dma_semaphore, #tpu.memory_space<semaphore_mem>>
        %dma_start3A_76 = arith.constant 0 : i32
        %dma_start3A_77 = tpu.memref_slice %arg3[%add3A_28, %dma_start3A_76] : memref<2560x128xi32, #tpu.memory_space<hbm>> -> memref<40x128xi32, #tpu.memory_space<hbm>>
        %dma_start3A_78 = arith.constant 0 : i32
        %dma_start3A_79 = tpu.memref_slice %arg3[%add3A_28, %dma_start3A_78] : memref<2560x128xi32, #tpu.memory_space<hbm>> -> memref<40x128xi32, #tpu.memory_space<hbm>>
        tpu.enqueue_dma source(%dma_start3A_79 : memref<40x128xi32, #tpu.memory_space<hbm>>) target(%arg8 : memref<40x128xi32, #tpu.memory_space<vmem>>) target_semaphore(%run_scoped3A : memref<!tpu.dma_semaphore, #tpu.memory_space<semaphore_mem>>)
        %dma_wait3A = arith.constant 0 : i32
        %dma_wait3A_80 = tpu.memref_slice %arg3[%add3A_28, %dma_wait3A] : memref<2560x128xi32, #tpu.memory_space<hbm>> -> memref<40x128xi32, #tpu.memory_space<hbm>>
        %dma_wait3A_81 = arith.constant 0 : i32
        %dma_wait3A_82 = tpu.memref_slice %arg3[%add3A_28, %dma_wait3A_81] : memref<2560x128xi32, #tpu.memory_space<hbm>> -> memref<40x128xi32, #tpu.memory_space<hbm>>
        tpu.wait_dma2 semaphore(%run_scoped3A : memref<!tpu.dma_semaphore, #tpu.memory_space<semaphore_mem>>) src(%dma_wait3A_82 : memref<40x128xi32, #tpu.memory_space<hbm>>) dst(%arg8 : memref<40x128xi32, #tpu.memory_space<vmem>>)
        tpu.yield
      }) : () -> ()
      %mul3A_29 = arith.constant 40 : i32
      %mul3A_30 = arith.muli %add3A_25, %mul3A_29 : i32
      %add3A_31 = arith.addi %mul3A_2, %mul3A_30 : i32
      "tpu.region"() ({
        %run_scoped3A = tpu.sem_alloc : memref<!tpu.dma_semaphore, #tpu.memory_space<semaphore_mem>>
        %dma_start3A_76 = arith.constant 0 : i32
        %dma_start3A_77 = tpu.memref_slice %arg4[%add3A_31, %dma_start3A_76] : memref<2560x128xi32, #tpu.memory_space<hbm>> -> memref<40x128xi32, #tpu.memory_space<hbm>>
        %dma_start3A_78 = arith.constant 0 : i32
        %dma_start3A_79 = tpu.memref_slice %arg4[%add3A_31, %dma_start3A_78] : memref<2560x128xi32, #tpu.memory_space<hbm>> -> memref<40x128xi32, #tpu.memory_space<hbm>>
        tpu.enqueue_dma source(%dma_start3A_79 : memref<40x128xi32, #tpu.memory_space<hbm>>) target(%arg9 : memref<40x128xi32, #tpu.memory_space<vmem>>) target_semaphore(%run_scoped3A : memref<!tpu.dma_semaphore, #tpu.memory_space<semaphore_mem>>)
        %dma_wait3A = arith.constant 0 : i32
        %dma_wait3A_80 = tpu.memref_slice %arg4[%add3A_31, %dma_wait3A] : memref<2560x128xi32, #tpu.memory_space<hbm>> -> memref<40x128xi32, #tpu.memory_space<hbm>>
        %dma_wait3A_81 = arith.constant 0 : i32
        %dma_wait3A_82 = tpu.memref_slice %arg4[%add3A_31, %dma_wait3A_81] : memref<2560x128xi32, #tpu.memory_space<hbm>> -> memref<40x128xi32, #tpu.memory_space<hbm>>
        tpu.wait_dma2 semaphore(%run_scoped3A : memref<!tpu.dma_semaphore, #tpu.memory_space<semaphore_mem>>) src(%dma_wait3A_82 : memref<40x128xi32, #tpu.memory_space<hbm>>) dst(%arg9 : memref<40x128xi32, #tpu.memory_space<vmem>>)
        tpu.yield
      }) : () -> ()
      %dma_start3A = arith.constant 0 : i32
      %dma_start3A_32 = arith.constant 0 : i32
      %dma_start3A_33 = arith.constant 0 : i32
      %dma_start3A_34 = tpu.memref_slice %arg10[%dma_start3A_32, %dma_start3A_33] : memref<128x128xf32, #tpu.memory_space<vmem>> -> memref<64x128xf32, #tpu.memory_space<vmem>>
      %dma_start3A_35 = arith.constant 0 : i32
      %dma_start3A_36 = tpu.memref_slice %arg8[%dma_start3A, %dma_start3A_35] : memref<40x128xi32, #tpu.memory_space<vmem>> -> memref<1x64xi32, #tpu.memory_space<vmem>>
      %dma_start3A_37 = tpu.memref_squeeze %dma_start3A_36 : memref<1x64xi32, #tpu.memory_space<vmem>> -> memref<64xi32, #tpu.memory_space<vmem>>
      %dma_start3A_38 = arith.constant 0 : i32
      %dma_start3A_39 = arith.constant 0 : i32
      %dma_start3A_40 = tpu.memref_slice %arg2[%dma_start3A_38, %dma_start3A_39] : memref<10000x128xf32, #tpu.memory_space<hbm>> -> memref<10000x128xf32, #tpu.memory_space<hbm>>
      tpu.enqueue_indirect_dma source(%dma_start3A_40 : memref<10000x128xf32, #tpu.memory_space<hbm>>) target(%dma_start3A_34 : memref<64x128xf32, #tpu.memory_space<vmem>>) offsets(%dma_start3A_37 : memref<64xi32, #tpu.memory_space<vmem>>) semaphore(%arg12 : memref<!tpu.dma_semaphore, #tpu.memory_space<semaphore_mem>>)
      %dma_start3A_41 = arith.constant 0 : i32
      %dma_start3A_42 = arith.constant 64 : i32
      %dma_start3A_43 = arith.constant 0 : i32
      %dma_start3A_44 = tpu.memref_slice %arg10[%dma_start3A_42, %dma_start3A_43] : memref<128x128xf32, #tpu.memory_space<vmem>> -> memref<64x128xf32, #tpu.memory_space<vmem>>
      %dma_start3A_45 = arith.constant 64 : i32
      %dma_start3A_46 = tpu.memref_slice %arg8[%dma_start3A_41, %dma_start3A_45] : memref<40x128xi32, #tpu.memory_space<vmem>> -> memref<1x64xi32, #tpu.memory_space<vmem>>
      %dma_start3A_47 = tpu.memref_squeeze %dma_start3A_46 : memref<1x64xi32, #tpu.memory_space<vmem>> -> memref<64xi32, #tpu.memory_space<vmem>>
      %dma_start3A_48 = arith.constant 0 : i32
      %dma_start3A_49 = arith.constant 0 : i32
      %dma_start3A_50 = tpu.memref_slice %arg2[%dma_start3A_48, %dma_start3A_49] : memref<10000x128xf32, #tpu.memory_space<hbm>> -> memref<10000x128xf32, #tpu.memory_space<hbm>>
      tpu.enqueue_indirect_dma source(%dma_start3A_50 : memref<10000x128xf32, #tpu.memory_space<hbm>>) target(%dma_start3A_44 : memref<64x128xf32, #tpu.memory_space<vmem>>) offsets(%dma_start3A_47 : memref<64xi32, #tpu.memory_space<vmem>>) semaphore(%arg12 : memref<!tpu.dma_semaphore, #tpu.memory_space<semaphore_mem>>)
      %dma_start3A_51 = arith.constant 1 : i32
      %dma_start3A_52 = arith.constant 0 : i32
      %dma_start3A_53 = arith.constant 0 : i32
      %dma_start3A_54 = tpu.memref_slice %arg11[%dma_start3A_52, %dma_start3A_53] : memref<128x128xf32, #tpu.memory_space<vmem>> -> memref<64x128xf32, #tpu.memory_space<vmem>>
      %dma_start3A_55 = arith.constant 0 : i32
      %dma_start3A_56 = tpu.memref_slice %arg8[%dma_start3A_51, %dma_start3A_55] : memref<40x128xi32, #tpu.memory_space<vmem>> -> memref<1x64xi32, #tpu.memory_space<vmem>>
      %dma_start3A_57 = tpu.memref_squeeze %dma_start3A_56 : memref<1x64xi32, #tpu.memory_space<vmem>> -> memref<64xi32, #tpu.memory_space<vmem>>
      %dma_start3A_58 = arith.constant 0 : i32
      %dma_start3A_59 = arith.constant 0 : i32
      %dma_start3A_60 = tpu.memref_slice %arg2[%dma_start3A_58, %dma_start3A_59] : memref<10000x128xf32, #tpu.memory_space<hbm>> -> memref<10000x128xf32, #tpu.memory_space<hbm>>
      tpu.enqueue_indirect_dma source(%dma_start3A_60 : memref<10000x128xf32, #tpu.memory_space<hbm>>) target(%dma_start3A_54 : memref<64x128xf32, #tpu.memory_space<vmem>>) offsets(%dma_start3A_57 : memref<64xi32, #tpu.memory_space<vmem>>) semaphore(%arg13 : memref<!tpu.dma_semaphore, #tpu.memory_space<semaphore_mem>>)
      %dma_start3A_61 = arith.constant 1 : i32
      %dma_start3A_62 = arith.constant 64 : i32
      %dma_start3A_63 = arith.constant 0 : i32
      %dma_start3A_64 = tpu.memref_slice %arg11[%dma_start3A_62, %dma_start3A_63] : memref<128x128xf32, #tpu.memory_space<vmem>> -> memref<64x128xf32, #tpu.memory_space<vmem>>
      %dma_start3A_65 = arith.constant 64 : i32
      %dma_start3A_66 = tpu.memref_slice %arg8[%dma_start3A_61, %dma_start3A_65] : memref<40x128xi32, #tpu.memory_space<vmem>> -> memref<1x64xi32, #tpu.memory_space<vmem>>
      %dma_start3A_67 = tpu.memref_squeeze %dma_start3A_66 : memref<1x64xi32, #tpu.memory_space<vmem>> -> memref<64xi32, #tpu.memory_space<vmem>>
      %dma_start3A_68 = arith.constant 0 : i32
      %dma_start3A_69 = arith.constant 0 : i32
      %dma_start3A_70 = tpu.memref_slice %arg2[%dma_start3A_68, %dma_start3A_69] : memref<10000x128xf32, #tpu.memory_space<hbm>> -> memref<10000x128xf32, #tpu.memory_space<hbm>>
      tpu.enqueue_indirect_dma source(%dma_start3A_70 : memref<10000x128xf32, #tpu.memory_space<hbm>>) target(%dma_start3A_64 : memref<64x128xf32, #tpu.memory_space<vmem>>) offsets(%dma_start3A_67 : memref<64xi32, #tpu.memory_space<vmem>>) semaphore(%arg13 : memref<!tpu.dma_semaphore, #tpu.memory_space<semaphore_mem>>)
      %scan3A_71 = arith.constant 0 : i32
      %scan3A_72 = arith.constant 20 : i32
      %scan3A_73 = arith.addi %scan3A_71, %scan3A_72 : i32
      %scan3A_74 = arith.constant 1 : i32
      scf.for %scan3A_76 = %scan3A_71 to %scan3A_73 step %scan3A_74  : i32 {
        %mul3A_77 = arith.constant 2 : i32
        %mul3A_78 = arith.muli %scan3A_76, %mul3A_77 : i32
        %add3A_79 = arith.constant 0 : i32
        %add3A_80 = arith.addi %add3A_79, %mul3A_78 : i32
        %dma_wait3A = arith.constant 0 : i32
        %dma_wait3A_81 = tpu.memref_slice %arg8[%add3A_80, %dma_wait3A] : memref<40x128xi32, #tpu.memory_space<vmem>> -> memref<1x128xi32, #tpu.memory_space<vmem>>
        %dma_wait3A_82 = tpu.memref_squeeze %dma_wait3A_81 : memref<1x128xi32, #tpu.memory_space<vmem>> -> memref<128xi32, #tpu.memory_space<vmem>>
        %dma_wait3A_83 = arith.constant 0 : i32
        %dma_wait3A_84 = arith.constant 0 : i32
        %dma_wait3A_85 = tpu.memref_slice %arg2[%dma_wait3A_83, %dma_wait3A_84] : memref<10000x128xf32, #tpu.memory_space<hbm>> -> memref<10000x128xf32, #tpu.memory_space<hbm>>
        tpu.wait_indirect_dma semaphore(%arg12 : memref<!tpu.dma_semaphore, #tpu.memory_space<semaphore_mem>>) src(%dma_wait3A_85 : memref<10000x128xf32, #tpu.memory_space<hbm>>) dst(%arg10 : memref<128x128xf32, #tpu.memory_space<vmem>>)
        "tpu.region"() ({
          %run_scoped3A = tpu.sem_alloc : memref<!tpu.dma_semaphore, #tpu.memory_space<semaphore_mem>>
          %dma_start3A_109 = arith.constant 0 : i32
          %dma_start3A_110 = tpu.memref_slice %arg9[%add3A_80, %dma_start3A_109] : memref<40x128xi32, #tpu.memory_space<vmem>> -> memref<1x128xi32, #tpu.memory_space<vmem>>
          %dma_start3A_111 = tpu.memref_squeeze %dma_start3A_110 : memref<1x128xi32, #tpu.memory_space<vmem>> -> memref<128xi32, #tpu.memory_space<vmem>>
          %dma_start3A_112 = arith.constant 0 : i32
          %dma_start3A_113 = arith.constant 0 : i32
          %dma_start3A_114 = tpu.memref_slice %arg7[%dma_start3A_112, %dma_start3A_113] : memref<10016x128xf32, #tpu.memory_space<vmem_shared>> -> memref<10016x128xf32, #tpu.memory_space<vmem_shared>>
          tpu.enqueue_indirect_dma source(%arg10 : memref<128x128xf32, #tpu.memory_space<vmem>>) target(%dma_start3A_114 : memref<10016x128xf32, #tpu.memory_space<vmem_shared>>) offsets(%dma_start3A_111 : memref<128xi32, #tpu.memory_space<vmem>>) semaphore(%run_scoped3A : memref<!tpu.dma_semaphore, #tpu.memory_space<semaphore_mem>>) {add = true}
          %dma_wait3A_115 = arith.constant 0 : i32
          %dma_wait3A_116 = tpu.memref_slice %arg9[%add3A_80, %dma_wait3A_115] : memref<40x128xi32, #tpu.memory_space<vmem>> -> memref<1x128xi32, #tpu.memory_space<vmem>>
          %dma_wait3A_117 = tpu.memref_squeeze %dma_wait3A_116 : memref<1x128xi32, #tpu.memory_space<vmem>> -> memref<128xi32, #tpu.memory_space<vmem>>
          %dma_wait3A_118 = arith.constant 0 : i32
          %dma_wait3A_119 = arith.constant 0 : i32
          %dma_wait3A_120 = tpu.memref_slice %arg7[%dma_wait3A_118, %dma_wait3A_119] : memref<10016x128xf32, #tpu.memory_space<vmem_shared>> -> memref<10016x128xf32, #tpu.memory_space<vmem_shared>>
          tpu.wait_indirect_dma semaphore(%run_scoped3A : memref<!tpu.dma_semaphore, #tpu.memory_space<semaphore_mem>>) src(%arg10 : memref<128x128xf32, #tpu.memory_space<vmem>>) dst(%dma_wait3A_120 : memref<10016x128xf32, #tpu.memory_space<vmem_shared>>)
          tpu.yield
        }) : () -> ()
        %add3A_86 = arith.constant 2 : i32
        %add3A_87 = arith.addi %add3A_80, %add3A_86 : i32
        %lt3A = arith.constant 40 : i32
        %lt3A_88 = arith.cmpi slt, %add3A_87, %lt3A : i32
        %convert_element_type3A_89 = arith.extui %lt3A_88 : i1 to i32
        %cond3A_90 = arith.constant 0 : i32
        %cond3A_91 = arith.cmpi ne, %convert_element_type3A_89, %cond3A_90 : i32
        scf.if %cond3A_91 {
          %add3A_109 = arith.constant 2 : i32
          %add3A_110 = arith.addi %add3A_80, %add3A_109 : i32
          %dma_start3A_111 = arith.constant 0 : i32
          %dma_start3A_112 = arith.constant 0 : i32
          %dma_start3A_113 = tpu.memref_slice %arg10[%dma_start3A_111, %dma_start3A_112] : memref<128x128xf32, #tpu.memory_space<vmem>> -> memref<64x128xf32, #tpu.memory_space<vmem>>
          %dma_start3A_114 = arith.constant 0 : i32
          %dma_start3A_115 = tpu.memref_slice %arg8[%add3A_110, %dma_start3A_114] : memref<40x128xi32, #tpu.memory_space<vmem>> -> memref<1x64xi32, #tpu.memory_space<vmem>>
          %dma_start3A_116 = tpu.memref_squeeze %dma_start3A_115 : memref<1x64xi32, #tpu.memory_space<vmem>> -> memref<64xi32, #tpu.memory_space<vmem>>
          %dma_start3A_117 = arith.constant 0 : i32
          %dma_start3A_118 = arith.constant 0 : i32
          %dma_start3A_119 = tpu.memref_slice %arg2[%dma_start3A_117, %dma_start3A_118] : memref<10000x128xf32, #tpu.memory_space<hbm>> -> memref<10000x128xf32, #tpu.memory_space<hbm>>
          tpu.enqueue_indirect_dma source(%dma_start3A_119 : memref<10000x128xf32, #tpu.memory_space<hbm>>) target(%dma_start3A_113 : memref<64x128xf32, #tpu.memory_space<vmem>>) offsets(%dma_start3A_116 : memref<64xi32, #tpu.memory_space<vmem>>) semaphore(%arg12 : memref<!tpu.dma_semaphore, #tpu.memory_space<semaphore_mem>>)
          %dma_start3A_120 = arith.constant 64 : i32
          %dma_start3A_121 = arith.constant 0 : i32
          %dma_start3A_122 = tpu.memref_slice %arg10[%dma_start3A_120, %dma_start3A_121] : memref<128x128xf32, #tpu.memory_space<vmem>> -> memref<64x128xf32, #tpu.memory_space<vmem>>
          %dma_start3A_123 = arith.constant 64 : i32
          %dma_start3A_124 = tpu.memref_slice %arg8[%add3A_110, %dma_start3A_123] : memref<40x128xi32, #tpu.memory_space<vmem>> -> memref<1x64xi32, #tpu.memory_space<vmem>>
          %dma_start3A_125 = tpu.memref_squeeze %dma_start3A_124 : memref<1x64xi32, #tpu.memory_space<vmem>> -> memref<64xi32, #tpu.memory_space<vmem>>
          %dma_start3A_126 = arith.constant 0 : i32
          %dma_start3A_127 = arith.constant 0 : i32
          %dma_start3A_128 = tpu.memref_slice %arg2[%dma_start3A_126, %dma_start3A_127] : memref<10000x128xf32, #tpu.memory_space<hbm>> -> memref<10000x128xf32, #tpu.memory_space<hbm>>
          tpu.enqueue_indirect_dma source(%dma_start3A_128 : memref<10000x128xf32, #tpu.memory_space<hbm>>) target(%dma_start3A_122 : memref<64x128xf32, #tpu.memory_space<vmem>>) offsets(%dma_start3A_125 : memref<64xi32, #tpu.memory_space<vmem>>) semaphore(%arg12 : memref<!tpu.dma_semaphore, #tpu.memory_space<semaphore_mem>>)
        } else {
        }
        %add3A_92 = arith.constant 1 : i32
        %add3A_93 = arith.addi %add3A_80, %add3A_92 : i32
        %dma_wait3A_94 = arith.constant 0 : i32
        %dma_wait3A_95 = tpu.memref_slice %arg8[%add3A_93, %dma_wait3A_94] : memref<40x128xi32, #tpu.memory_space<vmem>> -> memref<1x128xi32, #tpu.memory_space<vmem>>
        %dma_wait3A_96 = tpu.memref_squeeze %dma_wait3A_95 : memref<1x128xi32, #tpu.memory_space<vmem>> -> memref<128xi32, #tpu.memory_space<vmem>>
        %dma_wait3A_97 = arith.constant 0 : i32
        %dma_wait3A_98 = arith.constant 0 : i32
        %dma_wait3A_99 = tpu.memref_slice %arg2[%dma_wait3A_97, %dma_wait3A_98] : memref<10000x128xf32, #tpu.memory_space<hbm>> -> memref<10000x128xf32, #tpu.memory_space<hbm>>
        tpu.wait_indirect_dma semaphore(%arg13 : memref<!tpu.dma_semaphore, #tpu.memory_space<semaphore_mem>>) src(%dma_wait3A_99 : memref<10000x128xf32, #tpu.memory_space<hbm>>) dst(%arg11 : memref<128x128xf32, #tpu.memory_space<vmem>>)
        %add3A_100 = arith.constant 1 : i32
        %add3A_101 = arith.addi %add3A_80, %add3A_100 : i32
        "tpu.region"() ({
          %run_scoped3A = tpu.sem_alloc : memref<!tpu.dma_semaphore, #tpu.memory_space<semaphore_mem>>
          %dma_start3A_109 = arith.constant 0 : i32
          %dma_start3A_110 = tpu.memref_slice %arg9[%add3A_101, %dma_start3A_109] : memref<40x128xi32, #tpu.memory_space<vmem>> -> memref<1x128xi32, #tpu.memory_space<vmem>>
          %dma_start3A_111 = tpu.memref_squeeze %dma_start3A_110 : memref<1x128xi32, #tpu.memory_space<vmem>> -> memref<128xi32, #tpu.memory_space<vmem>>
          %dma_start3A_112 = arith.constant 0 : i32
          %dma_start3A_113 = arith.constant 0 : i32
          %dma_start3A_114 = tpu.memref_slice %arg7[%dma_start3A_112, %dma_start3A_113] : memref<10016x128xf32, #tpu.memory_space<vmem_shared>> -> memref<10016x128xf32, #tpu.memory_space<vmem_shared>>
          tpu.enqueue_indirect_dma source(%arg11 : memref<128x128xf32, #tpu.memory_space<vmem>>) target(%dma_start3A_114 : memref<10016x128xf32, #tpu.memory_space<vmem_shared>>) offsets(%dma_start3A_111 : memref<128xi32, #tpu.memory_space<vmem>>) semaphore(%run_scoped3A : memref<!tpu.dma_semaphore, #tpu.memory_space<semaphore_mem>>) {add = true}
          %dma_wait3A_115 = arith.constant 0 : i32
          %dma_wait3A_116 = tpu.memref_slice %arg9[%add3A_101, %dma_wait3A_115] : memref<40x128xi32, #tpu.memory_space<vmem>> -> memref<1x128xi32, #tpu.memory_space<vmem>>
          %dma_wait3A_117 = tpu.memref_squeeze %dma_wait3A_116 : memref<1x128xi32, #tpu.memory_space<vmem>> -> memref<128xi32, #tpu.memory_space<vmem>>
          %dma_wait3A_118 = arith.constant 0 : i32
          %dma_wait3A_119 = arith.constant 0 : i32
          %dma_wait3A_120 = tpu.memref_slice %arg7[%dma_wait3A_118, %dma_wait3A_119] : memref<10016x128xf32, #tpu.memory_space<vmem_shared>> -> memref<10016x128xf32, #tpu.memory_space<vmem_shared>>
          tpu.wait_indirect_dma semaphore(%run_scoped3A : memref<!tpu.dma_semaphore, #tpu.memory_space<semaphore_mem>>) src(%arg11 : memref<128x128xf32, #tpu.memory_space<vmem>>) dst(%dma_wait3A_120 : memref<10016x128xf32, #tpu.memory_space<vmem_shared>>)
          tpu.yield
        }) : () -> ()
        %add3A_102 = arith.constant 3 : i32
        %add3A_103 = arith.addi %add3A_80, %add3A_102 : i32
        %lt3A_104 = arith.constant 40 : i32
        %lt3A_105 = arith.cmpi slt, %add3A_103, %lt3A_104 : i32
        %convert_element_type3A_106 = arith.extui %lt3A_105 : i1 to i32
        %cond3A_107 = arith.constant 0 : i32
        %cond3A_108 = arith.cmpi ne, %convert_element_type3A_106, %cond3A_107 : i32
        scf.if %cond3A_108 {
          %add3A_109 = arith.constant 3 : i32
          %add3A_110 = arith.addi %add3A_80, %add3A_109 : i32
          %dma_start3A_111 = arith.constant 0 : i32
          %dma_start3A_112 = arith.constant 0 : i32
          %dma_start3A_113 = tpu.memref_slice %arg11[%dma_start3A_111, %dma_start3A_112] : memref<128x128xf32, #tpu.memory_space<vmem>> -> memref<64x128xf32, #tpu.memory_space<vmem>>
          %dma_start3A_114 = arith.constant 0 : i32
          %dma_start3A_115 = tpu.memref_slice %arg8[%add3A_110, %dma_start3A_114] : memref<40x128xi32, #tpu.memory_space<vmem>> -> memref<1x64xi32, #tpu.memory_space<vmem>>
          %dma_start3A_116 = tpu.memref_squeeze %dma_start3A_115 : memref<1x64xi32, #tpu.memory_space<vmem>> -> memref<64xi32, #tpu.memory_space<vmem>>
          %dma_start3A_117 = arith.constant 0 : i32
          %dma_start3A_118 = arith.constant 0 : i32
          %dma_start3A_119 = tpu.memref_slice %arg2[%dma_start3A_117, %dma_start3A_118] : memref<10000x128xf32, #tpu.memory_space<hbm>> -> memref<10000x128xf32, #tpu.memory_space<hbm>>
          tpu.enqueue_indirect_dma source(%dma_start3A_119 : memref<10000x128xf32, #tpu.memory_space<hbm>>) target(%dma_start3A_113 : memref<64x128xf32, #tpu.memory_space<vmem>>) offsets(%dma_start3A_116 : memref<64xi32, #tpu.memory_space<vmem>>) semaphore(%arg13 : memref<!tpu.dma_semaphore, #tpu.memory_space<semaphore_mem>>)
          %dma_start3A_120 = arith.constant 64 : i32
          %dma_start3A_121 = arith.constant 0 : i32
          %dma_start3A_122 = tpu.memref_slice %arg11[%dma_start3A_120, %dma_start3A_121] : memref<128x128xf32, #tpu.memory_space<vmem>> -> memref<64x128xf32, #tpu.memory_space<vmem>>
          %dma_start3A_123 = arith.constant 64 : i32
          %dma_start3A_124 = tpu.memref_slice %arg8[%add3A_110, %dma_start3A_123] : memref<40x128xi32, #tpu.memory_space<vmem>> -> memref<1x64xi32, #tpu.memory_space<vmem>>
          %dma_start3A_125 = tpu.memref_squeeze %dma_start3A_124 : memref<1x64xi32, #tpu.memory_space<vmem>> -> memref<64xi32, #tpu.memory_space<vmem>>
          %dma_start3A_126 = arith.constant 0 : i32
          %dma_start3A_127 = arith.constant 0 : i32
          %dma_start3A_128 = tpu.memref_slice %arg2[%dma_start3A_126, %dma_start3A_127] : memref<10000x128xf32, #tpu.memory_space<hbm>> -> memref<10000x128xf32, #tpu.memory_space<hbm>>
          tpu.enqueue_indirect_dma source(%dma_start3A_128 : memref<10000x128xf32, #tpu.memory_space<hbm>>) target(%dma_start3A_122 : memref<64x128xf32, #tpu.memory_space<vmem>>) offsets(%dma_start3A_125 : memref<64xi32, #tpu.memory_space<vmem>>) semaphore(%arg13 : memref<!tpu.dma_semaphore, #tpu.memory_space<semaphore_mem>>)
        } else {
        }
      }
      %scan3A_75 = arith.constant 20 : i32
    }
    %scan3A_10 = arith.constant 2 : i32
    %barrier3A_11 = arith.constant 0 : index
    tpu.barrier barrier_id(%barrier3A_11)
    %mul3A_12 = arith.constant 624 : i32
    %mul3A_13 = arith.muli %arg1, %mul3A_12 : i32
    %mul3A_14 = arith.constant 624 : i32
    %mul3A_15 = arith.muli %arg1, %mul3A_14 : i32
    "tpu.region"() ({
      %run_scoped3A = tpu.sem_alloc : memref<!tpu.dma_semaphore, #tpu.memory_space<semaphore_mem>>
      %dma_start3A = arith.constant 0 : i32
      %dma_start3A_21 = tpu.memref_slice %arg6[%arg0, %mul3A_15, %dma_start3A] : memref<2x10000x128xf32, #tpu.memory_space<hbm>> -> memref<1x624x128xf32, #tpu.memory_space<hbm>>
      %dma_start3A_22 = tpu.memref_squeeze %dma_start3A_21 : memref<1x624x128xf32, #tpu.memory_space<hbm>> -> memref<624x128xf32, #tpu.memory_space<hbm>>
      %dma_start3A_23 = arith.constant 0 : i32
      %dma_start3A_24 = tpu.memref_slice %arg7[%mul3A_13, %dma_start3A_23] : memref<10016x128xf32, #tpu.memory_space<vmem_shared>> -> memref<624x128xf32, #tpu.memory_space<vmem_shared>>
      tpu.enqueue_dma source(%dma_start3A_24 : memref<624x128xf32, #tpu.memory_space<vmem_shared>>) target(%dma_start3A_22 : memref<624x128xf32, #tpu.memory_space<hbm>>) target_semaphore(%run_scoped3A : memref<!tpu.dma_semaphore, #tpu.memory_space<semaphore_mem>>)
      %dma_wait3A = arith.constant 0 : i32
      %dma_wait3A_25 = tpu.memref_slice %arg6[%arg0, %mul3A_15, %dma_wait3A] : memref<2x10000x128xf32, #tpu.memory_space<hbm>> -> memref<1x624x128xf32, #tpu.memory_space<hbm>>
      %dma_wait3A_26 = tpu.memref_squeeze %dma_wait3A_25 : memref<1x624x128xf32, #tpu.memory_space<hbm>> -> memref<624x128xf32, #tpu.memory_space<hbm>>
      %dma_wait3A_27 = arith.constant 0 : i32
      %dma_wait3A_28 = tpu.memref_slice %arg7[%mul3A_13, %dma_wait3A_27] : memref<10016x128xf32, #tpu.memory_space<vmem_shared>> -> memref<624x128xf32, #tpu.memory_space<vmem_shared>>
      tpu.wait_dma2 semaphore(%run_scoped3A : memref<!tpu.dma_semaphore, #tpu.memory_space<semaphore_mem>>) src(%dma_wait3A_28 : memref<624x128xf32, #tpu.memory_space<vmem_shared>>) dst(%dma_wait3A_26 : memref<624x128xf32, #tpu.memory_space<hbm>>)
      tpu.yield
    }) : () -> ()
    %eq3A_16 = arith.constant 0 : i32
    %eq3A_17 = arith.cmpi eq, %arg1, %eq3A_16 : i32
    %convert_element_type3A_18 = arith.extui %eq3A_17 : i1 to i32
    %cond3A_19 = arith.constant 0 : i32
    %cond3A_20 = arith.cmpi ne, %convert_element_type3A_18, %cond3A_19 : i32
    scf.if %cond3A_20 {
      "tpu.region"() ({
        %run_scoped3A = tpu.sem_alloc : memref<!tpu.dma_semaphore, #tpu.memory_space<semaphore_mem>>
        %dma_start3A = arith.constant 9984 : i32
        %dma_start3A_21 = arith.constant 0 : i32
        %dma_start3A_22 = tpu.memref_slice %arg6[%arg0, %dma_start3A, %dma_start3A_21] : memref<2x10000x128xf32, #tpu.memory_space<hbm>> -> memref<1x16x128xf32, #tpu.memory_space<hbm>>
        %dma_start3A_23 = tpu.memref_squeeze %dma_start3A_22 : memref<1x16x128xf32, #tpu.memory_space<hbm>> -> memref<16x128xf32, #tpu.memory_space<hbm>>
        %dma_start3A_24 = arith.constant 9984 : i32
        %dma_start3A_25 = arith.constant 0 : i32
        %dma_start3A_26 = tpu.memref_slice %arg7[%dma_start3A_24, %dma_start3A_25] : memref<10016x128xf32, #tpu.memory_space<vmem_shared>> -> memref<16x128xf32, #tpu.memory_space<vmem_shared>>
        tpu.enqueue_dma source(%dma_start3A_26 : memref<16x128xf32, #tpu.memory_space<vmem_shared>>) target(%dma_start3A_23 : memref<16x128xf32, #tpu.memory_space<hbm>>) target_semaphore(%run_scoped3A : memref<!tpu.dma_semaphore, #tpu.memory_space<semaphore_mem>>)
        %dma_wait3A = arith.constant 9984 : i32
        %dma_wait3A_27 = arith.constant 0 : i32
        %dma_wait3A_28 = tpu.memref_slice %arg6[%arg0, %dma_wait3A, %dma_wait3A_27] : memref<2x10000x128xf32, #tpu.memory_space<hbm>> -> memref<1x16x128xf32, #tpu.memory_space<hbm>>
        %dma_wait3A_29 = tpu.memref_squeeze %dma_wait3A_28 : memref<1x16x128xf32, #tpu.memory_space<hbm>> -> memref<16x128xf32, #tpu.memory_space<hbm>>
        %dma_wait3A_30 = arith.constant 9984 : i32
        %dma_wait3A_31 = arith.constant 0 : i32
        %dma_wait3A_32 = tpu.memref_slice %arg7[%dma_wait3A_30, %dma_wait3A_31] : memref<10016x128xf32, #tpu.memory_space<vmem_shared>> -> memref<16x128xf32, #tpu.memory_space<vmem_shared>>
        tpu.wait_dma2 semaphore(%run_scoped3A : memref<!tpu.dma_semaphore, #tpu.memory_space<semaphore_mem>>) src(%dma_wait3A_32 : memref<16x128xf32, #tpu.memory_space<vmem_shared>>) dst(%dma_wait3A_29 : memref<16x128xf32, #tpu.memory_space<hbm>>)
        tpu.yield
      }) : () -> ()
    } else {
    }
    return
  }
}

module attributes {stable_mosaic.version = 14 : i64} {
  func.func @_enc_body(%arg0: memref<10000x128xf32, #tpu.memory_space<vmem>>, %arg1: memref<128x128xf32, #tpu.memory_space<vmem>>, %arg2: memref<1x128xf32, #tpu.memory_space<vmem>>, %arg3: memref<10000x128xf32, #tpu.memory_space<vmem>>, %arg4: memref<1x128xf32, #tpu.memory_space<vmem>>) attributes {dimension_semantics = [], scalar_prefetch = 0 : i64, scratch_operands = 0 : i64, tpu.core_type = #tpu.core_type<tc>} {
    %get3A = arith.constant 0 : index
    %get3A_0 = arith.constant 0 : index
    %get3A_1 = vector.load %arg0[%get3A, %get3A_0] : memref<10000x128xf32, #tpu.memory_space<vmem>>, vector<10000x128xf32>
    %get3A_2 = arith.constant 0 : index
    %get3A_3 = arith.constant 0 : index
    %get3A_4 = vector.load %arg1[%get3A_2, %get3A_3] : memref<128x128xf32, #tpu.memory_space<vmem>>, vector<128x128xf32>
    %dot_general3A = arith.constant dense<0.000000e+00> : vector<10000x128xf32>
    %dot_general3A_5 = tpu.matmul %get3A_1, %get3A_4, %dot_general3A {dimension_numbers = #tpu.dot_dimension_numbers<[1], [0], [0], [1], [0, 0, 1, 1], [], []>, transpose_lhs_hint = false} : vector<10000x128xf32>, vector<128x128xf32>, vector<10000x128xf32> -> vector<10000x128xf32>
    %get3A_6 = arith.constant 0 : index
    %get3A_7 = arith.constant 0 : index
    %get3A_8 = vector.load %arg2[%get3A_6, %get3A_7] : memref<1x128xf32, #tpu.memory_space<vmem>>, vector<1x128xf32>
    %add3A = vector.broadcast %get3A_8 : vector<1x128xf32> to vector<10000x128xf32>
    %add3A_9 = arith.addf %dot_general3A_5, %add3A : vector<10000x128xf32>
    %swap3A = arith.constant 0 : index
    %swap3A_10 = arith.constant 0 : index
    %swap3A_11 = vector.load %arg3[%swap3A, %swap3A_10] : memref<10000x128xf32, #tpu.memory_space<vmem>>, vector<10000x128xf32>
    tpu.vector_store %arg3[%swap3A, %swap3A_10], %add3A_9 {strides = array<i32>} : memref<10000x128xf32, #tpu.memory_space<vmem>>, vector<10000x128xf32>,
    %reduce_sum3A = arith.constant dense<0.000000e+00> : vector<128xf32>
    %reduce_sum3A_12 = vector.multi_reduction <add>, %add3A_9, %reduce_sum3A [0] : vector<10000x128xf32> to vector<128xf32>
    %broadcast_in_dim3A = vector.shape_cast %reduce_sum3A_12 : vector<128xf32> to vector<1x128xf32>
    %swap3A_13 = arith.constant 0 : index
    %swap3A_14 = arith.constant 0 : index
    %swap3A_15 = vector.load %arg4[%swap3A_13, %swap3A_14] : memref<1x128xf32, #tpu.memory_space<vmem>>, vector<1x128xf32>
    tpu.vector_store %arg4[%swap3A_13, %swap3A_14], %broadcast_in_dim3A {strides = array<i32>} : memref<1x128xf32, #tpu.memory_space<vmem>>, vector<1x128xf32>,
    return
  }
}

module attributes {stable_mosaic.version = 14 : i64} {
  func.func @_layer_body(%arg0: memref<10000x128xf32, #tpu.memory_space<vmem>>, %arg1: memref<2x10000x128xf32, #tpu.memory_space<vmem>>, %arg2: memref<128x128xf32, #tpu.memory_space<vmem>>, %arg3: memref<1x128xf32, #tpu.memory_space<vmem>>, %arg4: memref<1x128xf32, #tpu.memory_space<vmem>>, %arg5: memref<1x128xf32, #tpu.memory_space<vmem>>, %arg6: memref<128x128xf32, #tpu.memory_space<vmem>>, %arg7: memref<1x128xf32, #tpu.memory_space<vmem>>, %arg8: memref<1x128xf32, #tpu.memory_space<vmem>>, %arg9: memref<1x128xf32, #tpu.memory_space<vmem>>, %arg10: memref<10000x128xf32, #tpu.memory_space<vmem>>, %arg11: memref<1x128xf32, #tpu.memory_space<vmem>>) attributes {dimension_semantics = [], scalar_prefetch = 0 : i64, scratch_operands = 0 : i64, tpu.core_type = #tpu.core_type<tc>} {
    %get3A = arith.constant 0 : index
    %get3A_0 = arith.constant 0 : index
    %get3A_1 = vector.load %arg0[%get3A, %get3A_0] : memref<10000x128xf32, #tpu.memory_space<vmem>>, vector<10000x128xf32>
    %get3A_2 = arith.constant 0 : index
    %get3A_3 = arith.constant 0 : index
    %get3A_4 = arith.constant 0 : index
    %get3A_5 = vector.load %arg1[%get3A_2, %get3A_3, %get3A_4] : memref<2x10000x128xf32, #tpu.memory_space<vmem>>, vector<1x10000x128xf32>
    %get3A_6 = vector.shape_cast %get3A_5 : vector<1x10000x128xf32> to vector<10000x128xf32>
    %add3A = arith.addf %get3A_1, %get3A_6 : vector<10000x128xf32>
    %get3A_7 = arith.constant 1 : index
    %get3A_8 = arith.constant 0 : index
    %get3A_9 = arith.constant 0 : index
    %get3A_10 = vector.load %arg1[%get3A_7, %get3A_8, %get3A_9] : memref<2x10000x128xf32, #tpu.memory_space<vmem>>, vector<1x10000x128xf32>
    %get3A_11 = vector.shape_cast %get3A_10 : vector<1x10000x128xf32> to vector<10000x128xf32>
    %add3A_12 = arith.addf %add3A, %get3A_11 : vector<10000x128xf32>
    %get3A_13 = arith.constant 0 : index
    %get3A_14 = arith.constant 0 : index
    %get3A_15 = vector.load %arg2[%get3A_13, %get3A_14] : memref<128x128xf32, #tpu.memory_space<vmem>>, vector<128x128xf32>
    %dot_general3A = arith.constant dense<0.000000e+00> : vector<10000x128xf32>
    %dot_general3A_16 = tpu.matmul %add3A_12, %get3A_15, %dot_general3A {dimension_numbers = #tpu.dot_dimension_numbers<[1], [0], [0], [1], [0, 0, 1, 1], [], []>, transpose_lhs_hint = false} : vector<10000x128xf32>, vector<128x128xf32>, vector<10000x128xf32> -> vector<10000x128xf32>
    %get3A_17 = arith.constant 0 : index
    %get3A_18 = arith.constant 0 : index
    %get3A_19 = vector.load %arg3[%get3A_17, %get3A_18] : memref<1x128xf32, #tpu.memory_space<vmem>>, vector<1x128xf32>
    %add3A_20 = vector.broadcast %get3A_19 : vector<1x128xf32> to vector<10000x128xf32>
    %add3A_21 = arith.addf %dot_general3A_16, %add3A_20 : vector<10000x128xf32>
    %get3A_22 = arith.constant 0 : index
    %get3A_23 = arith.constant 0 : index
    %get3A_24 = vector.load %arg4[%get3A_22, %get3A_23] : memref<1x128xf32, #tpu.memory_space<vmem>>, vector<1x128xf32>
    %get3A_25 = arith.constant 0 : index
    %get3A_26 = arith.constant 0 : index
    %get3A_27 = vector.load %arg5[%get3A_25, %get3A_26] : memref<1x128xf32, #tpu.memory_space<vmem>>, vector<1x128xf32>
    %reduce_sum3A = arith.constant dense<0.000000e+00> : vector<128xf32>
    %reduce_sum3A_28 = vector.multi_reduction <add>, %add3A_21, %reduce_sum3A [0] : vector<10000x128xf32> to vector<128xf32>
    %broadcast_in_dim3A = vector.shape_cast %reduce_sum3A_28 : vector<128xf32> to vector<1x128xf32>
    %div3A = arith.constant 1.000000e+04 : f32
    %div3A_29 = vector.broadcast %div3A : f32 to vector<1x128xf32>
    %div3A_30 = arith.divf %broadcast_in_dim3A, %div3A_29 : vector<1x128xf32>
    %sub3A = vector.broadcast %div3A_30 : vector<1x128xf32> to vector<10000x128xf32>
    %sub3A_31 = arith.subf %add3A_21, %sub3A : vector<10000x128xf32>
    %sub3A_32 = vector.broadcast %div3A_30 : vector<1x128xf32> to vector<10000x128xf32>
    %sub3A_33 = arith.subf %add3A_21, %sub3A_32 : vector<10000x128xf32>
    %mul3A = arith.mulf %sub3A_31, %sub3A_33 : vector<10000x128xf32>
    %reduce_sum3A_34 = arith.constant dense<0.000000e+00> : vector<128xf32>
    %reduce_sum3A_35 = vector.multi_reduction <add>, %mul3A, %reduce_sum3A_34 [0] : vector<10000x128xf32> to vector<128xf32>
    %broadcast_in_dim3A_36 = vector.shape_cast %reduce_sum3A_35 : vector<128xf32> to vector<1x128xf32>
    %div3A_37 = arith.constant 1.000000e+04 : f32
    %div3A_38 = vector.broadcast %div3A_37 : f32 to vector<1x128xf32>
    %div3A_39 = arith.divf %broadcast_in_dim3A_36, %div3A_38 : vector<1x128xf32>
    %sub3A_40 = vector.broadcast %div3A_30 : vector<1x128xf32> to vector<10000x128xf32>
    %sub3A_41 = arith.subf %add3A_21, %sub3A_40 : vector<10000x128xf32>
    %mul3A_42 = vector.broadcast %get3A_24 : vector<1x128xf32> to vector<10000x128xf32>
    %mul3A_43 = arith.mulf %mul3A_42, %sub3A_41 : vector<10000x128xf32>
    %add3A_44 = arith.constant 9.99999974E-6 : f32
    %add3A_45 = vector.broadcast %add3A_44 : f32 to vector<1x128xf32>
    %add3A_46 = arith.addf %div3A_39, %add3A_45 : vector<1x128xf32>
    %rsqrt3A = math.rsqrt %add3A_46 : vector<1x128xf32>
    %mul3A_47 = vector.broadcast %rsqrt3A : vector<1x128xf32> to vector<10000x128xf32>
    %mul3A_48 = arith.mulf %mul3A_43, %mul3A_47 : vector<10000x128xf32>
    %add3A_49 = vector.broadcast %get3A_27 : vector<1x128xf32> to vector<10000x128xf32>
    %add3A_50 = arith.addf %mul3A_48, %add3A_49 : vector<10000x128xf32>
    %max3A = arith.constant 0.000000e+00 : f32
    %max3A_51 = vector.broadcast %max3A : f32 to vector<10000x128xf32>
    %max3A_52 = arith.maximumf %add3A_50, %max3A_51 : vector<10000x128xf32>
    %get3A_53 = arith.constant 0 : index
    %get3A_54 = arith.constant 0 : index
    %get3A_55 = vector.load %arg6[%get3A_53, %get3A_54] : memref<128x128xf32, #tpu.memory_space<vmem>>, vector<128x128xf32>
    %dot_general3A_56 = arith.constant dense<0.000000e+00> : vector<10000x128xf32>
    %dot_general3A_57 = tpu.matmul %max3A_52, %get3A_55, %dot_general3A_56 {dimension_numbers = #tpu.dot_dimension_numbers<[1], [0], [0], [1], [0, 0, 1, 1], [], []>, transpose_lhs_hint = false} : vector<10000x128xf32>, vector<128x128xf32>, vector<10000x128xf32> -> vector<10000x128xf32>
    %get3A_58 = arith.constant 0 : index
    %get3A_59 = arith.constant 0 : index
    %get3A_60 = vector.load %arg7[%get3A_58, %get3A_59] : memref<1x128xf32, #tpu.memory_space<vmem>>, vector<1x128xf32>
    %add3A_61 = vector.broadcast %get3A_60 : vector<1x128xf32> to vector<10000x128xf32>
    %add3A_62 = arith.addf %dot_general3A_57, %add3A_61 : vector<10000x128xf32>
    %get3A_63 = arith.constant 0 : index
    %get3A_64 = arith.constant 0 : index
    %get3A_65 = vector.load %arg8[%get3A_63, %get3A_64] : memref<1x128xf32, #tpu.memory_space<vmem>>, vector<1x128xf32>
    %get3A_66 = arith.constant 0 : index
    %get3A_67 = arith.constant 0 : index
    %get3A_68 = vector.load %arg9[%get3A_66, %get3A_67] : memref<1x128xf32, #tpu.memory_space<vmem>>, vector<1x128xf32>
    %reduce_sum3A_69 = arith.constant dense<0.000000e+00> : vector<128xf32>
    %reduce_sum3A_70 = vector.multi_reduction <add>, %add3A_62, %reduce_sum3A_69 [0] : vector<10000x128xf32> to vector<128xf32>
    %broadcast_in_dim3A_71 = vector.shape_cast %reduce_sum3A_70 : vector<128xf32> to vector<1x128xf32>
    %div3A_72 = arith.constant 1.000000e+04 : f32
    %div3A_73 = vector.broadcast %div3A_72 : f32 to vector<1x128xf32>
    %div3A_74 = arith.divf %broadcast_in_dim3A_71, %div3A_73 : vector<1x128xf32>
    %sub3A_75 = vector.broadcast %div3A_74 : vector<1x128xf32> to vector<10000x128xf32>
    %sub3A_76 = arith.subf %add3A_62, %sub3A_75 : vector<10000x128xf32>
    %sub3A_77 = vector.broadcast %div3A_74 : vector<1x128xf32> to vector<10000x128xf32>
    %sub3A_78 = arith.subf %add3A_62, %sub3A_77 : vector<10000x128xf32>
    %mul3A_79 = arith.mulf %sub3A_76, %sub3A_78 : vector<10000x128xf32>
    %reduce_sum3A_80 = arith.constant dense<0.000000e+00> : vector<128xf32>
    %reduce_sum3A_81 = vector.multi_reduction <add>, %mul3A_79, %reduce_sum3A_80 [0] : vector<10000x128xf32> to vector<128xf32>
    %broadcast_in_dim3A_82 = vector.shape_cast %reduce_sum3A_81 : vector<128xf32> to vector<1x128xf32>
    %div3A_83 = arith.constant 1.000000e+04 : f32
    %div3A_84 = vector.broadcast %div3A_83 : f32 to vector<1x128xf32>
    %div3A_85 = arith.divf %broadcast_in_dim3A_82, %div3A_84 : vector<1x128xf32>
    %sub3A_86 = vector.broadcast %div3A_74 : vector<1x128xf32> to vector<10000x128xf32>
    %sub3A_87 = arith.subf %add3A_62, %sub3A_86 : vector<10000x128xf32>
    %mul3A_88 = vector.broadcast %get3A_65 : vector<1x128xf32> to vector<10000x128xf32>
    %mul3A_89 = arith.mulf %mul3A_88, %sub3A_87 : vector<10000x128xf32>
    %add3A_90 = arith.constant 9.99999974E-6 : f32
    %add3A_91 = vector.broadcast %add3A_90 : f32 to vector<1x128xf32>
    %add3A_92 = arith.addf %div3A_85, %add3A_91 : vector<1x128xf32>
    %rsqrt3A_93 = math.rsqrt %add3A_92 : vector<1x128xf32>
    %mul3A_94 = vector.broadcast %rsqrt3A_93 : vector<1x128xf32> to vector<10000x128xf32>
    %mul3A_95 = arith.mulf %mul3A_89, %mul3A_94 : vector<10000x128xf32>
    %add3A_96 = vector.broadcast %get3A_68 : vector<1x128xf32> to vector<10000x128xf32>
    %add3A_97 = arith.addf %mul3A_95, %add3A_96 : vector<10000x128xf32>
    %max3A_98 = arith.constant 0.000000e+00 : f32
    %max3A_99 = vector.broadcast %max3A_98 : f32 to vector<10000x128xf32>
    %max3A_100 = arith.maximumf %add3A_97, %max3A_99 : vector<10000x128xf32>
    %add3A_101 = arith.addf %get3A_1, %max3A_100 : vector<10000x128xf32>
    %swap3A = arith.constant 0 : index
    %swap3A_102 = arith.constant 0 : index
    %swap3A_103 = vector.load %arg10[%swap3A, %swap3A_102] : memref<10000x128xf32, #tpu.memory_space<vmem>>, vector<10000x128xf32>
    tpu.vector_store %arg10[%swap3A, %swap3A_102], %add3A_101 {strides = array<i32>} : memref<10000x128xf32, #tpu.memory_space<vmem>>, vector<10000x128xf32>,
    %reduce_sum3A_104 = arith.constant dense<0.000000e+00> : vector<128xf32>
    %reduce_sum3A_105 = vector.multi_reduction <add>, %add3A_101, %reduce_sum3A_104 [0] : vector<10000x128xf32> to vector<128xf32>
    %broadcast_in_dim3A_106 = vector.shape_cast %reduce_sum3A_105 : vector<128xf32> to vector<1x128xf32>
    %swap3A_107 = arith.constant 0 : index
    %swap3A_108 = arith.constant 0 : index
    %swap3A_109 = vector.load %arg11[%swap3A_107, %swap3A_108] : memref<1x128xf32, #tpu.memory_space<vmem>>, vector<1x128xf32>
    tpu.vector_store %arg11[%swap3A_107, %swap3A_108], %broadcast_in_dim3A_106 {strides = array<i32>} : memref<1x128xf32, #tpu.memory_space<vmem>>, vector<1x128xf32>,
    return
  }
}

module attributes {stable_mosaic.version = 14 : i64} {
  func.func @_layer_body(%arg0: memref<10000x128xf32, #tpu.memory_space<vmem>>, %arg1: memref<2x10000x128xf32, #tpu.memory_space<vmem>>, %arg2: memref<128x128xf32, #tpu.memory_space<vmem>>, %arg3: memref<1x128xf32, #tpu.memory_space<vmem>>, %arg4: memref<1x128xf32, #tpu.memory_space<vmem>>, %arg5: memref<1x128xf32, #tpu.memory_space<vmem>>, %arg6: memref<128x128xf32, #tpu.memory_space<vmem>>, %arg7: memref<1x128xf32, #tpu.memory_space<vmem>>, %arg8: memref<1x128xf32, #tpu.memory_space<vmem>>, %arg9: memref<1x128xf32, #tpu.memory_space<vmem>>, %arg10: memref<10000x128xf32, #tpu.memory_space<vmem>>, %arg11: memref<1x128xf32, #tpu.memory_space<vmem>>) attributes {dimension_semantics = [], scalar_prefetch = 0 : i64, scratch_operands = 0 : i64, tpu.core_type = #tpu.core_type<tc>} {
    %get3A = arith.constant 0 : index
    %get3A_0 = arith.constant 0 : index
    %get3A_1 = vector.load %arg0[%get3A, %get3A_0] : memref<10000x128xf32, #tpu.memory_space<vmem>>, vector<10000x128xf32>
    %get3A_2 = arith.constant 0 : index
    %get3A_3 = arith.constant 0 : index
    %get3A_4 = arith.constant 0 : index
    %get3A_5 = vector.load %arg1[%get3A_2, %get3A_3, %get3A_4] : memref<2x10000x128xf32, #tpu.memory_space<vmem>>, vector<1x10000x128xf32>
    %get3A_6 = vector.shape_cast %get3A_5 : vector<1x10000x128xf32> to vector<10000x128xf32>
    %add3A = arith.addf %get3A_1, %get3A_6 : vector<10000x128xf32>
    %get3A_7 = arith.constant 1 : index
    %get3A_8 = arith.constant 0 : index
    %get3A_9 = arith.constant 0 : index
    %get3A_10 = vector.load %arg1[%get3A_7, %get3A_8, %get3A_9] : memref<2x10000x128xf32, #tpu.memory_space<vmem>>, vector<1x10000x128xf32>
    %get3A_11 = vector.shape_cast %get3A_10 : vector<1x10000x128xf32> to vector<10000x128xf32>
    %add3A_12 = arith.addf %add3A, %get3A_11 : vector<10000x128xf32>
    %get3A_13 = arith.constant 0 : index
    %get3A_14 = arith.constant 0 : index
    %get3A_15 = vector.load %arg2[%get3A_13, %get3A_14] : memref<128x128xf32, #tpu.memory_space<vmem>>, vector<128x128xf32>
    %dot_general3A = arith.constant dense<0.000000e+00> : vector<10000x128xf32>
    %dot_general3A_16 = tpu.matmul %add3A_12, %get3A_15, %dot_general3A {dimension_numbers = #tpu.dot_dimension_numbers<[1], [0], [0], [1], [0, 0, 1, 1], [], []>, transpose_lhs_hint = false} : vector<10000x128xf32>, vector<128x128xf32>, vector<10000x128xf32> -> vector<10000x128xf32>
    %get3A_17 = arith.constant 0 : index
    %get3A_18 = arith.constant 0 : index
    %get3A_19 = vector.load %arg3[%get3A_17, %get3A_18] : memref<1x128xf32, #tpu.memory_space<vmem>>, vector<1x128xf32>
    %add3A_20 = vector.broadcast %get3A_19 : vector<1x128xf32> to vector<10000x128xf32>
    %add3A_21 = arith.addf %dot_general3A_16, %add3A_20 : vector<10000x128xf32>
    %get3A_22 = arith.constant 0 : index
    %get3A_23 = arith.constant 0 : index
    %get3A_24 = vector.load %arg4[%get3A_22, %get3A_23] : memref<1x128xf32, #tpu.memory_space<vmem>>, vector<1x128xf32>
    %get3A_25 = arith.constant 0 : index
    %get3A_26 = arith.constant 0 : index
    %get3A_27 = vector.load %arg5[%get3A_25, %get3A_26] : memref<1x128xf32, #tpu.memory_space<vmem>>, vector<1x128xf32>
    %reduce_sum3A = arith.constant dense<0.000000e+00> : vector<128xf32>
    %reduce_sum3A_28 = vector.multi_reduction <add>, %add3A_21, %reduce_sum3A [0] : vector<10000x128xf32> to vector<128xf32>
    %broadcast_in_dim3A = vector.shape_cast %reduce_sum3A_28 : vector<128xf32> to vector<1x128xf32>
    %div3A = arith.constant 1.000000e+04 : f32
    %div3A_29 = vector.broadcast %div3A : f32 to vector<1x128xf32>
    %div3A_30 = arith.divf %broadcast_in_dim3A, %div3A_29 : vector<1x128xf32>
    %sub3A = vector.broadcast %div3A_30 : vector<1x128xf32> to vector<10000x128xf32>
    %sub3A_31 = arith.subf %add3A_21, %sub3A : vector<10000x128xf32>
    %sub3A_32 = vector.broadcast %div3A_30 : vector<1x128xf32> to vector<10000x128xf32>
    %sub3A_33 = arith.subf %add3A_21, %sub3A_32 : vector<10000x128xf32>
    %mul3A = arith.mulf %sub3A_31, %sub3A_33 : vector<10000x128xf32>
    %reduce_sum3A_34 = arith.constant dense<0.000000e+00> : vector<128xf32>
    %reduce_sum3A_35 = vector.multi_reduction <add>, %mul3A, %reduce_sum3A_34 [0] : vector<10000x128xf32> to vector<128xf32>
    %broadcast_in_dim3A_36 = vector.shape_cast %reduce_sum3A_35 : vector<128xf32> to vector<1x128xf32>
    %div3A_37 = arith.constant 1.000000e+04 : f32
    %div3A_38 = vector.broadcast %div3A_37 : f32 to vector<1x128xf32>
    %div3A_39 = arith.divf %broadcast_in_dim3A_36, %div3A_38 : vector<1x128xf32>
    %sub3A_40 = vector.broadcast %div3A_30 : vector<1x128xf32> to vector<10000x128xf32>
    %sub3A_41 = arith.subf %add3A_21, %sub3A_40 : vector<10000x128xf32>
    %mul3A_42 = vector.broadcast %get3A_24 : vector<1x128xf32> to vector<10000x128xf32>
    %mul3A_43 = arith.mulf %mul3A_42, %sub3A_41 : vector<10000x128xf32>
    %add3A_44 = arith.constant 9.99999974E-6 : f32
    %add3A_45 = vector.broadcast %add3A_44 : f32 to vector<1x128xf32>
    %add3A_46 = arith.addf %div3A_39, %add3A_45 : vector<1x128xf32>
    %rsqrt3A = math.rsqrt %add3A_46 : vector<1x128xf32>
    %mul3A_47 = vector.broadcast %rsqrt3A : vector<1x128xf32> to vector<10000x128xf32>
    %mul3A_48 = arith.mulf %mul3A_43, %mul3A_47 : vector<10000x128xf32>
    %add3A_49 = vector.broadcast %get3A_27 : vector<1x128xf32> to vector<10000x128xf32>
    %add3A_50 = arith.addf %mul3A_48, %add3A_49 : vector<10000x128xf32>
    %max3A = arith.constant 0.000000e+00 : f32
    %max3A_51 = vector.broadcast %max3A : f32 to vector<10000x128xf32>
    %max3A_52 = arith.maximumf %add3A_50, %max3A_51 : vector<10000x128xf32>
    %get3A_53 = arith.constant 0 : index
    %get3A_54 = arith.constant 0 : index
    %get3A_55 = vector.load %arg6[%get3A_53, %get3A_54] : memref<128x128xf32, #tpu.memory_space<vmem>>, vector<128x128xf32>
    %dot_general3A_56 = arith.constant dense<0.000000e+00> : vector<10000x128xf32>
    %dot_general3A_57 = tpu.matmul %max3A_52, %get3A_55, %dot_general3A_56 {dimension_numbers = #tpu.dot_dimension_numbers<[1], [0], [0], [1], [0, 0, 1, 1], [], []>, transpose_lhs_hint = false} : vector<10000x128xf32>, vector<128x128xf32>, vector<10000x128xf32> -> vector<10000x128xf32>
    %get3A_58 = arith.constant 0 : index
    %get3A_59 = arith.constant 0 : index
    %get3A_60 = vector.load %arg7[%get3A_58, %get3A_59] : memref<1x128xf32, #tpu.memory_space<vmem>>, vector<1x128xf32>
    %add3A_61 = vector.broadcast %get3A_60 : vector<1x128xf32> to vector<10000x128xf32>
    %add3A_62 = arith.addf %dot_general3A_57, %add3A_61 : vector<10000x128xf32>
    %get3A_63 = arith.constant 0 : index
    %get3A_64 = arith.constant 0 : index
    %get3A_65 = vector.load %arg8[%get3A_63, %get3A_64] : memref<1x128xf32, #tpu.memory_space<vmem>>, vector<1x128xf32>
    %get3A_66 = arith.constant 0 : index
    %get3A_67 = arith.constant 0 : index
    %get3A_68 = vector.load %arg9[%get3A_66, %get3A_67] : memref<1x128xf32, #tpu.memory_space<vmem>>, vector<1x128xf32>
    %reduce_sum3A_69 = arith.constant dense<0.000000e+00> : vector<128xf32>
    %reduce_sum3A_70 = vector.multi_reduction <add>, %add3A_62, %reduce_sum3A_69 [0] : vector<10000x128xf32> to vector<128xf32>
    %broadcast_in_dim3A_71 = vector.shape_cast %reduce_sum3A_70 : vector<128xf32> to vector<1x128xf32>
    %div3A_72 = arith.constant 1.000000e+04 : f32
    %div3A_73 = vector.broadcast %div3A_72 : f32 to vector<1x128xf32>
    %div3A_74 = arith.divf %broadcast_in_dim3A_71, %div3A_73 : vector<1x128xf32>
    %sub3A_75 = vector.broadcast %div3A_74 : vector<1x128xf32> to vector<10000x128xf32>
    %sub3A_76 = arith.subf %add3A_62, %sub3A_75 : vector<10000x128xf32>
    %sub3A_77 = vector.broadcast %div3A_74 : vector<1x128xf32> to vector<10000x128xf32>
    %sub3A_78 = arith.subf %add3A_62, %sub3A_77 : vector<10000x128xf32>
    %mul3A_79 = arith.mulf %sub3A_76, %sub3A_78 : vector<10000x128xf32>
    %reduce_sum3A_80 = arith.constant dense<0.000000e+00> : vector<128xf32>
    %reduce_sum3A_81 = vector.multi_reduction <add>, %mul3A_79, %reduce_sum3A_80 [0] : vector<10000x128xf32> to vector<128xf32>
    %broadcast_in_dim3A_82 = vector.shape_cast %reduce_sum3A_81 : vector<128xf32> to vector<1x128xf32>
    %div3A_83 = arith.constant 1.000000e+04 : f32
    %div3A_84 = vector.broadcast %div3A_83 : f32 to vector<1x128xf32>
    %div3A_85 = arith.divf %broadcast_in_dim3A_82, %div3A_84 : vector<1x128xf32>
    %sub3A_86 = vector.broadcast %div3A_74 : vector<1x128xf32> to vector<10000x128xf32>
    %sub3A_87 = arith.subf %add3A_62, %sub3A_86 : vector<10000x128xf32>
    %mul3A_88 = vector.broadcast %get3A_65 : vector<1x128xf32> to vector<10000x128xf32>
    %mul3A_89 = arith.mulf %mul3A_88, %sub3A_87 : vector<10000x128xf32>
    %add3A_90 = arith.constant 9.99999974E-6 : f32
    %add3A_91 = vector.broadcast %add3A_90 : f32 to vector<1x128xf32>
    %add3A_92 = arith.addf %div3A_85, %add3A_91 : vector<1x128xf32>
    %rsqrt3A_93 = math.rsqrt %add3A_92 : vector<1x128xf32>
    %mul3A_94 = vector.broadcast %rsqrt3A_93 : vector<1x128xf32> to vector<10000x128xf32>
    %mul3A_95 = arith.mulf %mul3A_89, %mul3A_94 : vector<10000x128xf32>
    %add3A_96 = vector.broadcast %get3A_68 : vector<1x128xf32> to vector<10000x128xf32>
    %add3A_97 = arith.addf %mul3A_95, %add3A_96 : vector<10000x128xf32>
    %max3A_98 = arith.constant 0.000000e+00 : f32
    %max3A_99 = vector.broadcast %max3A_98 : f32 to vector<10000x128xf32>
    %max3A_100 = arith.maximumf %add3A_97, %max3A_99 : vector<10000x128xf32>
    %add3A_101 = arith.addf %get3A_1, %max3A_100 : vector<10000x128xf32>
    %swap3A = arith.constant 0 : index
    %swap3A_102 = arith.constant 0 : index
    %swap3A_103 = vector.load %arg10[%swap3A, %swap3A_102] : memref<10000x128xf32, #tpu.memory_space<vmem>>, vector<10000x128xf32>
    tpu.vector_store %arg10[%swap3A, %swap3A_102], %add3A_101 {strides = array<i32>} : memref<10000x128xf32, #tpu.memory_space<vmem>>, vector<10000x128xf32>,
    %reduce_sum3A_104 = arith.constant dense<0.000000e+00> : vector<128xf32>
    %reduce_sum3A_105 = vector.multi_reduction <add>, %add3A_101, %reduce_sum3A_104 [0] : vector<10000x128xf32> to vector<128xf32>
    %broadcast_in_dim3A_106 = vector.shape_cast %reduce_sum3A_105 : vector<128xf32> to vector<1x128xf32>
    %swap3A_107 = arith.constant 0 : index
    %swap3A_108 = arith.constant 0 : index
    %swap3A_109 = vector.load %arg11[%swap3A_107, %swap3A_108] : memref<1x128xf32, #tpu.memory_space<vmem>>, vector<1x128xf32>
    tpu.vector_store %arg11[%swap3A_107, %swap3A_108], %broadcast_in_dim3A_106 {strides = array<i32>} : memref<1x128xf32, #tpu.memory_space<vmem>>, vector<1x128xf32>,
    return
  }
}

module attributes {stable_mosaic.version = 14 : i64} {
  func.func @_readout_body(%arg0: memref<5x128xf32, #tpu.memory_space<vmem>>, %arg1: memref<5x128x10xf32, #tpu.memory_space<vmem>>, %arg2: memref<5x10xf32, #tpu.memory_space<vmem>>, %arg3: memref<1x10xf32, #tpu.memory_space<vmem>>) attributes {dimension_semantics = [], scalar_prefetch = 0 : i64, scratch_operands = 0 : i64, tpu.core_type = #tpu.core_type<tc>} {
    %broadcast_in_dim3A = arith.constant 0.000000e+00 : f32
    %broadcast_in_dim3A_0 = vector.broadcast %broadcast_in_dim3A : f32 to vector<1x10xf32>
    %get3A = arith.constant 0 : index
    %get3A_1 = arith.constant 0 : index
    %get3A_2 = vector.load %arg0[%get3A, %get3A_1] : memref<5x128xf32, #tpu.memory_space<vmem>>, vector<1x128xf32>
    %mul3A = arith.constant 9.99999974E-5 : f32
    %mul3A_3 = vector.broadcast %mul3A : f32 to vector<1x128xf32>
    %mul3A_4 = arith.mulf %get3A_2, %mul3A_3 : vector<1x128xf32>
    %get3A_5 = arith.constant 0 : index
    %get3A_6 = arith.constant 0 : index
    %get3A_7 = arith.constant 0 : index
    %get3A_8 = vector.load %arg1[%get3A_5, %get3A_6, %get3A_7] : memref<5x128x10xf32, #tpu.memory_space<vmem>>, vector<1x128x10xf32>
    %get3A_9 = vector.shape_cast %get3A_8 : vector<1x128x10xf32> to vector<128x10xf32>
    %dot_general3A = arith.constant dense<0.000000e+00> : vector<1x10xf32>
    %dot_general3A_10 = tpu.matmul %mul3A_4, %get3A_9, %dot_general3A {dimension_numbers = #tpu.dot_dimension_numbers<[1], [0], [0], [1], [0, 0, 1, 1], [], []>, transpose_lhs_hint = false} : vector<1x128xf32>, vector<128x10xf32>, vector<1x10xf32> -> vector<1x10xf32>
    %add3A = arith.addf %broadcast_in_dim3A_0, %dot_general3A_10 : vector<1x10xf32>
    %get3A_11 = arith.constant 0 : index
    %get3A_12 = arith.constant 0 : index
    %get3A_13 = vector.load %arg2[%get3A_11, %get3A_12] : memref<5x10xf32, #tpu.memory_space<vmem>>, vector<1x10xf32>
    %add3A_14 = arith.addf %add3A, %get3A_13 : vector<1x10xf32>
    %get3A_15 = arith.constant 1 : index
    %get3A_16 = arith.constant 0 : index
    %get3A_17 = vector.load %arg0[%get3A_15, %get3A_16] : memref<5x128xf32, #tpu.memory_space<vmem>>, vector<1x128xf32>
    %mul3A_18 = arith.constant 9.99999974E-5 : f32
    %mul3A_19 = vector.broadcast %mul3A_18 : f32 to vector<1x128xf32>
    %mul3A_20 = arith.mulf %get3A_17, %mul3A_19 : vector<1x128xf32>
    %get3A_21 = arith.constant 1 : index
    %get3A_22 = arith.constant 0 : index
    %get3A_23 = arith.constant 0 : index
    %get3A_24 = vector.load %arg1[%get3A_21, %get3A_22, %get3A_23] : memref<5x128x10xf32, #tpu.memory_space<vmem>>, vector<1x128x10xf32>
    %get3A_25 = vector.shape_cast %get3A_24 : vector<1x128x10xf32> to vector<128x10xf32>
    %dot_general3A_26 = arith.constant dense<0.000000e+00> : vector<1x10xf32>
    %dot_general3A_27 = tpu.matmul %mul3A_20, %get3A_25, %dot_general3A_26 {dimension_numbers = #tpu.dot_dimension_numbers<[1], [0], [0], [1], [0, 0, 1, 1], [], []>, transpose_lhs_hint = false} : vector<1x128xf32>, vector<128x10xf32>, vector<1x10xf32> -> vector<1x10xf32>
    %add3A_28 = arith.addf %add3A_14, %dot_general3A_27 : vector<1x10xf32>
    %get3A_29 = arith.constant 1 : index
    %get3A_30 = arith.constant 0 : index
    %get3A_31 = vector.load %arg2[%get3A_29, %get3A_30] : memref<5x10xf32, #tpu.memory_space<vmem>>, vector<1x10xf32>
    %add3A_32 = arith.addf %add3A_28, %get3A_31 : vector<1x10xf32>
    %get3A_33 = arith.constant 2 : index
    %get3A_34 = arith.constant 0 : index
    %get3A_35 = vector.load %arg0[%get3A_33, %get3A_34] : memref<5x128xf32, #tpu.memory_space<vmem>>, vector<1x128xf32>
    %mul3A_36 = arith.constant 9.99999974E-5 : f32
    %mul3A_37 = vector.broadcast %mul3A_36 : f32 to vector<1x128xf32>
    %mul3A_38 = arith.mulf %get3A_35, %mul3A_37 : vector<1x128xf32>
    %get3A_39 = arith.constant 2 : index
    %get3A_40 = arith.constant 0 : index
    %get3A_41 = arith.constant 0 : index
    %get3A_42 = vector.load %arg1[%get3A_39, %get3A_40, %get3A_41] : memref<5x128x10xf32, #tpu.memory_space<vmem>>, vector<1x128x10xf32>
    %get3A_43 = vector.shape_cast %get3A_42 : vector<1x128x10xf32> to vector<128x10xf32>
    %dot_general3A_44 = arith.constant dense<0.000000e+00> : vector<1x10xf32>
    %dot_general3A_45 = tpu.matmul %mul3A_38, %get3A_43, %dot_general3A_44 {dimension_numbers = #tpu.dot_dimension_numbers<[1], [0], [0], [1], [0, 0, 1, 1], [], []>, transpose_lhs_hint = false} : vector<1x128xf32>, vector<128x10xf32>, vector<1x10xf32> -> vector<1x10xf32>
    %add3A_46 = arith.addf %add3A_32, %dot_general3A_45 : vector<1x10xf32>
    %get3A_47 = arith.constant 2 : index
    %get3A_48 = arith.constant 0 : index
    %get3A_49 = vector.load %arg2[%get3A_47, %get3A_48] : memref<5x10xf32, #tpu.memory_space<vmem>>, vector<1x10xf32>
    %add3A_50 = arith.addf %add3A_46, %get3A_49 : vector<1x10xf32>
    %get3A_51 = arith.constant 3 : index
    %get3A_52 = arith.constant 0 : index
    %get3A_53 = vector.load %arg0[%get3A_51, %get3A_52] : memref<5x128xf32, #tpu.memory_space<vmem>>, vector<1x128xf32>
    %mul3A_54 = arith.constant 9.99999974E-5 : f32
    %mul3A_55 = vector.broadcast %mul3A_54 : f32 to vector<1x128xf32>
    %mul3A_56 = arith.mulf %get3A_53, %mul3A_55 : vector<1x128xf32>
    %get3A_57 = arith.constant 3 : index
    %get3A_58 = arith.constant 0 : index
    %get3A_59 = arith.constant 0 : index
    %get3A_60 = vector.load %arg1[%get3A_57, %get3A_58, %get3A_59] : memref<5x128x10xf32, #tpu.memory_space<vmem>>, vector<1x128x10xf32>
    %get3A_61 = vector.shape_cast %get3A_60 : vector<1x128x10xf32> to vector<128x10xf32>
    %dot_general3A_62 = arith.constant dense<0.000000e+00> : vector<1x10xf32>
    %dot_general3A_63 = tpu.matmul %mul3A_56, %get3A_61, %dot_general3A_62 {dimension_numbers = #tpu.dot_dimension_numbers<[1], [0], [0], [1], [0, 0, 1, 1], [], []>, transpose_lhs_hint = false} : vector<1x128xf32>, vector<128x10xf32>, vector<1x10xf32> -> vector<1x10xf32>
    %add3A_64 = arith.addf %add3A_50, %dot_general3A_63 : vector<1x10xf32>
    %get3A_65 = arith.constant 3 : index
    %get3A_66 = arith.constant 0 : index
    %get3A_67 = vector.load %arg2[%get3A_65, %get3A_66] : memref<5x10xf32, #tpu.memory_space<vmem>>, vector<1x10xf32>
    %add3A_68 = arith.addf %add3A_64, %get3A_67 : vector<1x10xf32>
    %get3A_69 = arith.constant 4 : index
    %get3A_70 = arith.constant 0 : index
    %get3A_71 = vector.load %arg0[%get3A_69, %get3A_70] : memref<5x128xf32, #tpu.memory_space<vmem>>, vector<1x128xf32>
    %mul3A_72 = arith.constant 9.99999974E-5 : f32
    %mul3A_73 = vector.broadcast %mul3A_72 : f32 to vector<1x128xf32>
    %mul3A_74 = arith.mulf %get3A_71, %mul3A_73 : vector<1x128xf32>
    %get3A_75 = arith.constant 4 : index
    %get3A_76 = arith.constant 0 : index
    %get3A_77 = arith.constant 0 : index
    %get3A_78 = vector.load %arg1[%get3A_75, %get3A_76, %get3A_77] : memref<5x128x10xf32, #tpu.memory_space<vmem>>, vector<1x128x10xf32>
    %get3A_79 = vector.shape_cast %get3A_78 : vector<1x128x10xf32> to vector<128x10xf32>
    %dot_general3A_80 = arith.constant dense<0.000000e+00> : vector<1x10xf32>
    %dot_general3A_81 = tpu.matmul %mul3A_74, %get3A_79, %dot_general3A_80 {dimension_numbers = #tpu.dot_dimension_numbers<[1], [0], [0], [1], [0, 0, 1, 1], [], []>, transpose_lhs_hint = false} : vector<1x128xf32>, vector<128x10xf32>, vector<1x10xf32> -> vector<1x10xf32>
    %add3A_82 = arith.addf %add3A_68, %dot_general3A_81 : vector<1x10xf32>
    %get3A_83 = arith.constant 4 : index
    %get3A_84 = arith.constant 0 : index
    %get3A_85 = vector.load %arg2[%get3A_83, %get3A_84] : memref<5x10xf32, #tpu.memory_space<vmem>>, vector<1x10xf32>
    %add3A_86 = arith.addf %add3A_82, %get3A_85 : vector<1x10xf32>
    %swap3A = arith.constant 0 : index
    %swap3A_87 = arith.constant 0 : index
    %swap3A_88 = vector.load %arg3[%swap3A, %swap3A_87] : memref<1x10xf32, #tpu.memory_space<vmem>>, vector<1x10xf32>
    tpu.vector_store %arg3[%swap3A, %swap3A_87], %add3A_86 {strides = array<i32>} : memref<1x10xf32, #tpu.memory_space<vmem>>, vector<1x10xf32>,
    return
  }
}

</mosaic_0001>

<sc_bundles>
// kernel: kernel.12.cloned.1.call-start
scs
__scs_entry_jumppad:
0x0: {  	(pc) =	sbr.rel $0x88, $3  }
0x1: {  	(tag) =	ssettag $0x0;
	lr =	simm.s32 $0x1  }
0x2: {  	[smem:$0x3F93] =	sst lr;
	_ =	strace $0xD0000000  }
0x3: {  	_ = 	snop  }
0x4: {  	_ = 	snop  }
0x5: {  	_ = 	snop  }
0x6: {  	_ = 	snop  }
0x7: {  	_ = 	snop  }
__scs_overlays_trampoline_lowered:
0x8: {  	[smem:$0x3FA2] =	sst s0  }
0x9: {  	[smem:$0x3FA3] =	sst s1  }
0xa: {  	[smem:$0x3FA4] =	sst s2  }
0xb: {  	[smem:$0x3FA5] =	sst s3  }
0xc: {  	[smem:$0x3FA6] =	sst s4  }
0xd: {  	[smem:$0x3FA7] =	sst s5  }
0xe: {  	[smem:$0x3FA8] =	sst s6  }
0xf: {  	[smem:$0x3FA9] =	sst s7  }
0x10: {  	[smem:$0x3FAA] =	sst s8  }
0x11: {  	[smem:$0x3FAB] =	sst s9;
	s0 =	simm.s32 @!p0 $0x0  }
0x12: {  	s1 =	sld [smem:$0x3F91];
	s0 =	simm.s32 @p0 $0x1  }
0x13: {  	[smem:$0x3FAC] =	sst s0;
	s0 =	simm.s32 @!p1 $0x0  }
0x14: {  	s2 =	sld [smem:$0x3F90];
	s0 =	simm.s32 @p1 $0x1  }
0x15: {  	[smem:$0x3FAD] =	sst s0;
	s0 =	simm.s32 @!p2 $0x0  }
0x16: {  	s3 =	sld [smem:$0x3FDB];
	s0 =	simm.s32 @p2 $0x1  }
0x17: {  	s4 =	simm.s32 $0x1BF5;
	[smem:$0x3FAF] =	sst s0  }
0x18: {  	s0 =	sld [smem:$0x3F92];
	_ =	swait.ge [sflag:s4], $0x0  }
0x19: {  	s7 =	sld [smem:$0x3F93]  }
0x1a: {  	s8 =	sadd.s32 $0xFFFFE003, lr  }
0x1b: {  	s9 =	sadd.s32 $0xFFFFFEF7, lr;
	s5 =	simm.s32 $0xFFFFFFFF;
	p2 =	slt.u32 s8, $0xFFFFF086  }
0x1c: {  	p1 =	slt.u32 s9, $0xF7A;
	s5 =	simm.s32 @!p2 $0x0  }
0x1d: {  	s5 =	simm.s32 @p1 $0x1;
	p0 =	seq.s32 s7, s2  }
0x1e: {  	s7 =	smul.u32 @!p0 $0xF7A, s2;
	p2 =	seq.s32 @!p0 s5, $0x0  }
0x1f: {  	s9 =	smul.u32 $0xF7A, s1;
	s8 =	simm.s32 @!p0 $0x1BF5;
	p2 =	por !p2, p0  }
0x20: {  	[sflag:s8] =	ssyncset.s32 @!p0 $0xFFFFF086;
	s6 =	sadd.s32 @!p0 s3, s7;
	s7 =	simm.s32 @!p0 $0x108  }
0x21: {  	s3 =	sadd.s32 s3, s9;
	s6 =	sadd.s32 @!p0 $0x88, s6;
	s7 =	simm.s32 @p2 $0x1082  }
0x22: {  	[simem:s7], [sflag:s8] =	dma.local @!p0 [hbm:s6], $0xF7A  }
0x23: {  	s9 =	sor.u32 $0xD0000000, s2;
	s6 =	simm.s32 $0x108;
	_ =	swait.ge @!p0 [sflag:s8], $0x0  }
0x24: {  	s3 =	sadd.s32 $0x88, s3;
	s6 =	simm.s32 @!p1 $0x1082;
	[sflag:s4] =	ssyncset.s32 $0xFFFFF086  }
0x25: {  	[simem:s6], [sflag:s4] =	dma.local [hbm:s3], $0xF7A  }
0x26: {  	[smem:$0x3F93] =	sst s1;
	(tag) =	ssettag s2;
	_ =	strace s9  }
0x27: {  	s1 =	sld [smem:$0x3FA3]  }
0x28: {  	s2 =	sld [smem:$0x3FA4]  }
0x29: {  	s4 =	sld [smem:$0x3FA6]  }
0x2a: {  	p0 =	seq.s32 s5, $0x0;
	s5 =	sld [smem:$0x3FA7]  }
0x2b: {  	s6 =	sld [smem:$0x3FA8]  }
0x2c: {  	s7 =	sld [smem:$0x3FA9]  }
0x2d: {  	s3 =	simm.s32 $0x108;
	s8 =	sld [smem:$0x3FAA]  }
0x2e: {  	s3 =	simm.s32 @!p0 $0x1082;
	s9 =	sld [smem:$0x3FAB]  }
0x2f: {  	lr =	sadd.s32 s0, s3;
	s0 =	sld [smem:$0x3FA2]  }
0x30: {  	s3 =	sld [smem:$0x3FA5]  }
0x31: {  	[smem:$0x3FAE] =	sst s10  }
0x32: {  	s10 =	sld [smem:$0x3FAC];
	_ =	sdelay $0x3  }
0x33: {  	p0 =	seq.s32 s10, $0x1;
	s10 =	sld [smem:$0x3FAE];
	_ =	sdelay $0x3  }
0x34: {  	[smem:$0x3FAE] =	sst s10  }
0x35: {  	s10 =	sld [smem:$0x3FAD];
	_ =	sdelay $0x3  }
0x36: {  	p1 =	seq.s32 s10, $0x1;
	s10 =	sld [smem:$0x3FAE];
	_ =	sdelay $0x3  }
0x37: {  	[smem:$0x3FAE] =	sst s10  }
0x38: {  	s10 =	sld [smem:$0x3FAF]  }
0x39: {  	_ = 	snop;
	(pc) =	sbr.ind lr, $3  }
0x3a: {  	_ = 	snop  }
0x3b: {  	_ = 	snop  }
0x3c: {  	p2 =	seq.s32 s10, $0x1;
	s10 =	sld [smem:$0x3FAE]  }
0x3d: {  	_ =	shalt  }
0x3e: {  	_ =	shalt  }
0x3f: {  	_ =	shalt  }
0x40: {  	_ =	shalt  }
0x41: {  	_ =	shalt  }
0x42: {  	_ =	shalt  }
0x43: {  	_ =	shalt  }
0x44: {  	_ =	shalt  }
0x45: {  	_ =	shalt  }
0x46: {  	_ =	shalt  }
0x47: {  	_ =	shalt  }
0x48: {  	_ =	shalt  }
0x49: {  	_ =	shalt  }
0x4a: {  	_ =	shalt  }
0x4b: {  	_ =	shalt  }
0x4c: {  	_ =	shalt  }
0x4d: {  	_ =	shalt  }
0x4e: {  	_ =	shalt  }
0x4f: {  	_ =	shalt  }
0x50: {  	_ =	shalt  }
0x51: {  	_ =	shalt  }
0x52: {  	_ =	shalt  }
0x53: {  	_ =	shalt  }
0x54: {  	_ =	shalt  }
0x55: {  	_ =	shalt  }
0x56: {  	_ =	shalt  }
0x57: {  	_ =	shalt  }
0x58: {  	_ =	shalt  }
0x59: {  	_ =	shalt  }
0x5a: {  	_ =	shalt  }
0x5b: {  	_ =	shalt  }
0x5c: {  	_ =	shalt  }
0x5d: {  	_ =	shalt  }
0x5e: {  	_ =	shalt  }
0x5f: {  	_ =	shalt  }
0x60: {  	_ =	shalt  }
0x61: {  	_ =	shalt  }
0x62: {  	_ =	shalt  }
0x63: {  	_ =	shalt  }
0x64: {  	_ =	shalt  }
0x65: {  	_ =	shalt  }
0x66: {  	_ =	shalt  }
0x67: {  	_ =	shalt  }
0x68: {  	_ =	shalt  }
0x69: {  	_ =	shalt  }
0x6a: {  	_ =	shalt  }
0x6b: {  	_ =	shalt  }
0x6c: {  	_ =	shalt  }
0x6d: {  	_ =	shalt  }
0x6e: {  	_ =	shalt  }
0x6f: {  	_ =	shalt  }
0x70: {  	_ =	shalt  }
0x71: {  	_ =	shalt  }
0x72: {  	_ =	shalt  }
0x73: {  	_ =	shalt  }
0x74: {  	_ =	shalt  }
0x75: {  	_ =	shalt  }
0x76: {  	_ =	shalt  }
0x77: {  	_ =	shalt  }
0x78: {  	_ =	shalt  }
0x79: {  	_ =	shalt  }
0x7a: {  	_ =	shalt  }
0x7b: {  	_ =	shalt  }
0x7c: {  	_ =	shalt  }
0x7d: {  	_ =	shalt  }
0x7e: {  	_ =	shalt  }
0x7f: {  	_ =	shalt  }
0x80: {  	_ =	shalt  }
0x81: {  	_ =	shalt  }
0x82: {  	_ =	shalt  }
0x83: {  	_ =	shalt  }
0x84: {  	_ =	shalt  }
0x85: {  	_ =	shalt  }
0x86: {  	_ =	shalt  }
0x87: {  	_ =	shalt  }
.Lfunc_end0:
.L_simem_size_0:
called_computation_lowered:
.L_overlay_start_0:
0x88: {  	s2 =	sld [smem:$0x3FD9]  }
0x89: {  	s3 =	sld [smem:$0x3FFE];
	_ =	sdelay $0x1  }
0x8a: {  	s1 =	srdreg.scid  }
0x8b: {  	s0 =	sand.u32 $0x1, s1  }
0x8c: {  	s16 =	sshll.u32 s0, $0xA;
	s2 =	sadd.s32 s3, s2  }
0x8d: {  	s2 =	sadd.s32 s2, s16  }
0x8e: {  	[smem:$0x3FBA] =	sst s2  }
0x8f: {  	_ = 	snop  }
0x90: {  	(tm) =	ssettm $0x1  }
0x91: {  	s17 =	sld [smem:$0x3FFB];
	_ =	sdelay $0x3  }
0x92: {  	_ =	strace s17  }
0x93: {  	s2 =	sld [smem:$0x3FFC];
	_ =	sdelay $0x3  }
0x94: {  	_ =	strace s2  }
0x95: {  	s2 =	sld [smem:$0x3FFD];
	_ =	sdelay $0x3  }
0x96: {  	_ =	strace s2  }
0x97: {  	_ =	strace $0x8FFFFFFF  }
0x98: {  	s18 =	sld [smem:$0x3FDB];
	_ =	sdelay $0x1  }
0x99: {  	s19 =	simm.s32 $_scs_section_size  }
0x9a: {  	s4 =	simm.s32 $_size__tile_overlayer_lowered;
	s5 =	simm.s32 $_tile_overlayer_lowered  }
0x9b: {  	s22 =	simm.s32 $0x1BFF;
	s21 =	sshll.u32 s5, $0x1;
	s2 =	sadd.s32 s19, s18  }
0x9c: {  	s6 =	simm.s32 $0x0;
	s20 =	sshll.u32 s4, $0x1;
	s4 =	sadd.s32 s21, s2  }
0x9d: {  	[timem:s6], [sflag:s22] =	dma.local [hbm:s4], s20  }
0x9e: {  	_ =	swait.ge [sflag:s22], s20  }
0x9f: {  	s3 =	ssub.s32 $0x0, s20;
	[sflag:s22] =	ssyncset.done $0x0  }
0xa0: {  	[sflag:s22] =	ssyncadd.s32 s3;
	_ =	sdelay $0x1  }
0xa1: {  	s23 =	simm.s32 $0x1B8B  }
0xa2: {  	_ =	swait.ge [sflag:s23], $0x1  }
0xa3: {  	[sflag:s23] =	ssyncset.done $0x0  }
0xa4: {  	s25 =	simm.s32 $0x1B8E;
	s24 =	sld [smem:$0x3FFE];
	[sflag:s23] =	ssyncadd.s32 $0xFFFFFFFF  }
0xa5: {  	s26 =	simm.s32 $execute0_lowered;
	[smem:$0x3FD2] =	sst s25  }
0xa6: {  	s4 =	sshll.u32 s26, $0x1;
	_ =	strace $0x80000046;
	[dreg:$0x1] =	wrdreg $0xFFFFFFFF  }
0xa7: {  	s28 =	simm.s32 $_size_execute0_lowered;
	s2 =	sadd.s32 s2, s4;
	[dreg:$0x0] =	wrdreg $0x0  }
0xa8: {  	s4 =	sshll.u32 s28, $0x1;
	[dreg:$0x2] =	wrdreg s2  }
0xa9: {  	[dreg:$0x3] =	wrdreg s4  }
0xaa: {  	[dreg:$0x4] =	wrdreg $0xC0  }
0xab: {  	_ =	task [dreg:s6], $0x5FFFF  }
0xac: {  	[dreg:$0x1] =	wrdreg $0xFFFFFFFF  }
0xad: {  	[dreg:$0x0] =	wrdreg $0x60  }
0xae: {  	[dreg:$0x2] =	wrdreg s24  }
0xaf: {  	[dreg:$0x3] =	wrdreg $0x0  }
0xb0: {  	[dreg:$0x4] =	wrdreg $0x9  }
0xb1: {  	_ =	task.clear_ibuf [dreg:s6], $0x5FFFF;
	_ =	strace $0x90000046  }
0xb2: {  	s29 =	simm.s32 $0x9;
	_ =	strace $0x80000048  }
0xb3: {  	_ =	swait.ge [sflag:s29], $0x1  }
0xb4: {  	[sflag:s29] =	ssyncadd.s32 $0xFFFFFFFF  }
0xb5: {  	_ =	strace $0x90000048  }
0xb6: {  	_ =	sfence  }
0xb7: {  	s30 =	sld [smem:$0x0];
	_ =	sdelay $0x2  }
0xb8: {  	s31 =	sshll.u32 s1, $0xD;
	s1 =	sshrl.u32 s1, $0x2  }
0xb9: {  	s3 =	sand.u32 $0x4000, s31;
	s1 =	sadd.s32 s1, s30  }
0xba: {  	s0 =	sor.u32 s3, s0;
	s1 =	sshll.u32 s1, $0x11  }
0xbb: {  	s0 =	sor.u32 s1, s0  }
0xbc: {  	s0 =	sadd.s32 $0x8F2B, s0  }
0xbd: {  	[sflag:s0] =	ssyncadd.remote.s32 $0x1  }
0xbe: {  	_ =	sfence.sel $0xFFFF  }
0xbf: {  	[dreg:$0x0] =	wrdreg $0xFFFFFFFF;
	(pc) =	sbr.abs _section_cstart, $3  }
0xc0: {  	[dreg:$0x1] =	wrdreg $0xFFFFFFFF  }
0xc1: {  	_ =	task.clear_ibuf [dreg:s6], $0x2FFFF;
	_ =	strace $0x9FFFFFFF  }
0xc2: {  	(tm) =	ssettm $0x7FFFFFFF  }
0xc3: {  	_ =	shalt  }
tec
execute0_lowered:
.L_overlay_start_1:
0x0: {  	(tag) =	ssettag $0x1  }
0x1: {  	s0 =	rddreg [dreg:$0x0]  }
0x2: {  	s1 =	rddreg [dreg:$0x1];
	s2 =	simm.s32 $0x0;
	s4 =	srdreg.scid  }
0x3: {  	s13 =	stileid.u32;
	s16 =	simm.s32 $0x13900;
	s17 =	simm.s32 $0x14D00  }
0x4: {  	s18 =	simm.s32 $0x40;
	s19 =	simm.s32 $0x16100;
	s28 =	simm.s32 $0x80  }
0x5: {  	s29 =	simm.s32 $0x2;
	s30 =	simm.s32 $0x16000;
	s31 =	simm.s32 $0x16080  }
0x6: {  	[smem:$0x7FF] =	sst s2;
	s3 =	sadd.s32 $0x6600, s0;
	s20 =	sadd.s32 $0x2D800, s0  }
0x7: {  	s6 =	sadd.s32 $0x37800, s0;
	s5 =	sand.u32 $0x1, s4;
	s8 =	smul.u32 $0x4E000, s13  }
0x8: {  	s4 =	sadd.s32 $0x41800, s0;
	s0 =	sadd.s32 $0x44000, s0;
	s21 =	smul.u32 $0x13800, s13  }
0x9: {  	s23 =	sshll.u32 s13, $0x6;
	s15 =	sadd.s32 $0x138000, s1;
	p0 =	sne.s32 s13, $0x0  }
0xa: {  	_ =	strace $0x80000047;
	s7 =	ssub.s32 $0x2, s5;
	s10 =	smul.u32 $0x138800, s5  }
0xb: {  	s5 =	sshll.u32 s5, $0x4;
	s15 =	sshrl.u32 @!p0 s15, $0x3;
	s9 =	sshrl.u32 s7, $0x1  }
0xc: {  	s11 =	sor.u32 s13, s5;
	s22 =	sshrl.u32 s8, $0x2;
	s5 =	sor.u32 $0x1C03, s23  }
0xd: {  	s23 =	simm.s32 $0x1A100;
	s9 =	ssub.s32 s7, s9;
	s14 =	sadd.s32 s22, s1  }
0xe: {  	s7 =	sadd.s32 s21, s10;
	s24 =	sshrl.u32 s10, $0x3;
	s25 =	smul.u32 $0x500, s11  }
0xf: {  	s21 =	simm.s32 $0x18100;
	s22 =	simm.s32 $0x13980;
	s7 =	sshrl.u32 s7, $0x3  }
0x10: {  	s8 =	smax.u32 s9, $0x1;
	s13 =	sshrl.u32 s14, $0x3;
	s14 =	simm.s32 $0x3  }
0x11: {  	s7 =	sadd.s32 s0, s7;
	s0 =	sadd.s32 s0, s24;
	s26 =	sadd.s32 $0x280, s25  }
0x12: {  	s9 =	sadd.s32 s20, s25;
	s10 =	sadd.s32 s6, s25;
	s24 =	simm.s32 $0x139C0  }
0x13: {  	s25 =	simm.s32 $0x1C100;
	[dreg:$0x3] =	wrdreg s7;
	s0 =	sadd.s32 $0x27000, s0  }
0x14: {  	s11 =	sadd.s32 s20, s26;
	s12 =	sadd.s32 s6, s26;
	s20 =	simm.s32 $0x13940  }
0x15: {  	s26 =	simm.s32 $0x1;
	[dreg:$0x4] =	wrdreg s0;
	s0 =	simm.s32 $0x0  }
.LBB2_1:
0x16: {  	[spmem:s13], [sflag:s5] =	dma.local [hbm:s4], $0x2700  }
0x17: {  	_ =	swait.ge [sflag:s14], $0x2700  }
0x18: {  	[sflag:s14] =	ssyncset.done $0x0  }
0x19: {  	s2 =	simm.s32 @!p0 $0x3;
	[sflag:s14] =	ssyncadd.s32 $0xFFFFD900  }
0x1a: {  	[spmem:s15], [sflag:s5] =	dma.local @!p0 [hbm:s4], $0x200  }
0x1b: {  	_ =	swait.ge @!p0 [sflag:s2], $0x200  }
0x1c: {  	[sflag:s2] =	ssyncset.done @!p0 $0x0  }
0x1d: {  	[sflag:s2] =	ssyncadd.s32 @!p0 $0xFFFFFE00  }
0x1e: {  	s6 =	simm.s32 $0x0;
	[bflag:$0x0] =	sbarrier.arrive $0xFFFF  }
0x1f: {  	[tilespmem:s16], [sflag:$0x3] =	stream.linear.gather [hbm4b:s9+s6], $0x1400, $0x38;
	[tilespmem:$0x1E100] =	vst v63  }
0x20: {  	_ =	swait.ge [sflag:s14], $0x1400  }
0x21: {  	[sflag:s14] =	ssyncset.done $0x0  }
0x22: {  	[sflag:s14] =	ssyncadd.s32 $0xFFFFEC00  }
0x23: {  	[tilespmem:s17], [sflag:$0x3] =	stream.linear.gather [hbm4b:s10+s6], $0x1400, $0x38;
	[tilespmem:$0x1E100] =	vst v63  }
0x24: {  	_ =	swait.ge [sflag:s14], $0x1400  }
0x25: {  	[sflag:s14] =	ssyncset.done $0x0  }
0x26: {  	[sflag:s14] =	ssyncadd.s32 $0xFFFFEC00  }
0x27: {  	[tilespmem:s19], [sflag:$0x1] =	stream.indirect.gather [hbm4b:s3+s18], $0x80, s16, s18, $0xb8;
	[tilespmem:$0x1E100] =	vst v63  }
0x28: {  	_ = 	snop  }
0x29: {  	[tilespmem:s21], [sflag:$0x1] =	stream.indirect.gather [hbm4b:s3+s18], $0x80, s20, s18, $0xb8;
	[tilespmem:$0x1E100] =	vst v63  }
0x2a: {  	_ = 	snop  }
0x2b: {  	[tilespmem:s23], [sflag:$0x2] =	stream.indirect.gather [hbm4b:s3+s18], $0x80, s22, s18, $0xb8;
	[tilespmem:$0x1E100] =	vst v63  }
0x2c: {  	_ = 	snop  }
0x2d: {  	[tilespmem:s25], [sflag:$0x2] =	stream.indirect.gather [hbm4b:s3+s18], $0x80, s24, s18, $0xb8;
	[tilespmem:$0x1E100] =	vst v63  }
0x2e: {  	_ =	swait.ge [sflag:s26], $0x4000  }
0x2f: {  	[sflag:s26] =	ssyncset.done $0x0  }
0x30: {  	s7 =	simm.s32 $0x14D00;
	[sflag:s26] =	ssyncadd.s32 $0xFFFFC000  }
0x31: {  	[spmem:s1] =	stream.indirect.scatter.add.f32 [tilespmem:s19], [sflag:$0x3], $0x80, s7, s28, $0xb8;
	[tilespmem:$0x1E100] =	vst v63  }
0x32: {  	_ =	swait.ge [sflag:s14], $0x4000  }
0x33: {  	[sflag:s14] =	ssyncset.done $0x0  }
0x34: {  	s6 =	simm.s32 $0x13A00;
	[sflag:s14] =	ssyncadd.s32 $0xFFFFC000  }
0x35: {  	[tilespmem:s19], [sflag:$0x1] =	stream.indirect.gather [hbm4b:s3+s18], $0x80, s6, s18, $0xb8;
	[tilespmem:$0x1E100] =	vst v63  }
0x36: {  	s7 =	simm.s32 $0x13A40  }
0x37: {  	[tilespmem:s21], [sflag:$0x1] =	stream.indirect.gather [hbm4b:s3+s18], $0x80, s7, s18, $0xb8;
	[tilespmem:$0x1E100] =	vst v63  }
0x38: {  	_ =	swait.ge [sflag:s29], $0x4000  }
0x39: {  	[sflag:s29] =	ssyncset.done $0x0  }
0x3a: {  	s6 =	simm.s32 $0x14D80;
	[sflag:s29] =	ssyncadd.s32 $0xFFFFC000  }
0x3b: {  	[spmem:s1] =	stream.indirect.scatter.add.f32 [tilespmem:s23], [sflag:$0x3], $0x80, s6, s28, $0xb8;
	[tilespmem:$0x1E100] =	vst v63  }
0x3c: {  	_ =	swait.ge [sflag:s14], $0x4000  }
0x3d: {  	s2 =	simm.s32 $0x400;
	[sflag:s14] =	ssyncset.done $0x0  }
0x3e: {  	s7 =	simm.s32 $0x13A80;
	s6 =	simm.s32 $0x13AC0;
	[sflag:s14] =	ssyncadd.s32 $0xFFFFC000  }
0x3f: {  	[tilespmem:s23], [sflag:$0x2] =	stream.indirect.gather [hbm4b:s3+s18], $0x80, s7, s18, $0xb8;
	[tilespmem:$0x1E100] =	vst v63  }
.LBB2_2:
0x40: {  	[tilespmem:s25], [sflag:$0x2] =	stream.indirect.gather [hbm4b:s3+s18], $0x80, s6, s18, $0xb8;
	[tilespmem:$0x1E100] =	vst v63  }
0x41: {  	s6 =	smov.u32 s2  }
0x42: {  	p1 =	sne.s32 s2, $0x4800;
	s2 =	sadd.s32 $0x400, s2;
	_ =	swait.ge [sflag:s26], $0x4000  }
0x43: {  	s6 =	sshra.s32 s6, $0x2;
	[sflag:s26] =	ssyncset.done $0x0  }
0x44: {  	s7 =	sadd.s32 $0x14D00, s6;
	[sflag:s26] =	ssyncadd.s32 $0xFFFFC000  }
0x45: {  	[spmem:s1] =	stream.indirect.scatter.add.f32 [tilespmem:s19], [sflag:$0x3], $0x80, s7, s28, $0xb8;
	[tilespmem:$0x1E100] =	vst v63  }
0x46: {  	_ =	swait.ge [sflag:s14], $0x4000  }
0x47: {  	[sflag:s14] =	ssyncset.done $0x0  }
0x48: {  	s7 =	sadd.s32 $0x13A00, s6;
	[sflag:s14] =	ssyncadd.s32 $0xFFFFC000  }
0x49: {  	[tilespmem:s19], [sflag:$0x1] =	stream.indirect.gather [hbm4b:s3+s18], $0x80, s7, s18, $0xb8;
	[tilespmem:$0x1E100] =	vst v63  }
0x4a: {  	s7 =	sadd.s32 $0x13A40, s6  }
0x4b: {  	[tilespmem:s21], [sflag:$0x1] =	stream.indirect.gather [hbm4b:s3+s18], $0x80, s7, s18, $0xb8;
	[tilespmem:$0x1E100] =	vst v63  }
0x4c: {  	_ =	swait.ge [sflag:s29], $0x4000  }
0x4d: {  	[sflag:s29] =	ssyncset.done $0x0  }
0x4e: {  	s7 =	sadd.s32 $0x14D80, s6;
	[sflag:s29] =	ssyncadd.s32 $0xFFFFC000  }
0x4f: {  	[spmem:s1] =	stream.indirect.scatter.add.f32 [tilespmem:s23], [sflag:$0x3], $0x80, s7, s28, $0xb8;
	[tilespmem:$0x1E100] =	vst v63  }
.Ltmp0:
0x50: {  	_ =	swait.ge [sflag:s14], $0x4000;
	(pc) =	sbr.rel @p1 .LBB2_2-.Ltmp0, $4  }
0x51: {  	[sflag:s14] =	ssyncset.done $0x0  }
0x52: {  	s7 =	sadd.s32 $0x13A80, s6;
	[sflag:s14] =	ssyncadd.s32 $0xFFFFC000  }
0x53: {  	[tilespmem:s23], [sflag:$0x2] =	stream.indirect.gather [hbm4b:s3+s18], $0x80, s7, s18, $0xb8;
	[tilespmem:$0x1E100] =	vst v63  }
0x54: {  	s6 =	sadd.s32 $0x13AC0, s6  }
0x55: {  	[tilespmem:s25], [sflag:$0x2] =	stream.indirect.gather [hbm4b:s3+s18], $0x80, s6, s18, $0xb8;
	[tilespmem:$0x1E100] =	vst v63  }
0x56: {  	_ =	swait.ge [sflag:s26], $0x4000  }
0x57: {  	[sflag:s26] =	ssyncset.done $0x0  }
0x58: {  	[sflag:s26] =	ssyncadd.s32 $0xFFFFC000  }
0x59: {  	[spmem:s1] =	stream.indirect.scatter.add.f32 [tilespmem:s19], [sflag:$0x3], $0x80, s30, s28, $0xb8;
	[tilespmem:$0x1E100] =	vst v63  }
0x5a: {  	_ =	swait.ge [sflag:s14], $0x4000  }
0x5b: {  	[sflag:s14] =	ssyncset.done $0x0  }
0x5c: {  	[sflag:s14] =	ssyncadd.s32 $0xFFFFC000  }
0x5d: {  	_ =	swait.ge [sflag:s29], $0x4000  }
0x5e: {  	[sflag:s29] =	ssyncset.done $0x0  }
0x5f: {  	[sflag:s29] =	ssyncadd.s32 $0xFFFFC000  }
0x60: {  	[spmem:s1] =	stream.indirect.scatter.add.f32 [tilespmem:s23], [sflag:$0x3], $0x80, s31, s28, $0xb8;
	[tilespmem:$0x1E100] =	vst v63  }
0x61: {  	_ =	swait.ge [sflag:s14], $0x4000  }
0x62: {  	[sflag:s14] =	ssyncset.done $0x0  }
0x63: {  	s2 =	simm.s32 $0x0;
	[sflag:s14] =	ssyncadd.s32 $0xFFFFC000  }
0x64: {  	[tilespmem:s16], [sflag:$0x3] =	stream.linear.gather [hbm4b:s11+s2], $0x1400, $0x38;
	[tilespmem:$0x1E100] =	vst v63  }
0x65: {  	_ =	swait.ge [sflag:s14], $0x1400  }
0x66: {  	[sflag:s14] =	ssyncset.done $0x0  }
0x67: {  	[sflag:s14] =	ssyncadd.s32 $0xFFFFEC00  }
0x68: {  	[tilespmem:s17], [sflag:$0x3] =	stream.linear.gather [hbm4b:s12+s2], $0x1400, $0x38;
	[tilespmem:$0x1E100] =	vst v63  }
0x69: {  	_ =	swait.ge [sflag:s14], $0x1400  }
0x6a: {  	[sflag:s14] =	ssyncset.done $0x0  }
0x6b: {  	[sflag:s14] =	ssyncadd.s32 $0xFFFFEC00  }
0x6c: {  	[tilespmem:s19], [sflag:$0x1] =	stream.indirect.gather [hbm4b:s3+s18], $0x80, s16, s18, $0xb8;
	[tilespmem:$0x1E100] =	vst v63  }
0x6d: {  	_ = 	snop  }
0x6e: {  	[tilespmem:s21], [sflag:$0x1] =	stream.indirect.gather [hbm4b:s3+s18], $0x80, s20, s18, $0xb8;
	[tilespmem:$0x1E100] =	vst v63  }
0x6f: {  	_ = 	snop  }
0x70: {  	[tilespmem:s23], [sflag:$0x2] =	stream.indirect.gather [hbm4b:s3+s18], $0x80, s22, s18, $0xb8;
	[tilespmem:$0x1E100] =	vst v63  }
0x71: {  	_ = 	snop  }
0x72: {  	[tilespmem:s25], [sflag:$0x2] =	stream.indirect.gather [hbm4b:s3+s18], $0x80, s24, s18, $0xb8;
	[tilespmem:$0x1E100] =	vst v63  }
0x73: {  	_ =	swait.ge [sflag:s26], $0x4000  }
0x74: {  	[sflag:s26] =	ssyncset.done $0x0  }
0x75: {  	s7 =	simm.s32 $0x14D00;
	[sflag:s26] =	ssyncadd.s32 $0xFFFFC000  }
0x76: {  	[spmem:s1] =	stream.indirect.scatter.add.f32 [tilespmem:s19], [sflag:$0x3], $0x80, s7, s28, $0xb8;
	[tilespmem:$0x1E100] =	vst v63  }
0x77: {  	_ =	swait.ge [sflag:s14], $0x4000  }
0x78: {  	[sflag:s14] =	ssyncset.done $0x0  }
0x79: {  	s6 =	simm.s32 $0x13A00;
	[sflag:s14] =	ssyncadd.s32 $0xFFFFC000  }
0x7a: {  	[tilespmem:s19], [sflag:$0x1] =	stream.indirect.gather [hbm4b:s3+s18], $0x80, s6, s18, $0xb8;
	[tilespmem:$0x1E100] =	vst v63  }
0x7b: {  	s7 =	simm.s32 $0x13A40  }
0x7c: {  	[tilespmem:s21], [sflag:$0x1] =	stream.indirect.gather [hbm4b:s3+s18], $0x80, s7, s18, $0xb8;
	[tilespmem:$0x1E100] =	vst v63  }
0x7d: {  	_ =	swait.ge [sflag:s29], $0x4000  }
0x7e: {  	[sflag:s29] =	ssyncset.done $0x0  }
0x7f: {  	s6 =	simm.s32 $0x14D80;
	[sflag:s29] =	ssyncadd.s32 $0xFFFFC000  }
0x80: {  	[spmem:s1] =	stream.indirect.scatter.add.f32 [tilespmem:s23], [sflag:$0x3], $0x80, s6, s28, $0xb8;
	[tilespmem:$0x1E100] =	vst v63  }
0x81: {  	_ =	swait.ge [sflag:s14], $0x4000  }
0x82: {  	s2 =	simm.s32 $0x400;
	[sflag:s14] =	ssyncset.done $0x0  }
0x83: {  	s7 =	simm.s32 $0x13A80;
	s6 =	simm.s32 $0x13AC0;
	[sflag:s14] =	ssyncadd.s32 $0xFFFFC000  }
0x84: {  	[tilespmem:s23], [sflag:$0x2] =	stream.indirect.gather [hbm4b:s3+s18], $0x80, s7, s18, $0xb8;
	[tilespmem:$0x1E100] =	vst v63  }
.LBB2_4:
0x85: {  	[tilespmem:s25], [sflag:$0x2] =	stream.indirect.gather [hbm4b:s3+s18], $0x80, s6, s18, $0xb8;
	[tilespmem:$0x1E100] =	vst v63  }
0x86: {  	s6 =	smov.u32 s2  }
0x87: {  	p1 =	sne.s32 s2, $0x4800;
	s2 =	sadd.s32 $0x400, s2;
	_ =	swait.ge [sflag:s26], $0x4000  }
0x88: {  	s6 =	sshra.s32 s6, $0x2;
	[sflag:s26] =	ssyncset.done $0x0  }
0x89: {  	s7 =	sadd.s32 $0x14D00, s6;
	[sflag:s26] =	ssyncadd.s32 $0xFFFFC000  }
0x8a: {  	[spmem:s1] =	stream.indirect.scatter.add.f32 [tilespmem:s19], [sflag:$0x3], $0x80, s7, s28, $0xb8;
	[tilespmem:$0x1E100] =	vst v63  }
0x8b: {  	_ =	swait.ge [sflag:s14], $0x4000  }
0x8c: {  	[sflag:s14] =	ssyncset.done $0x0  }
0x8d: {  	s7 =	sadd.s32 $0x13A00, s6;
	[sflag:s14] =	ssyncadd.s32 $0xFFFFC000  }
0x8e: {  	[tilespmem:s19], [sflag:$0x1] =	stream.indirect.gather [hbm4b:s3+s18], $0x80, s7, s18, $0xb8;
	[tilespmem:$0x1E100] =	vst v63  }
0x8f: {  	s7 =	sadd.s32 $0x13A40, s6  }
0x90: {  	[tilespmem:s21], [sflag:$0x1] =	stream.indirect.gather [hbm4b:s3+s18], $0x80, s7, s18, $0xb8;
	[tilespmem:$0x1E100] =	vst v63  }
0x91: {  	_ =	swait.ge [sflag:s29], $0x4000  }
0x92: {  	[sflag:s29] =	ssyncset.done $0x0  }
0x93: {  	s7 =	sadd.s32 $0x14D80, s6;
	[sflag:s29] =	ssyncadd.s32 $0xFFFFC000  }
0x94: {  	[spmem:s1] =	stream.indirect.scatter.add.f32 [tilespmem:s23], [sflag:$0x3], $0x80, s7, s28, $0xb8;
	[tilespmem:$0x1E100] =	vst v63  }
.Ltmp1:
0x95: {  	_ =	swait.ge [sflag:s14], $0x4000;
	(pc) =	sbr.rel @p1 .LBB2_4-.Ltmp1, $4  }
0x96: {  	[sflag:s14] =	ssyncset.done $0x0  }
0x97: {  	s7 =	sadd.s32 $0x13A80, s6;
	[sflag:s14] =	ssyncadd.s32 $0xFFFFC000  }
0x98: {  	[tilespmem:s23], [sflag:$0x2] =	stream.indirect.gather [hbm4b:s3+s18], $0x80, s7, s18, $0xb8;
	[tilespmem:$0x1E100] =	vst v63  }
0x99: {  	s6 =	sadd.s32 $0x13AC0, s6  }
0x9a: {  	[tilespmem:s25], [sflag:$0x2] =	stream.indirect.gather [hbm4b:s3+s18], $0x80, s6, s18, $0xb8;
	[tilespmem:$0x1E100] =	vst v63  }
0x9b: {  	_ =	swait.ge [sflag:s26], $0x4000  }
0x9c: {  	[sflag:s26] =	ssyncset.done $0x0  }
0x9d: {  	[sflag:s26] =	ssyncadd.s32 $0xFFFFC000  }
0x9e: {  	[spmem:s1] =	stream.indirect.scatter.add.f32 [tilespmem:s19], [sflag:$0x3], $0x80, s30, s28, $0xb8;
	[tilespmem:$0x1E100] =	vst v63  }
0x9f: {  	_ =	swait.ge [sflag:s14], $0x4000  }
0xa0: {  	[sflag:s14] =	ssyncset.done $0x0  }
0xa1: {  	[sflag:s14] =	ssyncadd.s32 $0xFFFFC000  }
0xa2: {  	_ =	swait.ge [sflag:s29], $0x4000  }
0xa3: {  	[sflag:s29] =	ssyncset.done $0x0  }
0xa4: {  	[sflag:s29] =	ssyncadd.s32 $0xFFFFC000  }
0xa5: {  	[spmem:s1] =	stream.indirect.scatter.add.f32 [tilespmem:s23], [sflag:$0x3], $0x80, s31, s28, $0xb8;
	[tilespmem:$0x1E100] =	vst v63  }
0xa6: {  	_ =	swait.ge [sflag:s14], $0x4000  }
0xa7: {  	[sflag:s14] =	ssyncset.done $0x0  }
0xa8: {  	[sflag:s14] =	ssyncadd.s32 $0xFFFFC000  }
0xa9: {  	[bflag:$0x0] =	sbarrier.arrive $0xFFFF  }
0xaa: {  	s2 =	rddreg [dreg:$0x3]  }
0xab: {  	[hbm:s2], [sflag:s5] =	dma.local [spmem:s13], $0x2700  }
0xac: {  	_ =	swait.ge [sflag:s14], $0x2700  }
0xad: {  	s0 =	sadd.s32 $0x1, s0;
	[sflag:s14] =	ssyncset.done $0x0  }
0xae: {  	p1 =	sne.s32 s0, s8;
	s2 =	rddreg [dreg:$0x4];
	[sflag:s14] =	ssyncadd.s32 $0xFFFFD900  }
0xaf: {  	[hbm:s2], [sflag:s5] =	dma.local @!p0 [spmem:s15], $0x100  }
.Ltmp2:
0xb0: {  	_ = 	snop;
	(pc) =	sbr.rel @p1 .LBB2_1-.Ltmp2, $4  }
0xb1: {  	s2 =	simm.s32 @!p0 $0x3  }
0xb2: {  	_ =	swait.ge @!p0 [sflag:s2], $0x100  }
0xb3: {  	[sflag:s2] =	ssyncset.done @!p0 $0x0  }
0xb4: {  	[sflag:s2] =	ssyncadd.s32 @!p0 $0xFFFFFF00  }
0xb5: {  	_ =	sfence.sel $0x180000  }
0xb6: {  	[bflag:$0x0] =	sbarrier.arrive $0xFFFF  }
0xb7: {  	_ =	strace $0x90000047  }
0xb8: {  	[bflag:$0x2] =	sbarrier.arrive $0xFFFF  }
0xb9: {  	s0 =	rddreg [dreg:$0x2]  }
0xba: {  	s0 =	sadd.s32 @!p0 $0x100000, s0  }
0xbb: {  	[sflag:s0] =	ssyncadd.tile.s32 @!p0 $0x1;
	_ =	shalt  }
.Lfunc_end2:
_tile_overlayer_lowered:
.L_overlay_start_2:
0xbc: {  	(tag) =	ssettag $0x2  }
0xbd: {  	s0 =	rddreg [dreg:$0x0];
	s2 =	stileid.u32  }
0xbe: {  	s1 =	rddreg [dreg:$0x1];
	p0 =	sne.s32 s2, $0x0  }
0xbf: {  	s3 =	rddreg [dreg:$0x2];
	[bflag:$0x3] =	sbarrier.arrive $0xFFFF;
	s2 =	simm.s32 @!p0 $0x1C03  }
0xc0: {  	[timem:s3], [sflag:s2] =	dma.local @!p0 [hbm:s0], s1  }
0xc1: {  	s0 =	simm.s32 @!p0 $0x3  }
0xc2: {  	_ =	swait.ge @!p0 [sflag:s0], s1  }
0xc3: {  	s1 =	ssub.s32 @!p0 $0x0, s1;
	[sflag:s0] =	ssyncset.done @!p0 $0x0  }
0xc4: {  	[sflag:s0] =	ssyncadd.s32 @!p0 s1  }
0xc5: {  	[bflag:$0x3] =	sbarrier.arrive $0xFFFF  }
0xc6: {  	_ =	shalt  }

// kernel: kernel.15.cloned.1.call-start
scs
__scs_entry_jumppad:
0x0: {  	(pc) =	sbr.rel $0x88, $3  }
0x1: {  	(tag) =	ssettag $0x0;
	lr =	simm.s32 $0x1  }
0x2: {  	[smem:$0x3F93] =	sst lr;
	_ =	strace $0xD0000000  }
0x3: {  	_ = 	snop  }
0x4: {  	_ = 	snop  }
0x5: {  	_ = 	snop  }
0x6: {  	_ = 	snop  }
0x7: {  	_ = 	snop  }
__scs_overlays_trampoline_lowered:
0x8: {  	[smem:$0x3FA2] =	sst s0  }
0x9: {  	[smem:$0x3FA3] =	sst s1  }
0xa: {  	[smem:$0x3FA4] =	sst s2  }
0xb: {  	[smem:$0x3FA5] =	sst s3  }
0xc: {  	[smem:$0x3FA6] =	sst s4  }
0xd: {  	[smem:$0x3FA7] =	sst s5  }
0xe: {  	[smem:$0x3FA8] =	sst s6  }
0xf: {  	[smem:$0x3FA9] =	sst s7  }
0x10: {  	[smem:$0x3FAA] =	sst s8  }
0x11: {  	[smem:$0x3FAB] =	sst s9;
	s0 =	simm.s32 @!p0 $0x0  }
0x12: {  	s1 =	sld [smem:$0x3F91];
	s0 =	simm.s32 @p0 $0x1  }
0x13: {  	[smem:$0x3FAC] =	sst s0;
	s0 =	simm.s32 @!p1 $0x0  }
0x14: {  	s2 =	sld [smem:$0x3F90];
	s0 =	simm.s32 @p1 $0x1  }
0x15: {  	[smem:$0x3FAD] =	sst s0;
	s0 =	simm.s32 @!p2 $0x0  }
0x16: {  	s3 =	sld [smem:$0x3FDB];
	s0 =	simm.s32 @p2 $0x1  }
0x17: {  	s4 =	simm.s32 $0x1BF5;
	[smem:$0x3FAF] =	sst s0  }
0x18: {  	s0 =	sld [smem:$0x3F92];
	_ =	swait.ge [sflag:s4], $0x0  }
0x19: {  	s7 =	sld [smem:$0x3F93]  }
0x1a: {  	s8 =	sadd.s32 $0xFFFFE003, lr  }
0x1b: {  	s9 =	sadd.s32 $0xFFFFFEF7, lr;
	s5 =	simm.s32 $0xFFFFFFFF;
	p2 =	slt.u32 s8, $0xFFFFF086  }
0x1c: {  	p1 =	slt.u32 s9, $0xF7A;
	s5 =	simm.s32 @!p2 $0x0  }
0x1d: {  	s5 =	simm.s32 @p1 $0x1;
	p0 =	seq.s32 s7, s2  }
0x1e: {  	s7 =	smul.u32 @!p0 $0xF7A, s2;
	p2 =	seq.s32 @!p0 s5, $0x0  }
0x1f: {  	s9 =	smul.u32 $0xF7A, s1;
	s8 =	simm.s32 @!p0 $0x1BF5;
	p2 =	por !p2, p0  }
0x20: {  	[sflag:s8] =	ssyncset.s32 @!p0 $0xFFFFF086;
	s6 =	sadd.s32 @!p0 s3, s7;
	s7 =	simm.s32 @!p0 $0x108  }
0x21: {  	s3 =	sadd.s32 s3, s9;
	s6 =	sadd.s32 @!p0 $0x88, s6;
	s7 =	simm.s32 @p2 $0x1082  }
0x22: {  	[simem:s7], [sflag:s8] =	dma.local @!p0 [hbm:s6], $0xF7A  }
0x23: {  	s9 =	sor.u32 $0xD0000000, s2;
	s6 =	simm.s32 $0x108;
	_ =	swait.ge @!p0 [sflag:s8], $0x0  }
0x24: {  	s3 =	sadd.s32 $0x88, s3;
	s6 =	simm.s32 @!p1 $0x1082;
	[sflag:s4] =	ssyncset.s32 $0xFFFFF086  }
0x25: {  	[simem:s6], [sflag:s4] =	dma.local [hbm:s3], $0xF7A  }
0x26: {  	[smem:$0x3F93] =	sst s1;
	(tag) =	ssettag s2;
	_ =	strace s9  }
0x27: {  	s1 =	sld [smem:$0x3FA3]  }
0x28: {  	s2 =	sld [smem:$0x3FA4]  }
0x29: {  	s4 =	sld [smem:$0x3FA6]  }
0x2a: {  	p0 =	seq.s32 s5, $0x0;
	s5 =	sld [smem:$0x3FA7]  }
0x2b: {  	s6 =	sld [smem:$0x3FA8]  }
0x2c: {  	s7 =	sld [smem:$0x3FA9]  }
0x2d: {  	s3 =	simm.s32 $0x108;
	s8 =	sld [smem:$0x3FAA]  }
0x2e: {  	s3 =	simm.s32 @!p0 $0x1082;
	s9 =	sld [smem:$0x3FAB]  }
0x2f: {  	lr =	sadd.s32 s0, s3;
	s0 =	sld [smem:$0x3FA2]  }
0x30: {  	s3 =	sld [smem:$0x3FA5]  }
0x31: {  	[smem:$0x3FAE] =	sst s10  }
0x32: {  	s10 =	sld [smem:$0x3FAC];
	_ =	sdelay $0x3  }
0x33: {  	p0 =	seq.s32 s10, $0x1;
	s10 =	sld [smem:$0x3FAE];
	_ =	sdelay $0x3  }
0x34: {  	[smem:$0x3FAE] =	sst s10  }
0x35: {  	s10 =	sld [smem:$0x3FAD];
	_ =	sdelay $0x3  }
0x36: {  	p1 =	seq.s32 s10, $0x1;
	s10 =	sld [smem:$0x3FAE];
	_ =	sdelay $0x3  }
0x37: {  	[smem:$0x3FAE] =	sst s10  }
0x38: {  	s10 =	sld [smem:$0x3FAF]  }
0x39: {  	_ = 	snop;
	(pc) =	sbr.ind lr, $3  }
0x3a: {  	_ = 	snop  }
0x3b: {  	_ = 	snop  }
0x3c: {  	p2 =	seq.s32 s10, $0x1;
	s10 =	sld [smem:$0x3FAE]  }
0x3d: {  	_ =	shalt  }
0x3e: {  	_ =	shalt  }
0x3f: {  	_ =	shalt  }
0x40: {  	_ =	shalt  }
0x41: {  	_ =	shalt  }
0x42: {  	_ =	shalt  }
0x43: {  	_ =	shalt  }
0x44: {  	_ =	shalt  }
0x45: {  	_ =	shalt  }
0x46: {  	_ =	shalt  }
0x47: {  	_ =	shalt  }
0x48: {  	_ =	shalt  }
0x49: {  	_ =	shalt  }
0x4a: {  	_ =	shalt  }
0x4b: {  	_ =	shalt  }
0x4c: {  	_ =	shalt  }
0x4d: {  	_ =	shalt  }
0x4e: {  	_ =	shalt  }
0x4f: {  	_ =	shalt  }
0x50: {  	_ =	shalt  }
0x51: {  	_ =	shalt  }
0x52: {  	_ =	shalt  }
0x53: {  	_ =	shalt  }
0x54: {  	_ =	shalt  }
0x55: {  	_ =	shalt  }
0x56: {  	_ =	shalt  }
0x57: {  	_ =	shalt  }
0x58: {  	_ =	shalt  }
0x59: {  	_ =	shalt  }
0x5a: {  	_ =	shalt  }
0x5b: {  	_ =	shalt  }
0x5c: {  	_ =	shalt  }
0x5d: {  	_ =	shalt  }
0x5e: {  	_ =	shalt  }
0x5f: {  	_ =	shalt  }
0x60: {  	_ =	shalt  }
0x61: {  	_ =	shalt  }
0x62: {  	_ =	shalt  }
0x63: {  	_ =	shalt  }
0x64: {  	_ =	shalt  }
0x65: {  	_ =	shalt  }
0x66: {  	_ =	shalt  }
0x67: {  	_ =	shalt  }
0x68: {  	_ =	shalt  }
0x69: {  	_ =	shalt  }
0x6a: {  	_ =	shalt  }
0x6b: {  	_ =	shalt  }
0x6c: {  	_ =	shalt  }
0x6d: {  	_ =	shalt  }
0x6e: {  	_ =	shalt  }
0x6f: {  	_ =	shalt  }
0x70: {  	_ =	shalt  }
0x71: {  	_ =	shalt  }
0x72: {  	_ =	shalt  }
0x73: {  	_ =	shalt  }
0x74: {  	_ =	shalt  }
0x75: {  	_ =	shalt  }
0x76: {  	_ =	shalt  }
0x77: {  	_ =	shalt  }
0x78: {  	_ =	shalt  }
0x79: {  	_ =	shalt  }
0x7a: {  	_ =	shalt  }
0x7b: {  	_ =	shalt  }
0x7c: {  	_ =	shalt  }
0x7d: {  	_ =	shalt  }
0x7e: {  	_ =	shalt  }
0x7f: {  	_ =	shalt  }
0x80: {  	_ =	shalt  }
0x81: {  	_ =	shalt  }
0x82: {  	_ =	shalt  }
0x83: {  	_ =	shalt  }
0x84: {  	_ =	shalt  }
0x85: {  	_ =	shalt  }
0x86: {  	_ =	shalt  }
0x87: {  	_ =	shalt  }
.Lfunc_end0:
.L_simem_size_0:
called_computation.1_lowered:
.L_overlay_start_0:
0x88: {  	s2 =	sld [smem:$0x3FD9]  }
0x89: {  	s3 =	sld [smem:$0x3FFE];
	_ =	sdelay $0x1  }
0x8a: {  	s1 =	srdreg.scid  }
0x8b: {  	s0 =	sand.u32 $0x1, s1  }
0x8c: {  	s16 =	sshll.u32 s0, $0xA;
	s2 =	sadd.s32 s3, s2  }
0x8d: {  	s2 =	sadd.s32 s2, s16  }
0x8e: {  	[smem:$0x3FBA] =	sst s2  }
0x8f: {  	_ = 	snop  }
0x90: {  	(tm) =	ssettm $0x1  }
0x91: {  	s17 =	sld [smem:$0x3FFB];
	_ =	sdelay $0x3  }
0x92: {  	_ =	strace s17  }
0x93: {  	s2 =	sld [smem:$0x3FFC];
	_ =	sdelay $0x3  }
0x94: {  	_ =	strace s2  }
0x95: {  	s2 =	sld [smem:$0x3FFD];
	_ =	sdelay $0x3  }
0x96: {  	_ =	strace s2  }
0x97: {  	_ =	strace $0x8FFFFFFF  }
0x98: {  	s18 =	sld [smem:$0x3FDB];
	_ =	sdelay $0x1  }
0x99: {  	s19 =	simm.s32 $_scs_section_size  }
0x9a: {  	s4 =	simm.s32 $_size__tile_overlayer_lowered;
	s5 =	simm.s32 $_tile_overlayer_lowered  }
0x9b: {  	s22 =	simm.s32 $0x1BFF;
	s21 =	sshll.u32 s5, $0x1;
	s2 =	sadd.s32 s19, s18  }
0x9c: {  	s6 =	simm.s32 $0x0;
	s20 =	sshll.u32 s4, $0x1;
	s4 =	sadd.s32 s21, s2  }
0x9d: {  	[timem:s6], [sflag:s22] =	dma.local [hbm:s4], s20  }
0x9e: {  	_ =	swait.ge [sflag:s22], s20  }
0x9f: {  	s3 =	ssub.s32 $0x0, s20;
	[sflag:s22] =	ssyncset.done $0x0  }
0xa0: {  	[sflag:s22] =	ssyncadd.s32 s3;
	_ =	sdelay $0x1  }
0xa1: {  	s23 =	simm.s32 $0x1B8B  }
0xa2: {  	_ =	swait.ge [sflag:s23], $0x1  }
0xa3: {  	[sflag:s23] =	ssyncset.done $0x0  }
0xa4: {  	s25 =	simm.s32 $0x1B8E;
	s24 =	sld [smem:$0x3FFE];
	[sflag:s23] =	ssyncadd.s32 $0xFFFFFFFF  }
0xa5: {  	s26 =	simm.s32 $execute0_lowered;
	[smem:$0x3FD2] =	sst s25  }
0xa6: {  	s4 =	sshll.u32 s26, $0x1;
	_ =	strace $0x80000049;
	[dreg:$0x1] =	wrdreg $0xFFFFFFFF  }
0xa7: {  	s28 =	simm.s32 $_size_execute0_lowered;
	s2 =	sadd.s32 s2, s4;
	[dreg:$0x0] =	wrdreg $0x0  }
0xa8: {  	s4 =	sshll.u32 s28, $0x1;
	[dreg:$0x2] =	wrdreg s2  }
0xa9: {  	[dreg:$0x3] =	wrdreg s4  }
0xaa: {  	[dreg:$0x4] =	wrdreg $0xC0  }
0xab: {  	_ =	task [dreg:s6], $0x5FFFF  }
0xac: {  	[dreg:$0x1] =	wrdreg $0xFFFFFFFF  }
0xad: {  	[dreg:$0x0] =	wrdreg $0x60  }
0xae: {  	[dreg:$0x2] =	wrdreg s24  }
0xaf: {  	[dreg:$0x3] =	wrdreg $0x0  }
0xb0: {  	[dreg:$0x4] =	wrdreg $0x9  }
0xb1: {  	_ =	task.clear_ibuf [dreg:s6], $0x5FFFF;
	_ =	strace $0x90000049  }
0xb2: {  	s29 =	simm.s32 $0x9;
	_ =	strace $0x8000004B  }
0xb3: {  	_ =	swait.ge [sflag:s29], $0x1  }
0xb4: {  	[sflag:s29] =	ssyncadd.s32 $0xFFFFFFFF  }
0xb5: {  	_ =	strace $0x9000004B  }
0xb6: {  	_ =	sfence  }
0xb7: {  	s30 =	sld [smem:$0x0];
	_ =	sdelay $0x2  }
0xb8: {  	s31 =	sshll.u32 s1, $0xD;
	s1 =	sshrl.u32 s1, $0x2  }
0xb9: {  	s3 =	sand.u32 $0x4000, s31;
	s1 =	sadd.s32 s1, s30  }
0xba: {  	s0 =	sor.u32 s3, s0;
	s1 =	sshll.u32 s1, $0x11  }
0xbb: {  	s0 =	sor.u32 s1, s0  }
0xbc: {  	s0 =	sadd.s32 $0x8F2B, s0  }
0xbd: {  	[sflag:s0] =	ssyncadd.remote.s32 $0x1  }
0xbe: {  	_ =	sfence.sel $0xFFFF  }
0xbf: {  	[dreg:$0x0] =	wrdreg $0xFFFFFFFF;
	(pc) =	sbr.abs _section_cstart, $3  }
0xc0: {  	[dreg:$0x1] =	wrdreg $0xFFFFFFFF  }
0xc1: {  	_ =	task.clear_ibuf [dreg:s6], $0x2FFFF;
	_ =	strace $0x9FFFFFFF  }
0xc2: {  	(tm) =	ssettm $0x7FFFFFFF  }
0xc3: {  	_ =	shalt  }
tec
execute0_lowered:
.L_overlay_start_1:
0x0: {  	(tag) =	ssettag $0x1  }
0x1: {  	s0 =	rddreg [dreg:$0x0]  }
0x2: {  	s1 =	rddreg [dreg:$0x1];
	s2 =	simm.s32 $0x0;
	s4 =	srdreg.scid  }
0x3: {  	s13 =	stileid.u32;
	s16 =	simm.s32 $0x13900;
	s17 =	simm.s32 $0x14D00  }
0x4: {  	s18 =	simm.s32 $0x40;
	s19 =	simm.s32 $0x16100;
	s28 =	simm.s32 $0x80  }
0x5: {  	s29 =	simm.s32 $0x2;
	s30 =	simm.s32 $0x16000;
	s31 =	simm.s32 $0x16080  }
0x6: {  	[smem:$0x7FF] =	sst s2;
	s3 =	sadd.s32 $0x6600, s0;
	s20 =	sadd.s32 $0x2D800, s0  }
0x7: {  	s6 =	sadd.s32 $0x37800, s0;
	s5 =	sand.u32 $0x1, s4;
	s8 =	smul.u32 $0x4E000, s13  }
0x8: {  	s4 =	sadd.s32 $0x41800, s0;
	s0 =	sadd.s32 $0x44000, s0;
	s21 =	smul.u32 $0x13800, s13  }
0x9: {  	s23 =	sshll.u32 s13, $0x6;
	s15 =	sadd.s32 $0x138000, s1;
	p0 =	sne.s32 s13, $0x0  }
0xa: {  	_ =	strace $0x8000004A;
	s7 =	ssub.s32 $0x2, s5;
	s10 =	smul.u32 $0x138800, s5  }
0xb: {  	s5 =	sshll.u32 s5, $0x4;
	s15 =	sshrl.u32 @!p0 s15, $0x3;
	s9 =	sshrl.u32 s7, $0x1  }
0xc: {  	s11 =	sor.u32 s13, s5;
	s22 =	sshrl.u32 s8, $0x2;
	s5 =	sor.u32 $0x1C03, s23  }
0xd: {  	s23 =	simm.s32 $0x1A100;
	s9 =	ssub.s32 s7, s9;
	s14 =	sadd.s32 s22, s1  }
0xe: {  	s7 =	sadd.s32 s21, s10;
	s24 =	sshrl.u32 s10, $0x3;
	s25 =	smul.u32 $0x500, s11  }
0xf: {  	s21 =	simm.s32 $0x18100;
	s22 =	simm.s32 $0x13980;
	s7 =	sshrl.u32 s7, $0x3  }
0x10: {  	s8 =	smax.u32 s9, $0x1;
	s13 =	sshrl.u32 s14, $0x3;
	s14 =	simm.s32 $0x3  }
0x11: {  	s7 =	sadd.s32 s0, s7;
	s0 =	sadd.s32 s0, s24;
	s26 =	sadd.s32 $0x280, s25  }
0x12: {  	s9 =	sadd.s32 s20, s25;
	s10 =	sadd.s32 s6, s25;
	s24 =	simm.s32 $0x139C0  }
0x13: {  	s25 =	simm.s32 $0x1C100;
	[dreg:$0x3] =	wrdreg s7;
	s0 =	sadd.s32 $0x27000, s0  }
0x14: {  	s11 =	sadd.s32 s20, s26;
	s12 =	sadd.s32 s6, s26;
	s20 =	simm.s32 $0x13940  }
0x15: {  	s26 =	simm.s32 $0x1;
	[dreg:$0x4] =	wrdreg s0;
	s0 =	simm.s32 $0x0  }
.LBB2_1:
0x16: {  	[spmem:s13], [sflag:s5] =	dma.local [hbm:s4], $0x2700  }
0x17: {  	_ =	swait.ge [sflag:s14], $0x2700  }
0x18: {  	[sflag:s14] =	ssyncset.done $0x0  }
0x19: {  	s2 =	simm.s32 @!p0 $0x3;
	[sflag:s14] =	ssyncadd.s32 $0xFFFFD900  }
0x1a: {  	[spmem:s15], [sflag:s5] =	dma.local @!p0 [hbm:s4], $0x200  }
0x1b: {  	_ =	swait.ge @!p0 [sflag:s2], $0x200  }
0x1c: {  	[sflag:s2] =	ssyncset.done @!p0 $0x0  }
0x1d: {  	[sflag:s2] =	ssyncadd.s32 @!p0 $0xFFFFFE00  }
0x1e: {  	s6 =	simm.s32 $0x0;
	[bflag:$0x0] =	sbarrier.arrive $0xFFFF  }
0x1f: {  	[tilespmem:s16], [sflag:$0x3] =	stream.linear.gather [hbm4b:s9+s6], $0x1400, $0x38;
	[tilespmem:$0x1E100] =	vst v63  }
0x20: {  	_ =	swait.ge [sflag:s14], $0x1400  }
0x21: {  	[sflag:s14] =	ssyncset.done $0x0  }
0x22: {  	[sflag:s14] =	ssyncadd.s32 $0xFFFFEC00  }
0x23: {  	[tilespmem:s17], [sflag:$0x3] =	stream.linear.gather [hbm4b:s10+s6], $0x1400, $0x38;
	[tilespmem:$0x1E100] =	vst v63  }
0x24: {  	_ =	swait.ge [sflag:s14], $0x1400  }
0x25: {  	[sflag:s14] =	ssyncset.done $0x0  }
0x26: {  	[sflag:s14] =	ssyncadd.s32 $0xFFFFEC00  }
0x27: {  	[tilespmem:s19], [sflag:$0x1] =	stream.indirect.gather [hbm4b:s3+s18], $0x80, s16, s18, $0xb8;
	[tilespmem:$0x1E100] =	vst v63  }
0x28: {  	_ = 	snop  }
0x29: {  	[tilespmem:s21], [sflag:$0x1] =	stream.indirect.gather [hbm4b:s3+s18], $0x80, s20, s18, $0xb8;
	[tilespmem:$0x1E100] =	vst v63  }
0x2a: {  	_ = 	snop  }
0x2b: {  	[tilespmem:s23], [sflag:$0x2] =	stream.indirect.gather [hbm4b:s3+s18], $0x80, s22, s18, $0xb8;
	[tilespmem:$0x1E100] =	vst v63  }
0x2c: {  	_ = 	snop  }
0x2d: {  	[tilespmem:s25], [sflag:$0x2] =	stream.indirect.gather [hbm4b:s3+s18], $0x80, s24, s18, $0xb8;
	[tilespmem:$0x1E100] =	vst v63  }
0x2e: {  	_ =	swait.ge [sflag:s26], $0x4000  }
0x2f: {  	[sflag:s26] =	ssyncset.done $0x0  }
0x30: {  	s7 =	simm.s32 $0x14D00;
	[sflag:s26] =	ssyncadd.s32 $0xFFFFC000  }
0x31: {  	[spmem:s1] =	stream.indirect.scatter.add.f32 [tilespmem:s19], [sflag:$0x3], $0x80, s7, s28, $0xb8;
	[tilespmem:$0x1E100] =	vst v63  }
0x32: {  	_ =	swait.ge [sflag:s14], $0x4000  }
0x33: {  	[sflag:s14] =	ssyncset.done $0x0  }
0x34: {  	s6 =	simm.s32 $0x13A00;
	[sflag:s14] =	ssyncadd.s32 $0xFFFFC000  }
0x35: {  	[tilespmem:s19], [sflag:$0x1] =	stream.indirect.gather [hbm4b:s3+s18], $0x80, s6, s18, $0xb8;
	[tilespmem:$0x1E100] =	vst v63  }
0x36: {  	s7 =	simm.s32 $0x13A40  }
0x37: {  	[tilespmem:s21], [sflag:$0x1] =	stream.indirect.gather [hbm4b:s3+s18], $0x80, s7, s18, $0xb8;
	[tilespmem:$0x1E100] =	vst v63  }
0x38: {  	_ =	swait.ge [sflag:s29], $0x4000  }
0x39: {  	[sflag:s29] =	ssyncset.done $0x0  }
0x3a: {  	s6 =	simm.s32 $0x14D80;
	[sflag:s29] =	ssyncadd.s32 $0xFFFFC000  }
0x3b: {  	[spmem:s1] =	stream.indirect.scatter.add.f32 [tilespmem:s23], [sflag:$0x3], $0x80, s6, s28, $0xb8;
	[tilespmem:$0x1E100] =	vst v63  }
0x3c: {  	_ =	swait.ge [sflag:s14], $0x4000  }
0x3d: {  	s2 =	simm.s32 $0x400;
	[sflag:s14] =	ssyncset.done $0x0  }
0x3e: {  	s7 =	simm.s32 $0x13A80;
	s6 =	simm.s32 $0x13AC0;
	[sflag:s14] =	ssyncadd.s32 $0xFFFFC000  }
0x3f: {  	[tilespmem:s23], [sflag:$0x2] =	stream.indirect.gather [hbm4b:s3+s18], $0x80, s7, s18, $0xb8;
	[tilespmem:$0x1E100] =	vst v63  }
.LBB2_2:
0x40: {  	[tilespmem:s25], [sflag:$0x2] =	stream.indirect.gather [hbm4b:s3+s18], $0x80, s6, s18, $0xb8;
	[tilespmem:$0x1E100] =	vst v63  }
0x41: {  	s6 =	smov.u32 s2  }
0x42: {  	p1 =	sne.s32 s2, $0x4800;
	s2 =	sadd.s32 $0x400, s2;
	_ =	swait.ge [sflag:s26], $0x4000  }
0x43: {  	s6 =	sshra.s32 s6, $0x2;
	[sflag:s26] =	ssyncset.done $0x0  }
0x44: {  	s7 =	sadd.s32 $0x14D00, s6;
	[sflag:s26] =	ssyncadd.s32 $0xFFFFC000  }
0x45: {  	[spmem:s1] =	stream.indirect.scatter.add.f32 [tilespmem:s19], [sflag:$0x3], $0x80, s7, s28, $0xb8;
	[tilespmem:$0x1E100] =	vst v63  }
0x46: {  	_ =	swait.ge [sflag:s14], $0x4000  }
0x47: {  	[sflag:s14] =	ssyncset.done $0x0  }
0x48: {  	s7 =	sadd.s32 $0x13A00, s6;
	[sflag:s14] =	ssyncadd.s32 $0xFFFFC000  }
0x49: {  	[tilespmem:s19], [sflag:$0x1] =	stream.indirect.gather [hbm4b:s3+s18], $0x80, s7, s18, $0xb8;
	[tilespmem:$0x1E100] =	vst v63  }
0x4a: {  	s7 =	sadd.s32 $0x13A40, s6  }
0x4b: {  	[tilespmem:s21], [sflag:$0x1] =	stream.indirect.gather [hbm4b:s3+s18], $0x80, s7, s18, $0xb8;
	[tilespmem:$0x1E100] =	vst v63  }
0x4c: {  	_ =	swait.ge [sflag:s29], $0x4000  }
0x4d: {  	[sflag:s29] =	ssyncset.done $0x0  }
0x4e: {  	s7 =	sadd.s32 $0x14D80, s6;
	[sflag:s29] =	ssyncadd.s32 $0xFFFFC000  }
0x4f: {  	[spmem:s1] =	stream.indirect.scatter.add.f32 [tilespmem:s23], [sflag:$0x3], $0x80, s7, s28, $0xb8;
	[tilespmem:$0x1E100] =	vst v63  }
.Ltmp0:
0x50: {  	_ =	swait.ge [sflag:s14], $0x4000;
	(pc) =	sbr.rel @p1 .LBB2_2-.Ltmp0, $4  }
0x51: {  	[sflag:s14] =	ssyncset.done $0x0  }
0x52: {  	s7 =	sadd.s32 $0x13A80, s6;
	[sflag:s14] =	ssyncadd.s32 $0xFFFFC000  }
0x53: {  	[tilespmem:s23], [sflag:$0x2] =	stream.indirect.gather [hbm4b:s3+s18], $0x80, s7, s18, $0xb8;
	[tilespmem:$0x1E100] =	vst v63  }
0x54: {  	s6 =	sadd.s32 $0x13AC0, s6  }
0x55: {  	[tilespmem:s25], [sflag:$0x2] =	stream.indirect.gather [hbm4b:s3+s18], $0x80, s6, s18, $0xb8;
	[tilespmem:$0x1E100] =	vst v63  }
0x56: {  	_ =	swait.ge [sflag:s26], $0x4000  }
0x57: {  	[sflag:s26] =	ssyncset.done $0x0  }
0x58: {  	[sflag:s26] =	ssyncadd.s32 $0xFFFFC000  }
0x59: {  	[spmem:s1] =	stream.indirect.scatter.add.f32 [tilespmem:s19], [sflag:$0x3], $0x80, s30, s28, $0xb8;
	[tilespmem:$0x1E100] =	vst v63  }
0x5a: {  	_ =	swait.ge [sflag:s14], $0x4000  }
0x5b: {  	[sflag:s14] =	ssyncset.done $0x0  }
0x5c: {  	[sflag:s14] =	ssyncadd.s32 $0xFFFFC000  }
0x5d: {  	_ =	swait.ge [sflag:s29], $0x4000  }
0x5e: {  	[sflag:s29] =	ssyncset.done $0x0  }
0x5f: {  	[sflag:s29] =	ssyncadd.s32 $0xFFFFC000  }
0x60: {  	[spmem:s1] =	stream.indirect.scatter.add.f32 [tilespmem:s23], [sflag:$0x3], $0x80, s31, s28, $0xb8;
	[tilespmem:$0x1E100] =	vst v63  }
0x61: {  	_ =	swait.ge [sflag:s14], $0x4000  }
0x62: {  	[sflag:s14] =	ssyncset.done $0x0  }
0x63: {  	s2 =	simm.s32 $0x0;
	[sflag:s14] =	ssyncadd.s32 $0xFFFFC000  }
0x64: {  	[tilespmem:s16], [sflag:$0x3] =	stream.linear.gather [hbm4b:s11+s2], $0x1400, $0x38;
	[tilespmem:$0x1E100] =	vst v63  }
0x65: {  	_ =	swait.ge [sflag:s14], $0x1400  }
0x66: {  	[sflag:s14] =	ssyncset.done $0x0  }
0x67: {  	[sflag:s14] =	ssyncadd.s32 $0xFFFFEC00  }
0x68: {  	[tilespmem:s17], [sflag:$0x3] =	stream.linear.gather [hbm4b:s12+s2], $0x1400, $0x38;
	[tilespmem:$0x1E100] =	vst v63  }
0x69: {  	_ =	swait.ge [sflag:s14], $0x1400  }
0x6a: {  	[sflag:s14] =	ssyncset.done $0x0  }
0x6b: {  	[sflag:s14] =	ssyncadd.s32 $0xFFFFEC00  }
0x6c: {  	[tilespmem:s19], [sflag:$0x1] =	stream.indirect.gather [hbm4b:s3+s18], $0x80, s16, s18, $0xb8;
	[tilespmem:$0x1E100] =	vst v63  }
0x6d: {  	_ = 	snop  }
0x6e: {  	[tilespmem:s21], [sflag:$0x1] =	stream.indirect.gather [hbm4b:s3+s18], $0x80, s20, s18, $0xb8;
	[tilespmem:$0x1E100] =	vst v63  }
0x6f: {  	_ = 	snop  }
0x70: {  	[tilespmem:s23], [sflag:$0x2] =	stream.indirect.gather [hbm4b:s3+s18], $0x80, s22, s18, $0xb8;
	[tilespmem:$0x1E100] =	vst v63  }
0x71: {  	_ = 	snop  }
0x72: {  	[tilespmem:s25], [sflag:$0x2] =	stream.indirect.gather [hbm4b:s3+s18], $0x80, s24, s18, $0xb8;
	[tilespmem:$0x1E100] =	vst v63  }
0x73: {  	_ =	swait.ge [sflag:s26], $0x4000  }
0x74: {  	[sflag:s26] =	ssyncset.done $0x0  }
0x75: {  	s7 =	simm.s32 $0x14D00;
	[sflag:s26] =	ssyncadd.s32 $0xFFFFC000  }
0x76: {  	[spmem:s1] =	stream.indirect.scatter.add.f32 [tilespmem:s19], [sflag:$0x3], $0x80, s7, s28, $0xb8;
	[tilespmem:$0x1E100] =	vst v63  }
0x77: {  	_ =	swait.ge [sflag:s14], $0x4000  }
0x78: {  	[sflag:s14] =	ssyncset.done $0x0  }
0x79: {  	s6 =	simm.s32 $0x13A00;
	[sflag:s14] =	ssyncadd.s32 $0xFFFFC000  }
0x7a: {  	[tilespmem:s19], [sflag:$0x1] =	stream.indirect.gather [hbm4b:s3+s18], $0x80, s6, s18, $0xb8;
	[tilespmem:$0x1E100] =	vst v63  }
0x7b: {  	s7 =	simm.s32 $0x13A40  }
0x7c: {  	[tilespmem:s21], [sflag:$0x1] =	stream.indirect.gather [hbm4b:s3+s18], $0x80, s7, s18, $0xb8;
	[tilespmem:$0x1E100] =	vst v63  }
0x7d: {  	_ =	swait.ge [sflag:s29], $0x4000  }
0x7e: {  	[sflag:s29] =	ssyncset.done $0x0  }
0x7f: {  	s6 =	simm.s32 $0x14D80;
	[sflag:s29] =	ssyncadd.s32 $0xFFFFC000  }
0x80: {  	[spmem:s1] =	stream.indirect.scatter.add.f32 [tilespmem:s23], [sflag:$0x3], $0x80, s6, s28, $0xb8;
	[tilespmem:$0x1E100] =	vst v63  }
0x81: {  	_ =	swait.ge [sflag:s14], $0x4000  }
0x82: {  	s2 =	simm.s32 $0x400;
	[sflag:s14] =	ssyncset.done $0x0  }
0x83: {  	s7 =	simm.s32 $0x13A80;
	s6 =	simm.s32 $0x13AC0;
	[sflag:s14] =	ssyncadd.s32 $0xFFFFC000  }
0x84: {  	[tilespmem:s23], [sflag:$0x2] =	stream.indirect.gather [hbm4b:s3+s18], $0x80, s7, s18, $0xb8;
	[tilespmem:$0x1E100] =	vst v63  }
.LBB2_4:
0x85: {  	[tilespmem:s25], [sflag:$0x2] =	stream.indirect.gather [hbm4b:s3+s18], $0x80, s6, s18, $0xb8;
	[tilespmem:$0x1E100] =	vst v63  }
0x86: {  	s6 =	smov.u32 s2  }
0x87: {  	p1 =	sne.s32 s2, $0x4800;
	s2 =	sadd.s32 $0x400, s2;
	_ =	swait.ge [sflag:s26], $0x4000  }
0x88: {  	s6 =	sshra.s32 s6, $0x2;
	[sflag:s26] =	ssyncset.done $0x0  }
0x89: {  	s7 =	sadd.s32 $0x14D00, s6;
	[sflag:s26] =	ssyncadd.s32 $0xFFFFC000  }
0x8a: {  	[spmem:s1] =	stream.indirect.scatter.add.f32 [tilespmem:s19], [sflag:$0x3], $0x80, s7, s28, $0xb8;
	[tilespmem:$0x1E100] =	vst v63  }
0x8b: {  	_ =	swait.ge [sflag:s14], $0x4000  }
0x8c: {  	[sflag:s14] =	ssyncset.done $0x0  }
0x8d: {  	s7 =	sadd.s32 $0x13A00, s6;
	[sflag:s14] =	ssyncadd.s32 $0xFFFFC000  }
0x8e: {  	[tilespmem:s19], [sflag:$0x1] =	stream.indirect.gather [hbm4b:s3+s18], $0x80, s7, s18, $0xb8;
	[tilespmem:$0x1E100] =	vst v63  }
0x8f: {  	s7 =	sadd.s32 $0x13A40, s6  }
0x90: {  	[tilespmem:s21], [sflag:$0x1] =	stream.indirect.gather [hbm4b:s3+s18], $0x80, s7, s18, $0xb8;
	[tilespmem:$0x1E100] =	vst v63  }
0x91: {  	_ =	swait.ge [sflag:s29], $0x4000  }
0x92: {  	[sflag:s29] =	ssyncset.done $0x0  }
0x93: {  	s7 =	sadd.s32 $0x14D80, s6;
	[sflag:s29] =	ssyncadd.s32 $0xFFFFC000  }
0x94: {  	[spmem:s1] =	stream.indirect.scatter.add.f32 [tilespmem:s23], [sflag:$0x3], $0x80, s7, s28, $0xb8;
	[tilespmem:$0x1E100] =	vst v63  }
.Ltmp1:
0x95: {  	_ =	swait.ge [sflag:s14], $0x4000;
	(pc) =	sbr.rel @p1 .LBB2_4-.Ltmp1, $4  }
0x96: {  	[sflag:s14] =	ssyncset.done $0x0  }
0x97: {  	s7 =	sadd.s32 $0x13A80, s6;
	[sflag:s14] =	ssyncadd.s32 $0xFFFFC000  }
0x98: {  	[tilespmem:s23], [sflag:$0x2] =	stream.indirect.gather [hbm4b:s3+s18], $0x80, s7, s18, $0xb8;
	[tilespmem:$0x1E100] =	vst v63  }
0x99: {  	s6 =	sadd.s32 $0x13AC0, s6  }
0x9a: {  	[tilespmem:s25], [sflag:$0x2] =	stream.indirect.gather [hbm4b:s3+s18], $0x80, s6, s18, $0xb8;
	[tilespmem:$0x1E100] =	vst v63  }
0x9b: {  	_ =	swait.ge [sflag:s26], $0x4000  }
0x9c: {  	[sflag:s26] =	ssyncset.done $0x0  }
0x9d: {  	[sflag:s26] =	ssyncadd.s32 $0xFFFFC000  }
0x9e: {  	[spmem:s1] =	stream.indirect.scatter.add.f32 [tilespmem:s19], [sflag:$0x3], $0x80, s30, s28, $0xb8;
	[tilespmem:$0x1E100] =	vst v63  }
0x9f: {  	_ =	swait.ge [sflag:s14], $0x4000  }
0xa0: {  	[sflag:s14] =	ssyncset.done $0x0  }
0xa1: {  	[sflag:s14] =	ssyncadd.s32 $0xFFFFC000  }
0xa2: {  	_ =	swait.ge [sflag:s29], $0x4000  }
0xa3: {  	[sflag:s29] =	ssyncset.done $0x0  }
0xa4: {  	[sflag:s29] =	ssyncadd.s32 $0xFFFFC000  }
0xa5: {  	[spmem:s1] =	stream.indirect.scatter.add.f32 [tilespmem:s23], [sflag:$0x3], $0x80, s31, s28, $0xb8;
	[tilespmem:$0x1E100] =	vst v63  }
0xa6: {  	_ =	swait.ge [sflag:s14], $0x4000  }
0xa7: {  	[sflag:s14] =	ssyncset.done $0x0  }
0xa8: {  	[sflag:s14] =	ssyncadd.s32 $0xFFFFC000  }
0xa9: {  	[bflag:$0x0] =	sbarrier.arrive $0xFFFF  }
0xaa: {  	s2 =	rddreg [dreg:$0x3]  }
0xab: {  	[hbm:s2], [sflag:s5] =	dma.local [spmem:s13], $0x2700  }
0xac: {  	_ =	swait.ge [sflag:s14], $0x2700  }
0xad: {  	s0 =	sadd.s32 $0x1, s0;
	[sflag:s14] =	ssyncset.done $0x0  }
0xae: {  	p1 =	sne.s32 s0, s8;
	s2 =	rddreg [dreg:$0x4];
	[sflag:s14] =	ssyncadd.s32 $0xFFFFD900  }
0xaf: {  	[hbm:s2], [sflag:s5] =	dma.local @!p0 [spmem:s15], $0x100  }
.Ltmp2:
0xb0: {  	_ = 	snop;
	(pc) =	sbr.rel @p1 .LBB2_1-.Ltmp2, $4  }
0xb1: {  	s2 =	simm.s32 @!p0 $0x3  }
0xb2: {  	_ =	swait.ge @!p0 [sflag:s2], $0x100  }
0xb3: {  	[sflag:s2] =	ssyncset.done @!p0 $0x0  }
0xb4: {  	[sflag:s2] =	ssyncadd.s32 @!p0 $0xFFFFFF00  }
0xb5: {  	_ =	sfence.sel $0x180000  }
0xb6: {  	[bflag:$0x0] =	sbarrier.arrive $0xFFFF  }
0xb7: {  	_ =	strace $0x9000004A  }
0xb8: {  	[bflag:$0x2] =	sbarrier.arrive $0xFFFF  }
0xb9: {  	s0 =	rddreg [dreg:$0x2]  }
0xba: {  	s0 =	sadd.s32 @!p0 $0x100000, s0  }
0xbb: {  	[sflag:s0] =	ssyncadd.tile.s32 @!p0 $0x1;
	_ =	shalt  }
.Lfunc_end2:
_tile_overlayer_lowered:
.L_overlay_start_2:
0xbc: {  	(tag) =	ssettag $0x2  }
0xbd: {  	s0 =	rddreg [dreg:$0x0];
	s2 =	stileid.u32  }
0xbe: {  	s1 =	rddreg [dreg:$0x1];
	p0 =	sne.s32 s2, $0x0  }
0xbf: {  	s3 =	rddreg [dreg:$0x2];
	[bflag:$0x3] =	sbarrier.arrive $0xFFFF;
	s2 =	simm.s32 @!p0 $0x1C03  }
0xc0: {  	[timem:s3], [sflag:s2] =	dma.local @!p0 [hbm:s0], s1  }
0xc1: {  	s0 =	simm.s32 @!p0 $0x3  }
0xc2: {  	_ =	swait.ge @!p0 [sflag:s0], s1  }
0xc3: {  	s1 =	ssub.s32 @!p0 $0x0, s1;
	[sflag:s0] =	ssyncset.done @!p0 $0x0  }
0xc4: {  	[sflag:s0] =	ssyncadd.s32 @!p0 s1  }
0xc5: {  	[bflag:$0x3] =	sbarrier.arrive $0xFFFF  }
0xc6: {  	_ =	shalt  }

// kernel: kernel.18.cloned.1.call-start
scs
__scs_entry_jumppad:
0x0: {  	(pc) =	sbr.rel $0x88, $3  }
0x1: {  	(tag) =	ssettag $0x0;
	lr =	simm.s32 $0x1  }
0x2: {  	[smem:$0x3F93] =	sst lr;
	_ =	strace $0xD0000000  }
0x3: {  	_ = 	snop  }
0x4: {  	_ = 	snop  }
0x5: {  	_ = 	snop  }
0x6: {  	_ = 	snop  }
0x7: {  	_ = 	snop  }
__scs_overlays_trampoline_lowered:
0x8: {  	[smem:$0x3FA2] =	sst s0  }
0x9: {  	[smem:$0x3FA3] =	sst s1  }
0xa: {  	[smem:$0x3FA4] =	sst s2  }
0xb: {  	[smem:$0x3FA5] =	sst s3  }
0xc: {  	[smem:$0x3FA6] =	sst s4  }
0xd: {  	[smem:$0x3FA7] =	sst s5  }
0xe: {  	[smem:$0x3FA8] =	sst s6  }
0xf: {  	[smem:$0x3FA9] =	sst s7  }
0x10: {  	[smem:$0x3FAA] =	sst s8  }
0x11: {  	[smem:$0x3FAB] =	sst s9;
	s0 =	simm.s32 @!p0 $0x0  }
0x12: {  	s1 =	sld [smem:$0x3F91];
	s0 =	simm.s32 @p0 $0x1  }
0x13: {  	[smem:$0x3FAC] =	sst s0;
	s0 =	simm.s32 @!p1 $0x0  }
0x14: {  	s2 =	sld [smem:$0x3F90];
	s0 =	simm.s32 @p1 $0x1  }
0x15: {  	[smem:$0x3FAD] =	sst s0;
	s0 =	simm.s32 @!p2 $0x0  }
0x16: {  	s3 =	sld [smem:$0x3FDB];
	s0 =	simm.s32 @p2 $0x1  }
0x17: {  	s4 =	simm.s32 $0x1BF5;
	[smem:$0x3FAF] =	sst s0  }
0x18: {  	s0 =	sld [smem:$0x3F92];
	_ =	swait.ge [sflag:s4], $0x0  }
0x19: {  	s7 =	sld [smem:$0x3F93]  }
0x1a: {  	s8 =	sadd.s32 $0xFFFFE003, lr  }
0x1b: {  	s9 =	sadd.s32 $0xFFFFFEF7, lr;
	s5 =	simm.s32 $0xFFFFFFFF;
	p2 =	slt.u32 s8, $0xFFFFF086  }
0x1c: {  	p1 =	slt.u32 s9, $0xF7A;
	s5 =	simm.s32 @!p2 $0x0  }
0x1d: {  	s5 =	simm.s32 @p1 $0x1;
	p0 =	seq.s32 s7, s2  }
0x1e: {  	s7 =	smul.u32 @!p0 $0xF7A, s2;
	p2 =	seq.s32 @!p0 s5, $0x0  }
0x1f: {  	s9 =	smul.u32 $0xF7A, s1;
	s8 =	simm.s32 @!p0 $0x1BF5;
	p2 =	por !p2, p0  }
0x20: {  	[sflag:s8] =	ssyncset.s32 @!p0 $0xFFFFF086;
	s6 =	sadd.s32 @!p0 s3, s7;
	s7 =	simm.s32 @!p0 $0x108  }
0x21: {  	s3 =	sadd.s32 s3, s9;
	s6 =	sadd.s32 @!p0 $0x88, s6;
	s7 =	simm.s32 @p2 $0x1082  }
0x22: {  	[simem:s7], [sflag:s8] =	dma.local @!p0 [hbm:s6], $0xF7A  }
0x23: {  	s9 =	sor.u32 $0xD0000000, s2;
	s6 =	simm.s32 $0x108;
	_ =	swait.ge @!p0 [sflag:s8], $0x0  }
0x24: {  	s3 =	sadd.s32 $0x88, s3;
	s6 =	simm.s32 @!p1 $0x1082;
	[sflag:s4] =	ssyncset.s32 $0xFFFFF086  }
0x25: {  	[simem:s6], [sflag:s4] =	dma.local [hbm:s3], $0xF7A  }
0x26: {  	[smem:$0x3F93] =	sst s1;
	(tag) =	ssettag s2;
	_ =	strace s9  }
0x27: {  	s1 =	sld [smem:$0x3FA3]  }
0x28: {  	s2 =	sld [smem:$0x3FA4]  }
0x29: {  	s4 =	sld [smem:$0x3FA6]  }
0x2a: {  	p0 =	seq.s32 s5, $0x0;
	s5 =	sld [smem:$0x3FA7]  }
0x2b: {  	s6 =	sld [smem:$0x3FA8]  }
0x2c: {  	s7 =	sld [smem:$0x3FA9]  }
0x2d: {  	s3 =	simm.s32 $0x108;
	s8 =	sld [smem:$0x3FAA]  }
0x2e: {  	s3 =	simm.s32 @!p0 $0x1082;
	s9 =	sld [smem:$0x3FAB]  }
0x2f: {  	lr =	sadd.s32 s0, s3;
	s0 =	sld [smem:$0x3FA2]  }
0x30: {  	s3 =	sld [smem:$0x3FA5]  }
0x31: {  	[smem:$0x3FAE] =	sst s10  }
0x32: {  	s10 =	sld [smem:$0x3FAC];
	_ =	sdelay $0x3  }
0x33: {  	p0 =	seq.s32 s10, $0x1;
	s10 =	sld [smem:$0x3FAE];
	_ =	sdelay $0x3  }
0x34: {  	[smem:$0x3FAE] =	sst s10  }
0x35: {  	s10 =	sld [smem:$0x3FAD];
	_ =	sdelay $0x3  }
0x36: {  	p1 =	seq.s32 s10, $0x1;
	s10 =	sld [smem:$0x3FAE];
	_ =	sdelay $0x3  }
0x37: {  	[smem:$0x3FAE] =	sst s10  }
0x38: {  	s10 =	sld [smem:$0x3FAF]  }
0x39: {  	_ = 	snop;
	(pc) =	sbr.ind lr, $3  }
0x3a: {  	_ = 	snop  }
0x3b: {  	_ = 	snop  }
0x3c: {  	p2 =	seq.s32 s10, $0x1;
	s10 =	sld [smem:$0x3FAE]  }
0x3d: {  	_ =	shalt  }
0x3e: {  	_ =	shalt  }
0x3f: {  	_ =	shalt  }
0x40: {  	_ =	shalt  }
0x41: {  	_ =	shalt  }
0x42: {  	_ =	shalt  }
0x43: {  	_ =	shalt  }
0x44: {  	_ =	shalt  }
0x45: {  	_ =	shalt  }
0x46: {  	_ =	shalt  }
0x47: {  	_ =	shalt  }
0x48: {  	_ =	shalt  }
0x49: {  	_ =	shalt  }
0x4a: {  	_ =	shalt  }
0x4b: {  	_ =	shalt  }
0x4c: {  	_ =	shalt  }
0x4d: {  	_ =	shalt  }
0x4e: {  	_ =	shalt  }
0x4f: {  	_ =	shalt  }
0x50: {  	_ =	shalt  }
0x51: {  	_ =	shalt  }
0x52: {  	_ =	shalt  }
0x53: {  	_ =	shalt  }
0x54: {  	_ =	shalt  }
0x55: {  	_ =	shalt  }
0x56: {  	_ =	shalt  }
0x57: {  	_ =	shalt  }
0x58: {  	_ =	shalt  }
0x59: {  	_ =	shalt  }
0x5a: {  	_ =	shalt  }
0x5b: {  	_ =	shalt  }
0x5c: {  	_ =	shalt  }
0x5d: {  	_ =	shalt  }
0x5e: {  	_ =	shalt  }
0x5f: {  	_ =	shalt  }
0x60: {  	_ =	shalt  }
0x61: {  	_ =	shalt  }
0x62: {  	_ =	shalt  }
0x63: {  	_ =	shalt  }
0x64: {  	_ =	shalt  }
0x65: {  	_ =	shalt  }
0x66: {  	_ =	shalt  }
0x67: {  	_ =	shalt  }
0x68: {  	_ =	shalt  }
0x69: {  	_ =	shalt  }
0x6a: {  	_ =	shalt  }
0x6b: {  	_ =	shalt  }
0x6c: {  	_ =	shalt  }
0x6d: {  	_ =	shalt  }
0x6e: {  	_ =	shalt  }
0x6f: {  	_ =	shalt  }
0x70: {  	_ =	shalt  }
0x71: {  	_ =	shalt  }
0x72: {  	_ =	shalt  }
0x73: {  	_ =	shalt  }
0x74: {  	_ =	shalt  }
0x75: {  	_ =	shalt  }
0x76: {  	_ =	shalt  }
0x77: {  	_ =	shalt  }
0x78: {  	_ =	shalt  }
0x79: {  	_ =	shalt  }
0x7a: {  	_ =	shalt  }
0x7b: {  	_ =	shalt  }
0x7c: {  	_ =	shalt  }
0x7d: {  	_ =	shalt  }
0x7e: {  	_ =	shalt  }
0x7f: {  	_ =	shalt  }
0x80: {  	_ =	shalt  }
0x81: {  	_ =	shalt  }
0x82: {  	_ =	shalt  }
0x83: {  	_ =	shalt  }
0x84: {  	_ =	shalt  }
0x85: {  	_ =	shalt  }
0x86: {  	_ =	shalt  }
0x87: {  	_ =	shalt  }
.Lfunc_end0:
.L_simem_size_0:
called_computation.2_lowered:
.L_overlay_start_0:
0x88: {  	s2 =	sld [smem:$0x3FD9]  }
0x89: {  	s3 =	sld [smem:$0x3FFE];
	_ =	sdelay $0x1  }
0x8a: {  	s1 =	srdreg.scid  }
0x8b: {  	s0 =	sand.u32 $0x1, s1  }
0x8c: {  	s16 =	sshll.u32 s0, $0xA;
	s2 =	sadd.s32 s3, s2  }
0x8d: {  	s2 =	sadd.s32 s2, s16  }
0x8e: {  	[smem:$0x3FBA] =	sst s2  }
0x8f: {  	_ = 	snop  }
0x90: {  	(tm) =	ssettm $0x1  }
0x91: {  	s17 =	sld [smem:$0x3FFB];
	_ =	sdelay $0x3  }
0x92: {  	_ =	strace s17  }
0x93: {  	s2 =	sld [smem:$0x3FFC];
	_ =	sdelay $0x3  }
0x94: {  	_ =	strace s2  }
0x95: {  	s2 =	sld [smem:$0x3FFD];
	_ =	sdelay $0x3  }
0x96: {  	_ =	strace s2  }
0x97: {  	_ =	strace $0x8FFFFFFF  }
0x98: {  	s18 =	sld [smem:$0x3FDB];
	_ =	sdelay $0x1  }
0x99: {  	s19 =	simm.s32 $_scs_section_size  }
0x9a: {  	s4 =	simm.s32 $_size__tile_overlayer_lowered;
	s5 =	simm.s32 $_tile_overlayer_lowered  }
0x9b: {  	s22 =	simm.s32 $0x1BFF;
	s21 =	sshll.u32 s5, $0x1;
	s2 =	sadd.s32 s19, s18  }
0x9c: {  	s6 =	simm.s32 $0x0;
	s20 =	sshll.u32 s4, $0x1;
	s4 =	sadd.s32 s21, s2  }
0x9d: {  	[timem:s6], [sflag:s22] =	dma.local [hbm:s4], s20  }
0x9e: {  	_ =	swait.ge [sflag:s22], s20  }
0x9f: {  	s3 =	ssub.s32 $0x0, s20;
	[sflag:s22] =	ssyncset.done $0x0  }
0xa0: {  	[sflag:s22] =	ssyncadd.s32 s3;
	_ =	sdelay $0x1  }
0xa1: {  	s23 =	simm.s32 $0x1B8B  }
0xa2: {  	_ =	swait.ge [sflag:s23], $0x1  }
0xa3: {  	[sflag:s23] =	ssyncset.done $0x0  }
0xa4: {  	s25 =	simm.s32 $0x1B8E;
	s24 =	sld [smem:$0x3FFE];
	[sflag:s23] =	ssyncadd.s32 $0xFFFFFFFF  }
0xa5: {  	s26 =	simm.s32 $execute0_lowered;
	[smem:$0x3FD2] =	sst s25  }
0xa6: {  	s4 =	sshll.u32 s26, $0x1;
	_ =	strace $0x8000004C;
	[dreg:$0x1] =	wrdreg $0xFFFFFFFF  }
0xa7: {  	s28 =	simm.s32 $_size_execute0_lowered;
	s2 =	sadd.s32 s2, s4;
	[dreg:$0x0] =	wrdreg $0x0  }
0xa8: {  	s4 =	sshll.u32 s28, $0x1;
	[dreg:$0x2] =	wrdreg s2  }
0xa9: {  	[dreg:$0x3] =	wrdreg s4  }
0xaa: {  	[dreg:$0x4] =	wrdreg $0xC0  }
0xab: {  	_ =	task [dreg:s6], $0x5FFFF  }
0xac: {  	[dreg:$0x1] =	wrdreg $0xFFFFFFFF  }
0xad: {  	[dreg:$0x0] =	wrdreg $0x60  }
0xae: {  	[dreg:$0x2] =	wrdreg s24  }
0xaf: {  	[dreg:$0x3] =	wrdreg $0x0  }
0xb0: {  	[dreg:$0x4] =	wrdreg $0x9  }
0xb1: {  	_ =	task.clear_ibuf [dreg:s6], $0x5FFFF;
	_ =	strace $0x9000004C  }
0xb2: {  	s29 =	simm.s32 $0x9;
	_ =	strace $0x8000004E  }
0xb3: {  	_ =	swait.ge [sflag:s29], $0x1  }
0xb4: {  	[sflag:s29] =	ssyncadd.s32 $0xFFFFFFFF  }
0xb5: {  	_ =	strace $0x9000004E  }
0xb6: {  	_ =	sfence  }
0xb7: {  	s30 =	sld [smem:$0x0];
	_ =	sdelay $0x2  }
0xb8: {  	s31 =	sshll.u32 s1, $0xD;
	s1 =	sshrl.u32 s1, $0x2  }
0xb9: {  	s3 =	sand.u32 $0x4000, s31;
	s1 =	sadd.s32 s1, s30  }
0xba: {  	s0 =	sor.u32 s3, s0;
	s1 =	sshll.u32 s1, $0x11  }
0xbb: {  	s0 =	sor.u32 s1, s0  }
0xbc: {  	s0 =	sadd.s32 $0x8F2B, s0  }
0xbd: {  	[sflag:s0] =	ssyncadd.remote.s32 $0x1  }
0xbe: {  	_ =	sfence.sel $0xFFFF  }
0xbf: {  	[dreg:$0x0] =	wrdreg $0xFFFFFFFF;
	(pc) =	sbr.abs _section_cstart, $3  }
0xc0: {  	[dreg:$0x1] =	wrdreg $0xFFFFFFFF  }
0xc1: {  	_ =	task.clear_ibuf [dreg:s6], $0x2FFFF;
	_ =	strace $0x9FFFFFFF  }
0xc2: {  	(tm) =	ssettm $0x7FFFFFFF  }
0xc3: {  	_ =	shalt  }
tec
execute0_lowered:
.L_overlay_start_1:
0x0: {  	(tag) =	ssettag $0x1  }
0x1: {  	s0 =	rddreg [dreg:$0x0]  }
0x2: {  	s1 =	rddreg [dreg:$0x1];
	s2 =	simm.s32 $0x0;
	s4 =	srdreg.scid  }
0x3: {  	s13 =	stileid.u32;
	s16 =	simm.s32 $0x13900;
	s17 =	simm.s32 $0x14D00  }
0x4: {  	s18 =	simm.s32 $0x40;
	s19 =	simm.s32 $0x16100;
	s28 =	simm.s32 $0x80  }
0x5: {  	s29 =	simm.s32 $0x2;
	s30 =	simm.s32 $0x16000;
	s31 =	simm.s32 $0x16080  }
0x6: {  	[smem:$0x7FF] =	sst s2;
	s3 =	sadd.s32 $0x6600, s0;
	s20 =	sadd.s32 $0x2D800, s0  }
0x7: {  	s6 =	sadd.s32 $0x37800, s0;
	s5 =	sand.u32 $0x1, s4;
	s8 =	smul.u32 $0x4E000, s13  }
0x8: {  	s4 =	sadd.s32 $0x41800, s0;
	s0 =	sadd.s32 $0x44000, s0;
	s21 =	smul.u32 $0x13800, s13  }
0x9: {  	s23 =	sshll.u32 s13, $0x6;
	s15 =	sadd.s32 $0x138000, s1;
	p0 =	sne.s32 s13, $0x0  }
0xa: {  	_ =	strace $0x8000004D;
	s7 =	ssub.s32 $0x2, s5;
	s10 =	smul.u32 $0x138800, s5  }
0xb: {  	s5 =	sshll.u32 s5, $0x4;
	s15 =	sshrl.u32 @!p0 s15, $0x3;
	s9 =	sshrl.u32 s7, $0x1  }
0xc: {  	s11 =	sor.u32 s13, s5;
	s22 =	sshrl.u32 s8, $0x2;
	s5 =	sor.u32 $0x1C03, s23  }
0xd: {  	s23 =	simm.s32 $0x1A100;
	s9 =	ssub.s32 s7, s9;
	s14 =	sadd.s32 s22, s1  }
0xe: {  	s7 =	sadd.s32 s21, s10;
	s24 =	sshrl.u32 s10, $0x3;
	s25 =	smul.u32 $0x500, s11  }
0xf: {  	s21 =	simm.s32 $0x18100;
	s22 =	simm.s32 $0x13980;
	s7 =	sshrl.u32 s7, $0x3  }
0x10: {  	s8 =	smax.u32 s9, $0x1;
	s13 =	sshrl.u32 s14, $0x3;
	s14 =	simm.s32 $0x3  }
0x11: {  	s7 =	sadd.s32 s0, s7;
	s0 =	sadd.s32 s0, s24;
	s26 =	sadd.s32 $0x280, s25  }
0x12: {  	s9 =	sadd.s32 s20, s25;
	s10 =	sadd.s32 s6, s25;
	s24 =	simm.s32 $0x139C0  }
0x13: {  	s25 =	simm.s32 $0x1C100;
	[dreg:$0x3] =	wrdreg s7;
	s0 =	sadd.s32 $0x27000, s0  }
0x14: {  	s11 =	sadd.s32 s20, s26;
	s12 =	sadd.s32 s6, s26;
	s20 =	simm.s32 $0x13940  }
0x15: {  	s26 =	simm.s32 $0x1;
	[dreg:$0x4] =	wrdreg s0;
	s0 =	simm.s32 $0x0  }
.LBB2_1:
0x16: {  	[spmem:s13], [sflag:s5] =	dma.local [hbm:s4], $0x2700  }
0x17: {  	_ =	swait.ge [sflag:s14], $0x2700  }
0x18: {  	[sflag:s14] =	ssyncset.done $0x0  }
0x19: {  	s2 =	simm.s32 @!p0 $0x3;
	[sflag:s14] =	ssyncadd.s32 $0xFFFFD900  }
0x1a: {  	[spmem:s15], [sflag:s5] =	dma.local @!p0 [hbm:s4], $0x200  }
0x1b: {  	_ =	swait.ge @!p0 [sflag:s2], $0x200  }
0x1c: {  	[sflag:s2] =	ssyncset.done @!p0 $0x0  }
0x1d: {  	[sflag:s2] =	ssyncadd.s32 @!p0 $0xFFFFFE00  }
0x1e: {  	s6 =	simm.s32 $0x0;
	[bflag:$0x0] =	sbarrier.arrive $0xFFFF  }
0x1f: {  	[tilespmem:s16], [sflag:$0x3] =	stream.linear.gather [hbm4b:s9+s6], $0x1400, $0x38;
	[tilespmem:$0x1E100] =	vst v63  }
0x20: {  	_ =	swait.ge [sflag:s14], $0x1400  }
0x21: {  	[sflag:s14] =	ssyncset.done $0x0  }
0x22: {  	[sflag:s14] =	ssyncadd.s32 $0xFFFFEC00  }
0x23: {  	[tilespmem:s17], [sflag:$0x3] =	stream.linear.gather [hbm4b:s10+s6], $0x1400, $0x38;
	[tilespmem:$0x1E100] =	vst v63  }
0x24: {  	_ =	swait.ge [sflag:s14], $0x1400  }
0x25: {  	[sflag:s14] =	ssyncset.done $0x0  }
0x26: {  	[sflag:s14] =	ssyncadd.s32 $0xFFFFEC00  }
0x27: {  	[tilespmem:s19], [sflag:$0x1] =	stream.indirect.gather [hbm4b:s3+s18], $0x80, s16, s18, $0xb8;
	[tilespmem:$0x1E100] =	vst v63  }
0x28: {  	_ = 	snop  }
0x29: {  	[tilespmem:s21], [sflag:$0x1] =	stream.indirect.gather [hbm4b:s3+s18], $0x80, s20, s18, $0xb8;
	[tilespmem:$0x1E100] =	vst v63  }
0x2a: {  	_ = 	snop  }
0x2b: {  	[tilespmem:s23], [sflag:$0x2] =	stream.indirect.gather [hbm4b:s3+s18], $0x80, s22, s18, $0xb8;
	[tilespmem:$0x1E100] =	vst v63  }
0x2c: {  	_ = 	snop  }
0x2d: {  	[tilespmem:s25], [sflag:$0x2] =	stream.indirect.gather [hbm4b:s3+s18], $0x80, s24, s18, $0xb8;
	[tilespmem:$0x1E100] =	vst v63  }
0x2e: {  	_ =	swait.ge [sflag:s26], $0x4000  }
0x2f: {  	[sflag:s26] =	ssyncset.done $0x0  }
0x30: {  	s7 =	simm.s32 $0x14D00;
	[sflag:s26] =	ssyncadd.s32 $0xFFFFC000  }
0x31: {  	[spmem:s1] =	stream.indirect.scatter.add.f32 [tilespmem:s19], [sflag:$0x3], $0x80, s7, s28, $0xb8;
	[tilespmem:$0x1E100] =	vst v63  }
0x32: {  	_ =	swait.ge [sflag:s14], $0x4000  }
0x33: {  	[sflag:s14] =	ssyncset.done $0x0  }
0x34: {  	s6 =	simm.s32 $0x13A00;
	[sflag:s14] =	ssyncadd.s32 $0xFFFFC000  }
0x35: {  	[tilespmem:s19], [sflag:$0x1] =	stream.indirect.gather [hbm4b:s3+s18], $0x80, s6, s18, $0xb8;
	[tilespmem:$0x1E100] =	vst v63  }
0x36: {  	s7 =	simm.s32 $0x13A40  }
0x37: {  	[tilespmem:s21], [sflag:$0x1] =	stream.indirect.gather [hbm4b:s3+s18], $0x80, s7, s18, $0xb8;
	[tilespmem:$0x1E100] =	vst v63  }
0x38: {  	_ =	swait.ge [sflag:s29], $0x4000  }
0x39: {  	[sflag:s29] =	ssyncset.done $0x0  }
0x3a: {  	s6 =	simm.s32 $0x14D80;
	[sflag:s29] =	ssyncadd.s32 $0xFFFFC000  }
0x3b: {  	[spmem:s1] =	stream.indirect.scatter.add.f32 [tilespmem:s23], [sflag:$0x3], $0x80, s6, s28, $0xb8;
	[tilespmem:$0x1E100] =	vst v63  }
0x3c: {  	_ =	swait.ge [sflag:s14], $0x4000  }
0x3d: {  	s2 =	simm.s32 $0x400;
	[sflag:s14] =	ssyncset.done $0x0  }
0x3e: {  	s7 =	simm.s32 $0x13A80;
	s6 =	simm.s32 $0x13AC0;
	[sflag:s14] =	ssyncadd.s32 $0xFFFFC000  }
0x3f: {  	[tilespmem:s23], [sflag:$0x2] =	stream.indirect.gather [hbm4b:s3+s18], $0x80, s7, s18, $0xb8;
	[tilespmem:$0x1E100] =	vst v63  }
.LBB2_2:
0x40: {  	[tilespmem:s25], [sflag:$0x2] =	stream.indirect.gather [hbm4b:s3+s18], $0x80, s6, s18, $0xb8;
	[tilespmem:$0x1E100] =	vst v63  }
0x41: {  	s6 =	smov.u32 s2  }
0x42: {  	p1 =	sne.s32 s2, $0x4800;
	s2 =	sadd.s32 $0x400, s2;
	_ =	swait.ge [sflag:s26], $0x4000  }
0x43: {  	s6 =	sshra.s32 s6, $0x2;
	[sflag:s26] =	ssyncset.done $0x0  }
0x44: {  	s7 =	sadd.s32 $0x14D00, s6;
	[sflag:s26] =	ssyncadd.s32 $0xFFFFC000  }
0x45: {  	[spmem:s1] =	stream.indirect.scatter.add.f32 [tilespmem:s19], [sflag:$0x3], $0x80, s7, s28, $0xb8;
	[tilespmem:$0x1E100] =	vst v63  }
0x46: {  	_ =	swait.ge [sflag:s14], $0x4000  }
0x47: {  	[sflag:s14] =	ssyncset.done $0x0  }
0x48: {  	s7 =	sadd.s32 $0x13A00, s6;
	[sflag:s14] =	ssyncadd.s32 $0xFFFFC000  }
0x49: {  	[tilespmem:s19], [sflag:$0x1] =	stream.indirect.gather [hbm4b:s3+s18], $0x80, s7, s18, $0xb8;
	[tilespmem:$0x1E100] =	vst v63  }
0x4a: {  	s7 =	sadd.s32 $0x13A40, s6  }
0x4b: {  	[tilespmem:s21], [sflag:$0x1] =	stream.indirect.gather [hbm4b:s3+s18], $0x80, s7, s18, $0xb8;
	[tilespmem:$0x1E100] =	vst v63  }
0x4c: {  	_ =	swait.ge [sflag:s29], $0x4000  }
0x4d: {  	[sflag:s29] =	ssyncset.done $0x0  }
0x4e: {  	s7 =	sadd.s32 $0x14D80, s6;
	[sflag:s29] =	ssyncadd.s32 $0xFFFFC000  }
0x4f: {  	[spmem:s1] =	stream.indirect.scatter.add.f32 [tilespmem:s23], [sflag:$0x3], $0x80, s7, s28, $0xb8;
	[tilespmem:$0x1E100] =	vst v63  }
.Ltmp0:
0x50: {  	_ =	swait.ge [sflag:s14], $0x4000;
	(pc) =	sbr.rel @p1 .LBB2_2-.Ltmp0, $4  }
0x51: {  	[sflag:s14] =	ssyncset.done $0x0  }
0x52: {  	s7 =	sadd.s32 $0x13A80, s6;
	[sflag:s14] =	ssyncadd.s32 $0xFFFFC000  }
0x53: {  	[tilespmem:s23], [sflag:$0x2] =	stream.indirect.gather [hbm4b:s3+s18], $0x80, s7, s18, $0xb8;
	[tilespmem:$0x1E100] =	vst v63  }
0x54: {  	s6 =	sadd.s32 $0x13AC0, s6  }
0x55: {  	[tilespmem:s25], [sflag:$0x2] =	stream.indirect.gather [hbm4b:s3+s18], $0x80, s6, s18, $0xb8;
	[tilespmem:$0x1E100] =	vst v63  }
0x56: {  	_ =	swait.ge [sflag:s26], $0x4000  }
0x57: {  	[sflag:s26] =	ssyncset.done $0x0  }
0x58: {  	[sflag:s26] =	ssyncadd.s32 $0xFFFFC000  }
0x59: {  	[spmem:s1] =	stream.indirect.scatter.add.f32 [tilespmem:s19], [sflag:$0x3], $0x80, s30, s28, $0xb8;
	[tilespmem:$0x1E100] =	vst v63  }
0x5a: {  	_ =	swait.ge [sflag:s14], $0x4000  }
0x5b: {  	[sflag:s14] =	ssyncset.done $0x0  }
0x5c: {  	[sflag:s14] =	ssyncadd.s32 $0xFFFFC000  }
0x5d: {  	_ =	swait.ge [sflag:s29], $0x4000  }
0x5e: {  	[sflag:s29] =	ssyncset.done $0x0  }
0x5f: {  	[sflag:s29] =	ssyncadd.s32 $0xFFFFC000  }
0x60: {  	[spmem:s1] =	stream.indirect.scatter.add.f32 [tilespmem:s23], [sflag:$0x3], $0x80, s31, s28, $0xb8;
	[tilespmem:$0x1E100] =	vst v63  }
0x61: {  	_ =	swait.ge [sflag:s14], $0x4000  }
0x62: {  	[sflag:s14] =	ssyncset.done $0x0  }
0x63: {  	s2 =	simm.s32 $0x0;
	[sflag:s14] =	ssyncadd.s32 $0xFFFFC000  }
0x64: {  	[tilespmem:s16], [sflag:$0x3] =	stream.linear.gather [hbm4b:s11+s2], $0x1400, $0x38;
	[tilespmem:$0x1E100] =	vst v63  }
0x65: {  	_ =	swait.ge [sflag:s14], $0x1400  }
0x66: {  	[sflag:s14] =	ssyncset.done $0x0  }
0x67: {  	[sflag:s14] =	ssyncadd.s32 $0xFFFFEC00  }
0x68: {  	[tilespmem:s17], [sflag:$0x3] =	stream.linear.gather [hbm4b:s12+s2], $0x1400, $0x38;
	[tilespmem:$0x1E100] =	vst v63  }
0x69: {  	_ =	swait.ge [sflag:s14], $0x1400  }
0x6a: {  	[sflag:s14] =	ssyncset.done $0x0  }
0x6b: {  	[sflag:s14] =	ssyncadd.s32 $0xFFFFEC00  }
0x6c: {  	[tilespmem:s19], [sflag:$0x1] =	stream.indirect.gather [hbm4b:s3+s18], $0x80, s16, s18, $0xb8;
	[tilespmem:$0x1E100] =	vst v63  }
0x6d: {  	_ = 	snop  }
0x6e: {  	[tilespmem:s21], [sflag:$0x1] =	stream.indirect.gather [hbm4b:s3+s18], $0x80, s20, s18, $0xb8;
	[tilespmem:$0x1E100] =	vst v63  }
0x6f: {  	_ = 	snop  }
0x70: {  	[tilespmem:s23], [sflag:$0x2] =	stream.indirect.gather [hbm4b:s3+s18], $0x80, s22, s18, $0xb8;
	[tilespmem:$0x1E100] =	vst v63  }
0x71: {  	_ = 	snop  }
0x72: {  	[tilespmem:s25], [sflag:$0x2] =	stream.indirect.gather [hbm4b:s3+s18], $0x80, s24, s18, $0xb8;
	[tilespmem:$0x1E100] =	vst v63  }
0x73: {  	_ =	swait.ge [sflag:s26], $0x4000  }
0x74: {  	[sflag:s26] =	ssyncset.done $0x0  }
0x75: {  	s7 =	simm.s32 $0x14D00;
	[sflag:s26] =	ssyncadd.s32 $0xFFFFC000  }
0x76: {  	[spmem:s1] =	stream.indirect.scatter.add.f32 [tilespmem:s19], [sflag:$0x3], $0x80, s7, s28, $0xb8;
	[tilespmem:$0x1E100] =	vst v63  }
0x77: {  	_ =	swait.ge [sflag:s14], $0x4000  }
0x78: {  	[sflag:s14] =	ssyncset.done $0x0  }
0x79: {  	s6 =	simm.s32 $0x13A00;
	[sflag:s14] =	ssyncadd.s32 $0xFFFFC000  }
0x7a: {  	[tilespmem:s19], [sflag:$0x1] =	stream.indirect.gather [hbm4b:s3+s18], $0x80, s6, s18, $0xb8;
	[tilespmem:$0x1E100] =	vst v63  }
0x7b: {  	s7 =	simm.s32 $0x13A40  }
0x7c: {  	[tilespmem:s21], [sflag:$0x1] =	stream.indirect.gather [hbm4b:s3+s18], $0x80, s7, s18, $0xb8;
	[tilespmem:$0x1E100] =	vst v63  }
0x7d: {  	_ =	swait.ge [sflag:s29], $0x4000  }
0x7e: {  	[sflag:s29] =	ssyncset.done $0x0  }
0x7f: {  	s6 =	simm.s32 $0x14D80;
	[sflag:s29] =	ssyncadd.s32 $0xFFFFC000  }
0x80: {  	[spmem:s1] =	stream.indirect.scatter.add.f32 [tilespmem:s23], [sflag:$0x3], $0x80, s6, s28, $0xb8;
	[tilespmem:$0x1E100] =	vst v63  }
0x81: {  	_ =	swait.ge [sflag:s14], $0x4000  }
0x82: {  	s2 =	simm.s32 $0x400;
	[sflag:s14] =	ssyncset.done $0x0  }
0x83: {  	s7 =	simm.s32 $0x13A80;
	s6 =	simm.s32 $0x13AC0;
	[sflag:s14] =	ssyncadd.s32 $0xFFFFC000  }
0x84: {  	[tilespmem:s23], [sflag:$0x2] =	stream.indirect.gather [hbm4b:s3+s18], $0x80, s7, s18, $0xb8;
	[tilespmem:$0x1E100] =	vst v63  }
.LBB2_4:
0x85: {  	[tilespmem:s25], [sflag:$0x2] =	stream.indirect.gather [hbm4b:s3+s18], $0x80, s6, s18, $0xb8;
	[tilespmem:$0x1E100] =	vst v63  }
0x86: {  	s6 =	smov.u32 s2  }
0x87: {  	p1 =	sne.s32 s2, $0x4800;
	s2 =	sadd.s32 $0x400, s2;
	_ =	swait.ge [sflag:s26], $0x4000  }
0x88: {  	s6 =	sshra.s32 s6, $0x2;
	[sflag:s26] =	ssyncset.done $0x0  }
0x89: {  	s7 =	sadd.s32 $0x14D00, s6;
	[sflag:s26] =	ssyncadd.s32 $0xFFFFC000  }
0x8a: {  	[spmem:s1] =	stream.indirect.scatter.add.f32 [tilespmem:s19], [sflag:$0x3], $0x80, s7, s28, $0xb8;
	[tilespmem:$0x1E100] =	vst v63  }
0x8b: {  	_ =	swait.ge [sflag:s14], $0x4000  }
0x8c: {  	[sflag:s14] =	ssyncset.done $0x0  }
0x8d: {  	s7 =	sadd.s32 $0x13A00, s6;
	[sflag:s14] =	ssyncadd.s32 $0xFFFFC000  }
0x8e: {  	[tilespmem:s19], [sflag:$0x1] =	stream.indirect.gather [hbm4b:s3+s18], $0x80, s7, s18, $0xb8;
	[tilespmem:$0x1E100] =	vst v63  }
0x8f: {  	s7 =	sadd.s32 $0x13A40, s6  }
0x90: {  	[tilespmem:s21], [sflag:$0x1] =	stream.indirect.gather [hbm4b:s3+s18], $0x80, s7, s18, $0xb8;
	[tilespmem:$0x1E100] =	vst v63  }
0x91: {  	_ =	swait.ge [sflag:s29], $0x4000  }
0x92: {  	[sflag:s29] =	ssyncset.done $0x0  }
0x93: {  	s7 =	sadd.s32 $0x14D80, s6;
	[sflag:s29] =	ssyncadd.s32 $0xFFFFC000  }
0x94: {  	[spmem:s1] =	stream.indirect.scatter.add.f32 [tilespmem:s23], [sflag:$0x3], $0x80, s7, s28, $0xb8;
	[tilespmem:$0x1E100] =	vst v63  }
.Ltmp1:
0x95: {  	_ =	swait.ge [sflag:s14], $0x4000;
	(pc) =	sbr.rel @p1 .LBB2_4-.Ltmp1, $4  }
0x96: {  	[sflag:s14] =	ssyncset.done $0x0  }
0x97: {  	s7 =	sadd.s32 $0x13A80, s6;
	[sflag:s14] =	ssyncadd.s32 $0xFFFFC000  }
0x98: {  	[tilespmem:s23], [sflag:$0x2] =	stream.indirect.gather [hbm4b:s3+s18], $0x80, s7, s18, $0xb8;
	[tilespmem:$0x1E100] =	vst v63  }
0x99: {  	s6 =	sadd.s32 $0x13AC0, s6  }
0x9a: {  	[tilespmem:s25], [sflag:$0x2] =	stream.indirect.gather [hbm4b:s3+s18], $0x80, s6, s18, $0xb8;
	[tilespmem:$0x1E100] =	vst v63  }
0x9b: {  	_ =	swait.ge [sflag:s26], $0x4000  }
0x9c: {  	[sflag:s26] =	ssyncset.done $0x0  }
0x9d: {  	[sflag:s26] =	ssyncadd.s32 $0xFFFFC000  }
0x9e: {  	[spmem:s1] =	stream.indirect.scatter.add.f32 [tilespmem:s19], [sflag:$0x3], $0x80, s30, s28, $0xb8;
	[tilespmem:$0x1E100] =	vst v63  }
0x9f: {  	_ =	swait.ge [sflag:s14], $0x4000  }
0xa0: {  	[sflag:s14] =	ssyncset.done $0x0  }
0xa1: {  	[sflag:s14] =	ssyncadd.s32 $0xFFFFC000  }
0xa2: {  	_ =	swait.ge [sflag:s29], $0x4000  }
0xa3: {  	[sflag:s29] =	ssyncset.done $0x0  }
0xa4: {  	[sflag:s29] =	ssyncadd.s32 $0xFFFFC000  }
0xa5: {  	[spmem:s1] =	stream.indirect.scatter.add.f32 [tilespmem:s23], [sflag:$0x3], $0x80, s31, s28, $0xb8;
	[tilespmem:$0x1E100] =	vst v63  }
0xa6: {  	_ =	swait.ge [sflag:s14], $0x4000  }
0xa7: {  	[sflag:s14] =	ssyncset.done $0x0  }
0xa8: {  	[sflag:s14] =	ssyncadd.s32 $0xFFFFC000  }
0xa9: {  	[bflag:$0x0] =	sbarrier.arrive $0xFFFF  }
0xaa: {  	s2 =	rddreg [dreg:$0x3]  }
0xab: {  	[hbm:s2], [sflag:s5] =	dma.local [spmem:s13], $0x2700  }
0xac: {  	_ =	swait.ge [sflag:s14], $0x2700  }
0xad: {  	s0 =	sadd.s32 $0x1, s0;
	[sflag:s14] =	ssyncset.done $0x0  }
0xae: {  	p1 =	sne.s32 s0, s8;
	s2 =	rddreg [dreg:$0x4];
	[sflag:s14] =	ssyncadd.s32 $0xFFFFD900  }
0xaf: {  	[hbm:s2], [sflag:s5] =	dma.local @!p0 [spmem:s15], $0x100  }
.Ltmp2:
0xb0: {  	_ = 	snop;
	(pc) =	sbr.rel @p1 .LBB2_1-.Ltmp2, $4  }
0xb1: {  	s2 =	simm.s32 @!p0 $0x3  }
0xb2: {  	_ =	swait.ge @!p0 [sflag:s2], $0x100  }
0xb3: {  	[sflag:s2] =	ssyncset.done @!p0 $0x0  }
0xb4: {  	[sflag:s2] =	ssyncadd.s32 @!p0 $0xFFFFFF00  }
0xb5: {  	_ =	sfence.sel $0x180000  }
0xb6: {  	[bflag:$0x0] =	sbarrier.arrive $0xFFFF  }
0xb7: {  	_ =	strace $0x9000004D  }
0xb8: {  	[bflag:$0x2] =	sbarrier.arrive $0xFFFF  }
0xb9: {  	s0 =	rddreg [dreg:$0x2]  }
0xba: {  	s0 =	sadd.s32 @!p0 $0x100000, s0  }
0xbb: {  	[sflag:s0] =	ssyncadd.tile.s32 @!p0 $0x1;
	_ =	shalt  }
.Lfunc_end2:
_tile_overlayer_lowered:
.L_overlay_start_2:
0xbc: {  	(tag) =	ssettag $0x2  }
0xbd: {  	s0 =	rddreg [dreg:$0x0];
	s2 =	stileid.u32  }
0xbe: {  	s1 =	rddreg [dreg:$0x1];
	p0 =	sne.s32 s2, $0x0  }
0xbf: {  	s3 =	rddreg [dreg:$0x2];
	[bflag:$0x3] =	sbarrier.arrive $0xFFFF;
	s2 =	simm.s32 @!p0 $0x1C03  }
0xc0: {  	[timem:s3], [sflag:s2] =	dma.local @!p0 [hbm:s0], s1  }
0xc1: {  	s0 =	simm.s32 @!p0 $0x3  }
0xc2: {  	_ =	swait.ge @!p0 [sflag:s0], s1  }
0xc3: {  	s1 =	ssub.s32 @!p0 $0x0, s1;
	[sflag:s0] =	ssyncset.done @!p0 $0x0  }
0xc4: {  	[sflag:s0] =	ssyncadd.s32 @!p0 s1  }
0xc5: {  	[bflag:$0x3] =	sbarrier.arrive $0xFFFF  }
0xc6: {  	_ =	shalt  }

// kernel: kernel.21.cloned.1.call-start
scs
__scs_entry_jumppad:
0x0: {  	(pc) =	sbr.rel $0x88, $3  }
0x1: {  	(tag) =	ssettag $0x0;
	lr =	simm.s32 $0x1  }
0x2: {  	[smem:$0x3F93] =	sst lr;
	_ =	strace $0xD0000000  }
0x3: {  	_ = 	snop  }
0x4: {  	_ = 	snop  }
0x5: {  	_ = 	snop  }
0x6: {  	_ = 	snop  }
0x7: {  	_ = 	snop  }
__scs_overlays_trampoline_lowered:
0x8: {  	[smem:$0x3FA2] =	sst s0  }
0x9: {  	[smem:$0x3FA3] =	sst s1  }
0xa: {  	[smem:$0x3FA4] =	sst s2  }
0xb: {  	[smem:$0x3FA5] =	sst s3  }
0xc: {  	[smem:$0x3FA6] =	sst s4  }
0xd: {  	[smem:$0x3FA7] =	sst s5  }
0xe: {  	[smem:$0x3FA8] =	sst s6  }
0xf: {  	[smem:$0x3FA9] =	sst s7  }
0x10: {  	[smem:$0x3FAA] =	sst s8  }
0x11: {  	[smem:$0x3FAB] =	sst s9;
	s0 =	simm.s32 @!p0 $0x0  }
0x12: {  	s1 =	sld [smem:$0x3F91];
	s0 =	simm.s32 @p0 $0x1  }
0x13: {  	[smem:$0x3FAC] =	sst s0;
	s0 =	simm.s32 @!p1 $0x0  }
0x14: {  	s2 =	sld [smem:$0x3F90];
	s0 =	simm.s32 @p1 $0x1  }
0x15: {  	[smem:$0x3FAD] =	sst s0;
	s0 =	simm.s32 @!p2 $0x0  }
0x16: {  	s3 =	sld [smem:$0x3FDB];
	s0 =	simm.s32 @p2 $0x1  }
0x17: {  	s4 =	simm.s32 $0x1BF5;
	[smem:$0x3FAF] =	sst s0  }
0x18: {  	s0 =	sld [smem:$0x3F92];
	_ =	swait.ge [sflag:s4], $0x0  }
0x19: {  	s7 =	sld [smem:$0x3F93]  }
0x1a: {  	s8 =	sadd.s32 $0xFFFFE003, lr  }
0x1b: {  	s9 =	sadd.s32 $0xFFFFFEF7, lr;
	s5 =	simm.s32 $0xFFFFFFFF;
	p2 =	slt.u32 s8, $0xFFFFF086  }
0x1c: {  	p1 =	slt.u32 s9, $0xF7A;
	s5 =	simm.s32 @!p2 $0x0  }
0x1d: {  	s5 =	simm.s32 @p1 $0x1;
	p0 =	seq.s32 s7, s2  }
0x1e: {  	s7 =	smul.u32 @!p0 $0xF7A, s2;
	p2 =	seq.s32 @!p0 s5, $0x0  }
0x1f: {  	s9 =	smul.u32 $0xF7A, s1;
	s8 =	simm.s32 @!p0 $0x1BF5;
	p2 =	por !p2, p0  }
0x20: {  	[sflag:s8] =	ssyncset.s32 @!p0 $0xFFFFF086;
	s6 =	sadd.s32 @!p0 s3, s7;
	s7 =	simm.s32 @!p0 $0x108  }
0x21: {  	s3 =	sadd.s32 s3, s9;
	s6 =	sadd.s32 @!p0 $0x88, s6;
	s7 =	simm.s32 @p2 $0x1082  }
0x22: {  	[simem:s7], [sflag:s8] =	dma.local @!p0 [hbm:s6], $0xF7A  }
0x23: {  	s9 =	sor.u32 $0xD0000000, s2;
	s6 =	simm.s32 $0x108;
	_ =	swait.ge @!p0 [sflag:s8], $0x0  }
0x24: {  	s3 =	sadd.s32 $0x88, s3;
	s6 =	simm.s32 @!p1 $0x1082;
	[sflag:s4] =	ssyncset.s32 $0xFFFFF086  }
0x25: {  	[simem:s6], [sflag:s4] =	dma.local [hbm:s3], $0xF7A  }
0x26: {  	[smem:$0x3F93] =	sst s1;
	(tag) =	ssettag s2;
	_ =	strace s9  }
0x27: {  	s1 =	sld [smem:$0x3FA3]  }
0x28: {  	s2 =	sld [smem:$0x3FA4]  }
0x29: {  	s4 =	sld [smem:$0x3FA6]  }
0x2a: {  	p0 =	seq.s32 s5, $0x0;
	s5 =	sld [smem:$0x3FA7]  }
0x2b: {  	s6 =	sld [smem:$0x3FA8]  }
0x2c: {  	s7 =	sld [smem:$0x3FA9]  }
0x2d: {  	s3 =	simm.s32 $0x108;
	s8 =	sld [smem:$0x3FAA]  }
0x2e: {  	s3 =	simm.s32 @!p0 $0x1082;
	s9 =	sld [smem:$0x3FAB]  }
0x2f: {  	lr =	sadd.s32 s0, s3;
	s0 =	sld [smem:$0x3FA2]  }
0x30: {  	s3 =	sld [smem:$0x3FA5]  }
0x31: {  	[smem:$0x3FAE] =	sst s10  }
0x32: {  	s10 =	sld [smem:$0x3FAC];
	_ =	sdelay $0x3  }
0x33: {  	p0 =	seq.s32 s10, $0x1;
	s10 =	sld [smem:$0x3FAE];
	_ =	sdelay $0x3  }
0x34: {  	[smem:$0x3FAE] =	sst s10  }
0x35: {  	s10 =	sld [smem:$0x3FAD];
	_ =	sdelay $0x3  }
0x36: {  	p1 =	seq.s32 s10, $0x1;
	s10 =	sld [smem:$0x3FAE];
	_ =	sdelay $0x3  }
0x37: {  	[smem:$0x3FAE] =	sst s10  }
0x38: {  	s10 =	sld [smem:$0x3FAF]  }
0x39: {  	_ = 	snop;
	(pc) =	sbr.ind lr, $3  }
0x3a: {  	_ = 	snop  }
0x3b: {  	_ = 	snop  }
0x3c: {  	p2 =	seq.s32 s10, $0x1;
	s10 =	sld [smem:$0x3FAE]  }
0x3d: {  	_ =	shalt  }
0x3e: {  	_ =	shalt  }
0x3f: {  	_ =	shalt  }
0x40: {  	_ =	shalt  }
0x41: {  	_ =	shalt  }
0x42: {  	_ =	shalt  }
0x43: {  	_ =	shalt  }
0x44: {  	_ =	shalt  }
0x45: {  	_ =	shalt  }
0x46: {  	_ =	shalt  }
0x47: {  	_ =	shalt  }
0x48: {  	_ =	shalt  }
0x49: {  	_ =	shalt  }
0x4a: {  	_ =	shalt  }
0x4b: {  	_ =	shalt  }
0x4c: {  	_ =	shalt  }
0x4d: {  	_ =	shalt  }
0x4e: {  	_ =	shalt  }
0x4f: {  	_ =	shalt  }
0x50: {  	_ =	shalt  }
0x51: {  	_ =	shalt  }
0x52: {  	_ =	shalt  }
0x53: {  	_ =	shalt  }
0x54: {  	_ =	shalt  }
0x55: {  	_ =	shalt  }
0x56: {  	_ =	shalt  }
0x57: {  	_ =	shalt  }
0x58: {  	_ =	shalt  }
0x59: {  	_ =	shalt  }
0x5a: {  	_ =	shalt  }
0x5b: {  	_ =	shalt  }
0x5c: {  	_ =	shalt  }
0x5d: {  	_ =	shalt  }
0x5e: {  	_ =	shalt  }
0x5f: {  	_ =	shalt  }
0x60: {  	_ =	shalt  }
0x61: {  	_ =	shalt  }
0x62: {  	_ =	shalt  }
0x63: {  	_ =	shalt  }
0x64: {  	_ =	shalt  }
0x65: {  	_ =	shalt  }
0x66: {  	_ =	shalt  }
0x67: {  	_ =	shalt  }
0x68: {  	_ =	shalt  }
0x69: {  	_ =	shalt  }
0x6a: {  	_ =	shalt  }
0x6b: {  	_ =	shalt  }
0x6c: {  	_ =	shalt  }
0x6d: {  	_ =	shalt  }
0x6e: {  	_ =	shalt  }
0x6f: {  	_ =	shalt  }
0x70: {  	_ =	shalt  }
0x71: {  	_ =	shalt  }
0x72: {  	_ =	shalt  }
0x73: {  	_ =	shalt  }
0x74: {  	_ =	shalt  }
0x75: {  	_ =	shalt  }
0x76: {  	_ =	shalt  }
0x77: {  	_ =	shalt  }
0x78: {  	_ =	shalt  }
0x79: {  	_ =	shalt  }
0x7a: {  	_ =	shalt  }
0x7b: {  	_ =	shalt  }
0x7c: {  	_ =	shalt  }
0x7d: {  	_ =	shalt  }
0x7e: {  	_ =	shalt  }
0x7f: {  	_ =	shalt  }
0x80: {  	_ =	shalt  }
0x81: {  	_ =	shalt  }
0x82: {  	_ =	shalt  }
0x83: {  	_ =	shalt  }
0x84: {  	_ =	shalt  }
0x85: {  	_ =	shalt  }
0x86: {  	_ =	shalt  }
0x87: {  	_ =	shalt  }
.Lfunc_end0:
.L_simem_size_0:
called_computation.3_lowered:
.L_overlay_start_0:
0x88: {  	s2 =	sld [smem:$0x3FD9]  }
0x89: {  	s3 =	sld [smem:$0x3FFE];
	_ =	sdelay $0x1  }
0x8a: {  	s1 =	srdreg.scid  }
0x8b: {  	s0 =	sand.u32 $0x1, s1  }
0x8c: {  	s16 =	sshll.u32 s0, $0xA;
	s2 =	sadd.s32 s3, s2  }
0x8d: {  	s2 =	sadd.s32 s2, s16  }
0x8e: {  	[smem:$0x3FBA] =	sst s2  }
0x8f: {  	_ = 	snop  }
0x90: {  	(tm) =	ssettm $0x1  }
0x91: {  	s17 =	sld [smem:$0x3FFB];
	_ =	sdelay $0x3  }
0x92: {  	_ =	strace s17  }
0x93: {  	s2 =	sld [smem:$0x3FFC];
	_ =	sdelay $0x3  }
0x94: {  	_ =	strace s2  }
0x95: {  	s2 =	sld [smem:$0x3FFD];
	_ =	sdelay $0x3  }
0x96: {  	_ =	strace s2  }
0x97: {  	_ =	strace $0x8FFFFFFF  }
0x98: {  	s18 =	sld [smem:$0x3FDB];
	_ =	sdelay $0x1  }
0x99: {  	s19 =	simm.s32 $_scs_section_size  }
0x9a: {  	s4 =	simm.s32 $_size__tile_overlayer_lowered;
	s5 =	simm.s32 $_tile_overlayer_lowered  }
0x9b: {  	s22 =	simm.s32 $0x1BFF;
	s21 =	sshll.u32 s5, $0x1;
	s2 =	sadd.s32 s19, s18  }
0x9c: {  	s6 =	simm.s32 $0x0;
	s20 =	sshll.u32 s4, $0x1;
	s4 =	sadd.s32 s21, s2  }
0x9d: {  	[timem:s6], [sflag:s22] =	dma.local [hbm:s4], s20  }
0x9e: {  	_ =	swait.ge [sflag:s22], s20  }
0x9f: {  	s3 =	ssub.s32 $0x0, s20;
	[sflag:s22] =	ssyncset.done $0x0  }
0xa0: {  	[sflag:s22] =	ssyncadd.s32 s3;
	_ =	sdelay $0x1  }
0xa1: {  	s23 =	simm.s32 $0x1B8B  }
0xa2: {  	_ =	swait.ge [sflag:s23], $0x1  }
0xa3: {  	[sflag:s23] =	ssyncset.done $0x0  }
0xa4: {  	s25 =	simm.s32 $0x1B8E;
	s24 =	sld [smem:$0x3FFE];
	[sflag:s23] =	ssyncadd.s32 $0xFFFFFFFF  }
0xa5: {  	s26 =	simm.s32 $execute0_lowered;
	[smem:$0x3FD2] =	sst s25  }
0xa6: {  	s4 =	sshll.u32 s26, $0x1;
	_ =	strace $0x8000004F;
	[dreg:$0x1] =	wrdreg $0xFFFFFFFF  }
0xa7: {  	s28 =	simm.s32 $_size_execute0_lowered;
	s2 =	sadd.s32 s2, s4;
	[dreg:$0x0] =	wrdreg $0x0  }
0xa8: {  	s4 =	sshll.u32 s28, $0x1;
	[dreg:$0x2] =	wrdreg s2  }
0xa9: {  	[dreg:$0x3] =	wrdreg s4  }
0xaa: {  	[dreg:$0x4] =	wrdreg $0xC0  }
0xab: {  	_ =	task [dreg:s6], $0x5FFFF  }
0xac: {  	[dreg:$0x1] =	wrdreg $0xFFFFFFFF  }
0xad: {  	[dreg:$0x0] =	wrdreg $0x60  }
0xae: {  	[dreg:$0x2] =	wrdreg s24  }
0xaf: {  	[dreg:$0x3] =	wrdreg $0x0  }
0xb0: {  	[dreg:$0x4] =	wrdreg $0x9  }
0xb1: {  	_ =	task.clear_ibuf [dreg:s6], $0x5FFFF;
	_ =	strace $0x9000004F  }
0xb2: {  	s29 =	simm.s32 $0x9;
	_ =	strace $0x80000051  }
0xb3: {  	_ =	swait.ge [sflag:s29], $0x1  }
0xb4: {  	[sflag:s29] =	ssyncadd.s32 $0xFFFFFFFF  }
0xb5: {  	_ =	strace $0x90000051  }
0xb6: {  	_ =	sfence  }
0xb7: {  	s30 =	sld [smem:$0x0];
	_ =	sdelay $0x2  }
0xb8: {  	s31 =	sshll.u32 s1, $0xD;
	s1 =	sshrl.u32 s1, $0x2  }
0xb9: {  	s3 =	sand.u32 $0x4000, s31;
	s1 =	sadd.s32 s1, s30  }
0xba: {  	s0 =	sor.u32 s3, s0;
	s1 =	sshll.u32 s1, $0x11  }
0xbb: {  	s0 =	sor.u32 s1, s0  }
0xbc: {  	s0 =	sadd.s32 $0x8F2B, s0  }
0xbd: {  	[sflag:s0] =	ssyncadd.remote.s32 $0x1  }
0xbe: {  	_ =	sfence.sel $0xFFFF  }
0xbf: {  	[dreg:$0x0] =	wrdreg $0xFFFFFFFF;
	(pc) =	sbr.abs _section_cstart, $3  }
0xc0: {  	[dreg:$0x1] =	wrdreg $0xFFFFFFFF  }
0xc1: {  	_ =	task.clear_ibuf [dreg:s6], $0x2FFFF;
	_ =	strace $0x9FFFFFFF  }
0xc2: {  	(tm) =	ssettm $0x7FFFFFFF  }
0xc3: {  	_ =	shalt  }
tec
execute0_lowered:
.L_overlay_start_1:
0x0: {  	(tag) =	ssettag $0x1  }
0x1: {  	s0 =	rddreg [dreg:$0x0]  }
0x2: {  	s1 =	rddreg [dreg:$0x1];
	s2 =	simm.s32 $0x0;
	s4 =	srdreg.scid  }
0x3: {  	s13 =	stileid.u32;
	s16 =	simm.s32 $0x13900;
	s17 =	simm.s32 $0x14D00  }
0x4: {  	s18 =	simm.s32 $0x40;
	s19 =	simm.s32 $0x16100;
	s28 =	simm.s32 $0x80  }
0x5: {  	s29 =	simm.s32 $0x2;
	s30 =	simm.s32 $0x16000;
	s31 =	simm.s32 $0x16080  }
0x6: {  	[smem:$0x7FF] =	sst s2;
	s3 =	sadd.s32 $0x6600, s0;
	s20 =	sadd.s32 $0x2D800, s0  }
0x7: {  	s6 =	sadd.s32 $0x37800, s0;
	s5 =	sand.u32 $0x1, s4;
	s8 =	smul.u32 $0x4E000, s13  }
0x8: {  	s4 =	sadd.s32 $0x41800, s0;
	s0 =	sadd.s32 $0x44000, s0;
	s21 =	smul.u32 $0x13800, s13  }
0x9: {  	s23 =	sshll.u32 s13, $0x6;
	s15 =	sadd.s32 $0x138000, s1;
	p0 =	sne.s32 s13, $0x0  }
0xa: {  	_ =	strace $0x80000050;
	s7 =	ssub.s32 $0x2, s5;
	s10 =	smul.u32 $0x138800, s5  }
0xb: {  	s5 =	sshll.u32 s5, $0x4;
	s15 =	sshrl.u32 @!p0 s15, $0x3;
	s9 =	sshrl.u32 s7, $0x1  }
0xc: {  	s11 =	sor.u32 s13, s5;
	s22 =	sshrl.u32 s8, $0x2;
	s5 =	sor.u32 $0x1C03, s23  }
0xd: {  	s23 =	simm.s32 $0x1A100;
	s9 =	ssub.s32 s7, s9;
	s14 =	sadd.s32 s22, s1  }
0xe: {  	s7 =	sadd.s32 s21, s10;
	s24 =	sshrl.u32 s10, $0x3;
	s25 =	smul.u32 $0x500, s11  }
0xf: {  	s21 =	simm.s32 $0x18100;
	s22 =	simm.s32 $0x13980;
	s7 =	sshrl.u32 s7, $0x3  }
0x10: {  	s8 =	smax.u32 s9, $0x1;
	s13 =	sshrl.u32 s14, $0x3;
	s14 =	simm.s32 $0x3  }
0x11: {  	s7 =	sadd.s32 s0, s7;
	s0 =	sadd.s32 s0, s24;
	s26 =	sadd.s32 $0x280, s25  }
0x12: {  	s9 =	sadd.s32 s20, s25;
	s10 =	sadd.s32 s6, s25;
	s24 =	simm.s32 $0x139C0  }
0x13: {  	s25 =	simm.s32 $0x1C100;
	[dreg:$0x3] =	wrdreg s7;
	s0 =	sadd.s32 $0x27000, s0  }
0x14: {  	s11 =	sadd.s32 s20, s26;
	s12 =	sadd.s32 s6, s26;
	s20 =	simm.s32 $0x13940  }
0x15: {  	s26 =	simm.s32 $0x1;
	[dreg:$0x4] =	wrdreg s0;
	s0 =	simm.s32 $0x0  }
.LBB2_1:
0x16: {  	[spmem:s13], [sflag:s5] =	dma.local [hbm:s4], $0x2700  }
0x17: {  	_ =	swait.ge [sflag:s14], $0x2700  }
0x18: {  	[sflag:s14] =	ssyncset.done $0x0  }
0x19: {  	s2 =	simm.s32 @!p0 $0x3;
	[sflag:s14] =	ssyncadd.s32 $0xFFFFD900  }
0x1a: {  	[spmem:s15], [sflag:s5] =	dma.local @!p0 [hbm:s4], $0x200  }
0x1b: {  	_ =	swait.ge @!p0 [sflag:s2], $0x200  }
0x1c: {  	[sflag:s2] =	ssyncset.done @!p0 $0x0  }
0x1d: {  	[sflag:s2] =	ssyncadd.s32 @!p0 $0xFFFFFE00  }
0x1e: {  	s6 =	simm.s32 $0x0;
	[bflag:$0x0] =	sbarrier.arrive $0xFFFF  }
0x1f: {  	[tilespmem:s16], [sflag:$0x3] =	stream.linear.gather [hbm4b:s9+s6], $0x1400, $0x38;
	[tilespmem:$0x1E100] =	vst v63  }
0x20: {  	_ =	swait.ge [sflag:s14], $0x1400  }
0x21: {  	[sflag:s14] =	ssyncset.done $0x0  }
0x22: {  	[sflag:s14] =	ssyncadd.s32 $0xFFFFEC00  }
0x23: {  	[tilespmem:s17], [sflag:$0x3] =	stream.linear.gather [hbm4b:s10+s6], $0x1400, $0x38;
	[tilespmem:$0x1E100] =	vst v63  }
0x24: {  	_ =	swait.ge [sflag:s14], $0x1400  }
0x25: {  	[sflag:s14] =	ssyncset.done $0x0  }
0x26: {  	[sflag:s14] =	ssyncadd.s32 $0xFFFFEC00  }
0x27: {  	[tilespmem:s19], [sflag:$0x1] =	stream.indirect.gather [hbm4b:s3+s18], $0x80, s16, s18, $0xb8;
	[tilespmem:$0x1E100] =	vst v63  }
0x28: {  	_ = 	snop  }
0x29: {  	[tilespmem:s21], [sflag:$0x1] =	stream.indirect.gather [hbm4b:s3+s18], $0x80, s20, s18, $0xb8;
	[tilespmem:$0x1E100] =	vst v63  }
0x2a: {  	_ = 	snop  }
0x2b: {  	[tilespmem:s23], [sflag:$0x2] =	stream.indirect.gather [hbm4b:s3+s18], $0x80, s22, s18, $0xb8;
	[tilespmem:$0x1E100] =	vst v63  }
0x2c: {  	_ = 	snop  }
0x2d: {  	[tilespmem:s25], [sflag:$0x2] =	stream.indirect.gather [hbm4b:s3+s18], $0x80, s24, s18, $0xb8;
	[tilespmem:$0x1E100] =	vst v63  }
0x2e: {  	_ =	swait.ge [sflag:s26], $0x4000  }
0x2f: {  	[sflag:s26] =	ssyncset.done $0x0  }
0x30: {  	s7 =	simm.s32 $0x14D00;
	[sflag:s26] =	ssyncadd.s32 $0xFFFFC000  }
0x31: {  	[spmem:s1] =	stream.indirect.scatter.add.f32 [tilespmem:s19], [sflag:$0x3], $0x80, s7, s28, $0xb8;
	[tilespmem:$0x1E100] =	vst v63  }
0x32: {  	_ =	swait.ge [sflag:s14], $0x4000  }
0x33: {  	[sflag:s14] =	ssyncset.done $0x0  }
0x34: {  	s6 =	simm.s32 $0x13A00;
	[sflag:s14] =	ssyncadd.s32 $0xFFFFC000  }
0x35: {  	[tilespmem:s19], [sflag:$0x1] =	stream.indirect.gather [hbm4b:s3+s18], $0x80, s6, s18, $0xb8;
	[tilespmem:$0x1E100] =	vst v63  }
0x36: {  	s7 =	simm.s32 $0x13A40  }
0x37: {  	[tilespmem:s21], [sflag:$0x1] =	stream.indirect.gather [hbm4b:s3+s18], $0x80, s7, s18, $0xb8;
	[tilespmem:$0x1E100] =	vst v63  }
0x38: {  	_ =	swait.ge [sflag:s29], $0x4000  }
0x39: {  	[sflag:s29] =	ssyncset.done $0x0  }
0x3a: {  	s6 =	simm.s32 $0x14D80;
	[sflag:s29] =	ssyncadd.s32 $0xFFFFC000  }
0x3b: {  	[spmem:s1] =	stream.indirect.scatter.add.f32 [tilespmem:s23], [sflag:$0x3], $0x80, s6, s28, $0xb8;
	[tilespmem:$0x1E100] =	vst v63  }
0x3c: {  	_ =	swait.ge [sflag:s14], $0x4000  }
0x3d: {  	s2 =	simm.s32 $0x400;
	[sflag:s14] =	ssyncset.done $0x0  }
0x3e: {  	s7 =	simm.s32 $0x13A80;
	s6 =	simm.s32 $0x13AC0;
	[sflag:s14] =	ssyncadd.s32 $0xFFFFC000  }
0x3f: {  	[tilespmem:s23], [sflag:$0x2] =	stream.indirect.gather [hbm4b:s3+s18], $0x80, s7, s18, $0xb8;
	[tilespmem:$0x1E100] =	vst v63  }
.LBB2_2:
0x40: {  	[tilespmem:s25], [sflag:$0x2] =	stream.indirect.gather [hbm4b:s3+s18], $0x80, s6, s18, $0xb8;
	[tilespmem:$0x1E100] =	vst v63  }
0x41: {  	s6 =	smov.u32 s2  }
0x42: {  	p1 =	sne.s32 s2, $0x4800;
	s2 =	sadd.s32 $0x400, s2;
	_ =	swait.ge [sflag:s26], $0x4000  }
0x43: {  	s6 =	sshra.s32 s6, $0x2;
	[sflag:s26] =	ssyncset.done $0x0  }
0x44: {  	s7 =	sadd.s32 $0x14D00, s6;
	[sflag:s26] =	ssyncadd.s32 $0xFFFFC000  }
0x45: {  	[spmem:s1] =	stream.indirect.scatter.add.f32 [tilespmem:s19], [sflag:$0x3], $0x80, s7, s28, $0xb8;
	[tilespmem:$0x1E100] =	vst v63  }
0x46: {  	_ =	swait.ge [sflag:s14], $0x4000  }
0x47: {  	[sflag:s14] =	ssyncset.done $0x0  }
0x48: {  	s7 =	sadd.s32 $0x13A00, s6;
	[sflag:s14] =	ssyncadd.s32 $0xFFFFC000  }
0x49: {  	[tilespmem:s19], [sflag:$0x1] =	stream.indirect.gather [hbm4b:s3+s18], $0x80, s7, s18, $0xb8;
	[tilespmem:$0x1E100] =	vst v63  }
0x4a: {  	s7 =	sadd.s32 $0x13A40, s6  }
0x4b: {  	[tilespmem:s21], [sflag:$0x1] =	stream.indirect.gather [hbm4b:s3+s18], $0x80, s7, s18, $0xb8;
	[tilespmem:$0x1E100] =	vst v63  }
0x4c: {  	_ =	swait.ge [sflag:s29], $0x4000  }
0x4d: {  	[sflag:s29] =	ssyncset.done $0x0  }
0x4e: {  	s7 =	sadd.s32 $0x14D80, s6;
	[sflag:s29] =	ssyncadd.s32 $0xFFFFC000  }
0x4f: {  	[spmem:s1] =	stream.indirect.scatter.add.f32 [tilespmem:s23], [sflag:$0x3], $0x80, s7, s28, $0xb8;
	[tilespmem:$0x1E100] =	vst v63  }
.Ltmp0:
0x50: {  	_ =	swait.ge [sflag:s14], $0x4000;
	(pc) =	sbr.rel @p1 .LBB2_2-.Ltmp0, $4  }
0x51: {  	[sflag:s14] =	ssyncset.done $0x0  }
0x52: {  	s7 =	sadd.s32 $0x13A80, s6;
	[sflag:s14] =	ssyncadd.s32 $0xFFFFC000  }
0x53: {  	[tilespmem:s23], [sflag:$0x2] =	stream.indirect.gather [hbm4b:s3+s18], $0x80, s7, s18, $0xb8;
	[tilespmem:$0x1E100] =	vst v63  }
0x54: {  	s6 =	sadd.s32 $0x13AC0, s6  }
0x55: {  	[tilespmem:s25], [sflag:$0x2] =	stream.indirect.gather [hbm4b:s3+s18], $0x80, s6, s18, $0xb8;
	[tilespmem:$0x1E100] =	vst v63  }
0x56: {  	_ =	swait.ge [sflag:s26], $0x4000  }
0x57: {  	[sflag:s26] =	ssyncset.done $0x0  }
0x58: {  	[sflag:s26] =	ssyncadd.s32 $0xFFFFC000  }
0x59: {  	[spmem:s1] =	stream.indirect.scatter.add.f32 [tilespmem:s19], [sflag:$0x3], $0x80, s30, s28, $0xb8;
	[tilespmem:$0x1E100] =	vst v63  }
0x5a: {  	_ =	swait.ge [sflag:s14], $0x4000  }
0x5b: {  	[sflag:s14] =	ssyncset.done $0x0  }
0x5c: {  	[sflag:s14] =	ssyncadd.s32 $0xFFFFC000  }
0x5d: {  	_ =	swait.ge [sflag:s29], $0x4000  }
0x5e: {  	[sflag:s29] =	ssyncset.done $0x0  }
0x5f: {  	[sflag:s29] =	ssyncadd.s32 $0xFFFFC000  }
0x60: {  	[spmem:s1] =	stream.indirect.scatter.add.f32 [tilespmem:s23], [sflag:$0x3], $0x80, s31, s28, $0xb8;
	[tilespmem:$0x1E100] =	vst v63  }
0x61: {  	_ =	swait.ge [sflag:s14], $0x4000  }
0x62: {  	[sflag:s14] =	ssyncset.done $0x0  }
0x63: {  	s2 =	simm.s32 $0x0;
	[sflag:s14] =	ssyncadd.s32 $0xFFFFC000  }
0x64: {  	[tilespmem:s16], [sflag:$0x3] =	stream.linear.gather [hbm4b:s11+s2], $0x1400, $0x38;
	[tilespmem:$0x1E100] =	vst v63  }
0x65: {  	_ =	swait.ge [sflag:s14], $0x1400  }
0x66: {  	[sflag:s14] =	ssyncset.done $0x0  }
0x67: {  	[sflag:s14] =	ssyncadd.s32 $0xFFFFEC00  }
0x68: {  	[tilespmem:s17], [sflag:$0x3] =	stream.linear.gather [hbm4b:s12+s2], $0x1400, $0x38;
	[tilespmem:$0x1E100] =	vst v63  }
0x69: {  	_ =	swait.ge [sflag:s14], $0x1400  }
0x6a: {  	[sflag:s14] =	ssyncset.done $0x0  }
0x6b: {  	[sflag:s14] =	ssyncadd.s32 $0xFFFFEC00  }
0x6c: {  	[tilespmem:s19], [sflag:$0x1] =	stream.indirect.gather [hbm4b:s3+s18], $0x80, s16, s18, $0xb8;
	[tilespmem:$0x1E100] =	vst v63  }
0x6d: {  	_ = 	snop  }
0x6e: {  	[tilespmem:s21], [sflag:$0x1] =	stream.indirect.gather [hbm4b:s3+s18], $0x80, s20, s18, $0xb8;
	[tilespmem:$0x1E100] =	vst v63  }
0x6f: {  	_ = 	snop  }
0x70: {  	[tilespmem:s23], [sflag:$0x2] =	stream.indirect.gather [hbm4b:s3+s18], $0x80, s22, s18, $0xb8;
	[tilespmem:$0x1E100] =	vst v63  }
0x71: {  	_ = 	snop  }
0x72: {  	[tilespmem:s25], [sflag:$0x2] =	stream.indirect.gather [hbm4b:s3+s18], $0x80, s24, s18, $0xb8;
	[tilespmem:$0x1E100] =	vst v63  }
0x73: {  	_ =	swait.ge [sflag:s26], $0x4000  }
0x74: {  	[sflag:s26] =	ssyncset.done $0x0  }
0x75: {  	s7 =	simm.s32 $0x14D00;
	[sflag:s26] =	ssyncadd.s32 $0xFFFFC000  }
0x76: {  	[spmem:s1] =	stream.indirect.scatter.add.f32 [tilespmem:s19], [sflag:$0x3], $0x80, s7, s28, $0xb8;
	[tilespmem:$0x1E100] =	vst v63  }
0x77: {  	_ =	swait.ge [sflag:s14], $0x4000  }
0x78: {  	[sflag:s14] =	ssyncset.done $0x0  }
0x79: {  	s6 =	simm.s32 $0x13A00;
	[sflag:s14] =	ssyncadd.s32 $0xFFFFC000  }
0x7a: {  	[tilespmem:s19], [sflag:$0x1] =	stream.indirect.gather [hbm4b:s3+s18], $0x80, s6, s18, $0xb8;
	[tilespmem:$0x1E100] =	vst v63  }
0x7b: {  	s7 =	simm.s32 $0x13A40  }
0x7c: {  	[tilespmem:s21], [sflag:$0x1] =	stream.indirect.gather [hbm4b:s3+s18], $0x80, s7, s18, $0xb8;
	[tilespmem:$0x1E100] =	vst v63  }
0x7d: {  	_ =	swait.ge [sflag:s29], $0x4000  }
0x7e: {  	[sflag:s29] =	ssyncset.done $0x0  }
0x7f: {  	s6 =	simm.s32 $0x14D80;
	[sflag:s29] =	ssyncadd.s32 $0xFFFFC000  }
0x80: {  	[spmem:s1] =	stream.indirect.scatter.add.f32 [tilespmem:s23], [sflag:$0x3], $0x80, s6, s28, $0xb8;
	[tilespmem:$0x1E100] =	vst v63  }
0x81: {  	_ =	swait.ge [sflag:s14], $0x4000  }
0x82: {  	s2 =	simm.s32 $0x400;
	[sflag:s14] =	ssyncset.done $0x0  }
0x83: {  	s7 =	simm.s32 $0x13A80;
	s6 =	simm.s32 $0x13AC0;
	[sflag:s14] =	ssyncadd.s32 $0xFFFFC000  }
0x84: {  	[tilespmem:s23], [sflag:$0x2] =	stream.indirect.gather [hbm4b:s3+s18], $0x80, s7, s18, $0xb8;
	[tilespmem:$0x1E100] =	vst v63  }
.LBB2_4:
0x85: {  	[tilespmem:s25], [sflag:$0x2] =	stream.indirect.gather [hbm4b:s3+s18], $0x80, s6, s18, $0xb8;
	[tilespmem:$0x1E100] =	vst v63  }
0x86: {  	s6 =	smov.u32 s2  }
0x87: {  	p1 =	sne.s32 s2, $0x4800;
	s2 =	sadd.s32 $0x400, s2;
	_ =	swait.ge [sflag:s26], $0x4000  }
0x88: {  	s6 =	sshra.s32 s6, $0x2;
	[sflag:s26] =	ssyncset.done $0x0  }
0x89: {  	s7 =	sadd.s32 $0x14D00, s6;
	[sflag:s26] =	ssyncadd.s32 $0xFFFFC000  }
0x8a: {  	[spmem:s1] =	stream.indirect.scatter.add.f32 [tilespmem:s19], [sflag:$0x3], $0x80, s7, s28, $0xb8;
	[tilespmem:$0x1E100] =	vst v63  }
0x8b: {  	_ =	swait.ge [sflag:s14], $0x4000  }
0x8c: {  	[sflag:s14] =	ssyncset.done $0x0  }
0x8d: {  	s7 =	sadd.s32 $0x13A00, s6;
	[sflag:s14] =	ssyncadd.s32 $0xFFFFC000  }
0x8e: {  	[tilespmem:s19], [sflag:$0x1] =	stream.indirect.gather [hbm4b:s3+s18], $0x80, s7, s18, $0xb8;
	[tilespmem:$0x1E100] =	vst v63  }
0x8f: {  	s7 =	sadd.s32 $0x13A40, s6  }
0x90: {  	[tilespmem:s21], [sflag:$0x1] =	stream.indirect.gather [hbm4b:s3+s18], $0x80, s7, s18, $0xb8;
	[tilespmem:$0x1E100] =	vst v63  }
0x91: {  	_ =	swait.ge [sflag:s29], $0x4000  }
0x92: {  	[sflag:s29] =	ssyncset.done $0x0  }
0x93: {  	s7 =	sadd.s32 $0x14D80, s6;
	[sflag:s29] =	ssyncadd.s32 $0xFFFFC000  }
0x94: {  	[spmem:s1] =	stream.indirect.scatter.add.f32 [tilespmem:s23], [sflag:$0x3], $0x80, s7, s28, $0xb8;
	[tilespmem:$0x1E100] =	vst v63  }
.Ltmp1:
0x95: {  	_ =	swait.ge [sflag:s14], $0x4000;
	(pc) =	sbr.rel @p1 .LBB2_4-.Ltmp1, $4  }
0x96: {  	[sflag:s14] =	ssyncset.done $0x0  }
0x97: {  	s7 =	sadd.s32 $0x13A80, s6;
	[sflag:s14] =	ssyncadd.s32 $0xFFFFC000  }
0x98: {  	[tilespmem:s23], [sflag:$0x2] =	stream.indirect.gather [hbm4b:s3+s18], $0x80, s7, s18, $0xb8;
	[tilespmem:$0x1E100] =	vst v63  }
0x99: {  	s6 =	sadd.s32 $0x13AC0, s6  }
0x9a: {  	[tilespmem:s25], [sflag:$0x2] =	stream.indirect.gather [hbm4b:s3+s18], $0x80, s6, s18, $0xb8;
	[tilespmem:$0x1E100] =	vst v63  }
0x9b: {  	_ =	swait.ge [sflag:s26], $0x4000  }
0x9c: {  	[sflag:s26] =	ssyncset.done $0x0  }
0x9d: {  	[sflag:s26] =	ssyncadd.s32 $0xFFFFC000  }
0x9e: {  	[spmem:s1] =	stream.indirect.scatter.add.f32 [tilespmem:s19], [sflag:$0x3], $0x80, s30, s28, $0xb8;
	[tilespmem:$0x1E100] =	vst v63  }
0x9f: {  	_ =	swait.ge [sflag:s14], $0x4000  }
0xa0: {  	[sflag:s14] =	ssyncset.done $0x0  }
0xa1: {  	[sflag:s14] =	ssyncadd.s32 $0xFFFFC000  }
0xa2: {  	_ =	swait.ge [sflag:s29], $0x4000  }
0xa3: {  	[sflag:s29] =	ssyncset.done $0x0  }
0xa4: {  	[sflag:s29] =	ssyncadd.s32 $0xFFFFC000  }
0xa5: {  	[spmem:s1] =	stream.indirect.scatter.add.f32 [tilespmem:s23], [sflag:$0x3], $0x80, s31, s28, $0xb8;
	[tilespmem:$0x1E100] =	vst v63  }
0xa6: {  	_ =	swait.ge [sflag:s14], $0x4000  }
0xa7: {  	[sflag:s14] =	ssyncset.done $0x0  }
0xa8: {  	[sflag:s14] =	ssyncadd.s32 $0xFFFFC000  }
0xa9: {  	[bflag:$0x0] =	sbarrier.arrive $0xFFFF  }
0xaa: {  	s2 =	rddreg [dreg:$0x3]  }
0xab: {  	[hbm:s2], [sflag:s5] =	dma.local [spmem:s13], $0x2700  }
0xac: {  	_ =	swait.ge [sflag:s14], $0x2700  }
0xad: {  	s0 =	sadd.s32 $0x1, s0;
	[sflag:s14] =	ssyncset.done $0x0  }
0xae: {  	p1 =	sne.s32 s0, s8;
	s2 =	rddreg [dreg:$0x4];
	[sflag:s14] =	ssyncadd.s32 $0xFFFFD900  }
0xaf: {  	[hbm:s2], [sflag:s5] =	dma.local @!p0 [spmem:s15], $0x100  }
.Ltmp2:
0xb0: {  	_ = 	snop;
	(pc) =	sbr.rel @p1 .LBB2_1-.Ltmp2, $4  }
0xb1: {  	s2 =	simm.s32 @!p0 $0x3  }
0xb2: {  	_ =	swait.ge @!p0 [sflag:s2], $0x100  }
0xb3: {  	[sflag:s2] =	ssyncset.done @!p0 $0x0  }
0xb4: {  	[sflag:s2] =	ssyncadd.s32 @!p0 $0xFFFFFF00  }
0xb5: {  	_ =	sfence.sel $0x180000  }
0xb6: {  	[bflag:$0x0] =	sbarrier.arrive $0xFFFF  }
0xb7: {  	_ =	strace $0x90000050  }
0xb8: {  	[bflag:$0x2] =	sbarrier.arrive $0xFFFF  }
0xb9: {  	s0 =	rddreg [dreg:$0x2]  }
0xba: {  	s0 =	sadd.s32 @!p0 $0x100000, s0  }
0xbb: {  	[sflag:s0] =	ssyncadd.tile.s32 @!p0 $0x1;
	_ =	shalt  }
.Lfunc_end2:
_tile_overlayer_lowered:
.L_overlay_start_2:
0xbc: {  	(tag) =	ssettag $0x2  }
0xbd: {  	s0 =	rddreg [dreg:$0x0];
	s2 =	stileid.u32  }
0xbe: {  	s1 =	rddreg [dreg:$0x1];
	p0 =	sne.s32 s2, $0x0  }
0xbf: {  	s3 =	rddreg [dreg:$0x2];
	[bflag:$0x3] =	sbarrier.arrive $0xFFFF;
	s2 =	simm.s32 @!p0 $0x1C03  }
0xc0: {  	[timem:s3], [sflag:s2] =	dma.local @!p0 [hbm:s0], s1  }
0xc1: {  	s0 =	simm.s32 @!p0 $0x3  }
0xc2: {  	_ =	swait.ge @!p0 [sflag:s0], s1  }
0xc3: {  	s1 =	ssub.s32 @!p0 $0x0, s1;
	[sflag:s0] =	ssyncset.done @!p0 $0x0  }
0xc4: {  	[sflag:s0] =	ssyncadd.s32 @!p0 s1  }
0xc5: {  	[bflag:$0x3] =	sbarrier.arrive $0xFFFF  }
0xc6: {  	_ =	shalt  }

</sc_bundles>
